<compile_context>
chip_gen: v7x
topology: tpu7x:2x2x1
jax: 0.10.2.dev20260603
libtpu: 0.0.44.dev20260713+nightly
codegen_flags: <defaults>
</compile_context>

<pallas_src>
import jax
import jax.numpy as jnp
from jax import lax
from jax.experimental import pallas as pl
from jax.experimental.pallas import tpu as pltpu
from jax.experimental.pallas import tpu_sc as plsc

N = 10000
E = 320000
C = 128
B = 1024
OUT = 1
TDIM = 16
CP = C + 16
NC, NS = 2, 16
EPS = E // (NC * NS)
K = 40
NB = 2
RB = 1000
HDN = N
HDB = B + 16



def _seg_kernel(jobs):
    n = len(jobs)
    mesh = plsc.VectorSubcoreMesh(core_axis_name="c", subcore_axis_name="s")
    out_type = tuple(
        jax.ShapeDtypeStruct((NC, hd, CP), jnp.float32) for _, hd in jobs
    )
    scratch = [
        pltpu.VMEM((EPS,), jnp.int32),
        pltpu.VMEM((EPS,), jnp.int32),
    ] + [pltpu.VMEM((K, CP), jnp.float32) for _ in range(NB)] \
      + [pltpu.SemaphoreType.DMA for _ in range(NB)] \
      + [pltpu.VMEM_SHARED((hd, CP), jnp.float32) for _, hd in jobs]

    def body(*refs):
        tables = refs[:n]
        srcs = refs[n:2 * n]
        dlocs = refs[2 * n:3 * n]
        outs = refs[3 * n:4 * n]
        srcv, dstv = refs[4 * n:4 * n + 2]
        rows = refs[4 * n + 2:4 * n + 2 + NB]
        sems = refs[4 * n + 2 + NB:4 * n + 2 + 2 * NB]
        accs = refs[4 * n + 2 + 2 * NB:]
        rows0 = rows[0]

        c = lax.axis_index("c")
        s = lax.axis_index("s")

        zz = jnp.zeros((16,), jnp.float32)

        def zfill(r, carry):
            for t in range(CP // 16):
                rows0[r, pl.ds(t * 16, 16)] = zz
            return carry
        lax.fori_loop(0, K, zfill, 0)
        for j, (_, hd) in enumerate(jobs):
            spt = hd // NS
            for z0 in range(0, spt, K):
                ln = min(K, spt - z0)
                pltpu.sync_copy(rows0.at[pl.ds(0, ln)],
                                accs[j].at[pl.ds(s * spt + z0, ln)])
        plsc.subcore_barrier()

        for j, (h, hd) in enumerate(jobs):
            pltpu.sync_copy(srcs[j].at[c].at[s], srcv)
            pltpu.sync_copy(dlocs[j].at[c].at[s], dstv)

            def gs(g, carry, j=j):
                def sl(b):
                    return pl.ds(g * NB * K + b * K, K)
                cp = pltpu.async_copy(tables[j].at[srcv.at[sl(0)]],
                                      rows[0], sems[0])
                for b in range(NB):
                    cp.wait()
                    if b + 1 < NB:
                        cp = pltpu.async_copy(
                            tables[j].at[srcv.at[sl(b + 1)]],
                            rows[b + 1], sems[b + 1])
                    pltpu.sync_copy(rows[b], accs[j].at[dstv.at[sl(b)]],
                                    add=True)
                return carry
            lax.fori_loop(0, EPS // (NB * K), gs, 0)
        plsc.subcore_barrier()

        for j, (_, hd) in enumerate(jobs):
            spt = hd // NS
            sl = pl.ds(s * spt, spt)
            pltpu.sync_copy(accs[j].at[sl], outs[j].at[c].at[sl])

    return pl.kernel(
        body, out_type=out_type, mesh=mesh, scratch_types=scratch,
        compiler_params=pltpu.CompilerParams(use_tc_tiling_on_sc=False))


_sc1 = _seg_kernel(((N, HDN), (B, HDB)))
_sc2 = _seg_kernel(((B, HDB),))



def _tc1_body(xu, xi, tu, ti, bu, bi, st, fr,
              Weu, beu, Wei, bei, Wt, bt, hu_o, hi_o):
    for x, t, b, We, be, out in ((xu, tu, bu, Weu, beu, hu_o),
                                 (xi, ti, bi, Wei, bei, hi_o)):
        eq = b[...] == lax.broadcasted_iota(jnp.int32, (RB, B), 1)
        rel = (jnp.sum(jnp.where(eq, st[...], 0.0), axis=1, keepdims=True)
               - t[...].astype(jnp.float32))
        pe = jnp.sin(rel * fr[...])
        out[...] = (jnp.maximum(x[...] @ We[...] + be[...], 0.0)
                    + pe @ Wt[...] + bt[...])


_tc1 = pl.pallas_call(
    _tc1_body,
    grid=(N // RB,),
    in_specs=[
        pl.BlockSpec((RB, C), lambda i: (i, 0)),
        pl.BlockSpec((RB, C), lambda i: (i, 0)),
        pl.BlockSpec((RB, 1), lambda i: (i, 0)),
        pl.BlockSpec((RB, 1), lambda i: (i, 0)),
        pl.BlockSpec((RB, 1), lambda i: (i, 0)),
        pl.BlockSpec((RB, 1), lambda i: (i, 0)),
        pl.BlockSpec((1, B), lambda i: (0, 0)),
        pl.BlockSpec((1, TDIM), lambda i: (0, 0)),
        pl.BlockSpec((C, CP), lambda i: (0, 0)),
        pl.BlockSpec((1, CP), lambda i: (0, 0)),
        pl.BlockSpec((C, CP), lambda i: (0, 0)),
        pl.BlockSpec((1, CP), lambda i: (0, 0)),
        pl.BlockSpec((TDIM, CP), lambda i: (0, 0)),
        pl.BlockSpec((1, CP), lambda i: (0, 0)),
    ],
    out_specs=[pl.BlockSpec((RB, CP), lambda i: (i, 0))] * 2,
    out_shape=[jax.ShapeDtypeStruct((N, CP), jnp.float32)] * 2,
)


def _tc2_body(hi, acci, Wr, Wn, colb, out):
    a = acci[...]
    ssum = a[0] + a[1]
    recip = 1.0 / jnp.maximum(ssum[:, C:C + 1], 1.0)
    mean = ssum * recip
    out[...] = jnp.maximum(hi[...] @ Wr[...] + mean @ Wn[...] + colb[...], 0.0)


_tc2 = pl.pallas_call(
    _tc2_body,
    grid=(N // RB,),
    in_specs=[
        pl.BlockSpec((RB, CP), lambda i: (i, 0)),
        pl.BlockSpec((NC, RB, CP), lambda i: (0, i, 0)),
        pl.BlockSpec((CP, CP), lambda i: (0, 0)),
        pl.BlockSpec((CP, CP), lambda i: (0, 0)),
        pl.BlockSpec((1, CP), lambda i: (0, 0)),
    ],
    out_specs=pl.BlockSpec((RB, CP), lambda i: (i, 0)),
    out_shape=jax.ShapeDtypeStruct((N, CP), jnp.float32),
)


def _tc3_body(hu, accu, accu2, Wr1, Wn1, Wr2, Wn2, gam, bet, Wh, bh, out):
    au = accu[...]
    a1 = au[0, :B] + au[1, :B]
    mu1 = a1 * (1.0 / jnp.maximum(a1[:, C:C + 1], 1.0))
    nh_u = jnp.maximum(hu[...] @ Wr1[...] + mu1 @ Wn1[...], 0.0)
    av = accu2[...]
    a2 = av[0, :B] + av[1, :B]
    mu2 = a2 * (1.0 / jnp.maximum(a2[:, C:C + 1], 1.0))
    ou = nh_u @ Wr2[...] + mu2 @ Wn2[...]
    m = jnp.mean(ou, axis=0, keepdims=True)
    v = jnp.mean((ou - m) ** 2, axis=0, keepdims=True)
    xn = (ou - m) / jnp.sqrt(v + 1e-5)
    out[...] = (xn * gam[...] + bet[...]) @ Wh[...] + bh[...]


_tc3 = pl.pallas_call(
    _tc3_body,
    grid=(1,),
    in_specs=[
        pl.BlockSpec((B, CP), lambda i: (0, 0)),
        pl.BlockSpec((NC, HDB, CP), lambda i: (0, 0, 0)),
        pl.BlockSpec((NC, HDB, CP), lambda i: (0, 0, 0)),
        pl.BlockSpec((CP, C), lambda i: (0, 0)),
        pl.BlockSpec((CP, C), lambda i: (0, 0)),
        pl.BlockSpec((C, C), lambda i: (0, 0)),
        pl.BlockSpec((CP, C), lambda i: (0, 0)),
        pl.BlockSpec((1, C), lambda i: (0, 0)),
        pl.BlockSpec((1, C), lambda i: (0, 0)),
        pl.BlockSpec((C, OUT), lambda i: (0, 0)),
        pl.BlockSpec((1, OUT), lambda i: (0, 0)),
    ],
    out_specs=pl.BlockSpec((B, OUT), lambda i: (0, 0)),
    out_shape=jax.ShapeDtypeStruct((B, OUT), jnp.float32),
)



def _pad_out(w):
    return jnp.zeros((w.shape[0], CP), jnp.float32).at[:, :C].set(w)


def _pad_rows(w):
    return jnp.zeros((CP, w.shape[1]), jnp.float32).at[:C, :].set(w)


def kernel(x_user, x_item, edge_index_u2i, edge_index_i2u, time_user,
           time_item, seed_time, batch_user, batch_item, W_enc_user,
           b_enc_user, W_enc_item, b_enc_item, W_time, b_time, W_root_u1,
           W_nbr_u1, W_root_i1, W_nbr_i1, W_root_u2, W_nbr_u2, W_root_i2,
           W_nbr_i2, gamma, beta, W_head, b_head):
    del W_root_i2, W_nbr_i2
    f32 = jnp.float32
    freqs = (1.0 / (10000.0 ** (jnp.arange(TDIM, dtype=f32) / TDIM)))
    ones_col = jnp.zeros((1, CP), f32).at[0, C].set(1.0)

    hu, hi = _tc1(
        x_user, x_item,
        time_user.reshape(N, 1), time_item.reshape(N, 1),
        batch_user.reshape(N, 1), batch_item.reshape(N, 1),
        seed_time.astype(f32).reshape(1, B), freqs.reshape(1, TDIM),
        _pad_out(W_enc_user), _pad_out(b_enc_user.reshape(1, C)) + ones_col,
        _pad_out(W_enc_item), _pad_out(b_enc_item.reshape(1, C)) + ones_col,
        _pad_out(W_time), _pad_out(b_time.reshape(1, C)),
    )

    def _redirect(dst, h):
        dl = dst.reshape(NC, NS, EPS)
        dummy = h + jnp.arange(NS, dtype=jnp.int32)[None, :, None]
        return jnp.where(dl < h, dl, dummy)

    su2i = edge_index_u2i[0].reshape(NC, NS, EPS)
    si2u = edge_index_i2u[0].reshape(NC, NS, EPS)
    du2i = edge_index_u2i[1].reshape(NC, NS, EPS)
    di2u = _redirect(edge_index_i2u[1], B)

    acc_i, acc_u = _sc1(hu, hi, su2i, si2u, du2i, di2u)

    nhi = _tc2(hi, acc_i, _pad_rows(_pad_out(W_root_i1)),
               _pad_rows(_pad_out(W_nbr_i1)), ones_col)

    acc_u2 = _sc2(nhi, si2u, di2u)
    if isinstance(acc_u2, (tuple, list)):
        (acc_u2,) = acc_u2

    return _tc3(hu, acc_u, acc_u2,
                _pad_rows(W_root_u1), _pad_rows(W_nbr_u1),
                W_root_u2, _pad_rows(W_nbr_u2),
                gamma.reshape(1, C), beta.reshape(1, C),
                W_head, b_head.reshape(1, OUT))

# --- scband reference (transcript-rebuilt; emitter-appended) ---
"""Pipeline reference for scband-hetero-sagemodel-87033217286398 (READ-ONLY COPY).

The authoritative reference and input builder live on the scoring server;
editing this copy changes nothing except your own understanding.
"""

import jax, jax.numpy as jnp
import numpy as np

N = 10000
E = 320000
C = 128
B = 1024
OUT = 1
TDIM = 16


def _seg_mean(feat, idx, num):
    s = jax.ops.segment_sum(feat, idx, num_segments=num)
    c = jax.ops.segment_sum(jnp.ones((idx.shape[0], 1), jnp.float32), idx, num_segments=num)
    return s / jnp.maximum(c, 1.0)


def setup_inputs(seed: int = 0):
    key = jax.random.key(seed)
    ks = jax.random.split(key, 40)

    def p(i, shp):
        return jax.random.normal(ks[i], shp, dtype=jnp.float32) * 0.05

    inp = {}
    inp["x_user"] = jax.random.normal(ks[0], (N, C), dtype=jnp.float32)
    inp["x_item"] = jax.random.normal(ks[1], (N, C), dtype=jnp.float32)
    inp["edge_index_u2i"] = jax.random.randint(ks[2], (2, E), 0, N, dtype=jnp.int32)
    inp["edge_index_i2u"] = jax.random.randint(ks[3], (2, E), 0, N, dtype=jnp.int32)
    inp["time_user"] = jax.random.randint(ks[4], (N,), 0, 100000, dtype=jnp.int32)
    inp["time_item"] = jax.random.randint(ks[5], (N,), 0, 100000, dtype=jnp.int32)
    inp["seed_time"] = jax.random.randint(ks[6], (B,), 0, 100000, dtype=jnp.int32)
    inp["batch_user"] = jnp.sort(jax.random.randint(ks[7], (N,), 0, B, dtype=jnp.int32))
    inp["batch_item"] = jnp.sort(jax.random.randint(ks[8], (N,), 0, B, dtype=jnp.int32))
    # tabular encoder (per node type)
    inp["W_enc_user"] = p(9, (C, C)); inp["b_enc_user"] = jnp.zeros((C,), jnp.float32)
    inp["W_enc_item"] = p(10, (C, C)); inp["b_enc_item"] = jnp.zeros((C,), jnp.float32)
    # temporal encoder
    inp["W_time"] = p(11, (TDIM, C)); inp["b_time"] = jnp.zeros((C,), jnp.float32)
    # hetero SAGE layer 1
    inp["W_root_u1"] = p(12, (C, C)); inp["W_nbr_u1"] = p(13, (C, C))
    inp["W_root_i1"] = p(14, (C, C)); inp["W_nbr_i1"] = p(15, (C, C))
    # hetero SAGE layer 2
    inp["W_root_u2"] = p(16, (C, C)); inp["W_nbr_u2"] = p(17, (C, C))
    inp["W_root_i2"] = p(18, (C, C)); inp["W_nbr_i2"] = p(19, (C, C))
    # head
    inp["gamma"] = jnp.ones((C,), jnp.float32); inp["beta"] = jnp.zeros((C,), jnp.float32)
    inp["W_head"] = p(20, (C, OUT)); inp["b_head"] = jnp.zeros((OUT,), jnp.float32)
    return inp


def reference(x_user, x_item, edge_index_u2i, edge_index_i2u, time_user, time_item,
              seed_time, batch_user, batch_item,
              W_enc_user, b_enc_user, W_enc_item, b_enc_item,
              W_time, b_time,
              W_root_u1, W_nbr_u1, W_root_i1, W_nbr_i1,
              W_root_u2, W_nbr_u2, W_root_i2, W_nbr_i2,
              gamma, beta, W_head, b_head):
    # tabular encoder (ResNet-style encoder approximated by linear+relu per type)
    h_u = jax.nn.relu(x_user @ W_enc_user + b_enc_user)
    h_i = jax.nn.relu(x_item @ W_enc_item + b_enc_item)
    # temporal encoder: rel_time = seed_time[batch] - node_time, sinusoidal PE + linear
    freqs = 1.0 / (10000.0 ** (jnp.arange(TDIM, dtype=jnp.float32) / TDIM))
    rel_u = (seed_time[batch_user] - time_user).astype(jnp.float32)
    rel_i = (seed_time[batch_item] - time_item).astype(jnp.float32)
    pe_u = jnp.sin(rel_u[:, None] * freqs[None, :])
    pe_i = jnp.sin(rel_i[:, None] * freqs[None, :])
    h_u = h_u + pe_u @ W_time + b_time
    h_i = h_i + pe_i @ W_time + b_time
    # hetero GraphSAGE layer 1 (mean aggregation per edge type)
    agg_u = _seg_mean(h_i[edge_index_i2u[0]], edge_index_i2u[1], N)
    agg_i = _seg_mean(h_u[edge_index_u2i[0]], edge_index_u2i[1], N)
    nh_u = jax.nn.relu(h_u @ W_root_u1 + agg_u @ W_nbr_u1)
    nh_i = jax.nn.relu(h_i @ W_root_i1 + agg_i @ W_nbr_i1)
    # hetero GraphSAGE layer 2 (no activation on last layer)
    agg_u2 = _seg_mean(nh_i[edge_index_i2u[0]], edge_index_i2u[1], N)
    agg_i2 = _seg_mean(nh_u[edge_index_u2i[0]], edge_index_u2i[1], N)
    out_u = nh_u @ W_root_u2 + agg_u2 @ W_nbr_u2
    out_i = nh_i @ W_root_i2 + agg_i2 @ W_nbr_i2
    del out_i
    # head: batch-norm style normalization + linear on seed rows of entity table
    x = out_u[:B]
    mu = jnp.mean(x, axis=0, keepdims=True)
    var = jnp.var(x, axis=0, keepdims=True)
    xn = (x - mu) / jnp.sqrt(var + 1e-5)
    return (xn * gamma + beta) @ W_head + b_head

if __name__ == "__main__":
    import jax
    _d = setup_inputs()
    print(jax.jit(kernel)(*tuple(_d.values())))

</pallas_src>

<mosaic_0001>
#map = affine_map<(d0, d1) -> (0, 0)>
#map1 = affine_map<(d0, d1) -> (0, 0, 0)>
module attributes {stable_mosaic.version = 14 : i64} {
  func.func @body(%arg0: i32, %arg1: i32, %arg2: memref<10000x144xf32, #tpu.memory_space<hbm>>, %arg3: memref<2x16x10000xi32, #tpu.memory_space<hbm>>, %arg4: memref<2x16x10000xi32, #tpu.memory_space<hbm>>, %arg5: memref<2x1040x144xf32, #tpu.memory_space<hbm>>, %arg6: memref<10000xi32, #tpu.memory_space<vmem>>, %arg7: memref<10000xi32, #tpu.memory_space<vmem>>, %arg8: memref<40x144xf32, #tpu.memory_space<vmem>>, %arg9: memref<40x144xf32, #tpu.memory_space<vmem>>, %arg10: memref<!tpu.dma_semaphore, #tpu.memory_space<semaphore_mem>>, %arg11: memref<!tpu.dma_semaphore, #tpu.memory_space<semaphore_mem>>, %arg12: memref<1040x144xf32, #tpu.memory_space<vmem_shared>>) attributes {dimension_semantics = [#tpu.dimension_semantics<core_parallel>, #tpu.dimension_semantics<subcore_parallel>], iteration_bounds = array<i64: 2, 16>, scalar_prefetch = 0 : i64, scratch_operands = 7 : i64, tpu.core_type = #tpu.core_type<sc_vector_subcore>, window_params = [{transform_indices = #map}, {transform_indices = #map1}, {transform_indices = #map1}, {transform_indices = #map1}]} {
    %broadcast_in_dim3A = arith.constant 0.000000e+00 : f32
    %broadcast_in_dim3A_0 = vector.broadcast %broadcast_in_dim3A : f32 to vector<16xf32>
    %scan3A = arith.constant 0 : i32
    %scan3A_1 = arith.constant 0 : i32
    %scan3A_2 = arith.constant 40 : i32
    %scan3A_3 = arith.addi %scan3A_1, %scan3A_2 : i32
    %scan3A_4 = arith.constant 1 : i32
    scf.for %scan3A_21 = %scan3A_1 to %scan3A_3 step %scan3A_4  : i32 {
      %swap3A = arith.index_cast %scan3A_21 : i32 to index
      %swap3A_22 = arith.constant 0 : index
      %swap3A_23 = tpu.vector_load %arg8[%swap3A, %swap3A_22] {strides = array<i32>} : memref<40x144xf32, #tpu.memory_space<vmem>>, vector<1x16xf32>,
      %swap3A_24 = vector.shape_cast %swap3A_23 : vector<1x16xf32> to vector<16xf32>
      %swap3A_25 = vector.shape_cast %broadcast_in_dim3A_0 : vector<16xf32> to vector<1x16xf32>
      tpu.vector_store %arg8[%swap3A, %swap3A_22], %swap3A_25 {strides = array<i32>} : memref<40x144xf32, #tpu.memory_space<vmem>>, vector<1x16xf32>,
      %swap3A_26 = arith.index_cast %scan3A_21 : i32 to index
      %swap3A_27 = arith.constant 16 : index
      %swap3A_28 = tpu.vector_load %arg8[%swap3A_26, %swap3A_27] {strides = array<i32>} : memref<40x144xf32, #tpu.memory_space<vmem>>, vector<1x16xf32>,
      %swap3A_29 = vector.shape_cast %swap3A_28 : vector<1x16xf32> to vector<16xf32>
      %swap3A_30 = vector.shape_cast %broadcast_in_dim3A_0 : vector<16xf32> to vector<1x16xf32>
      tpu.vector_store %arg8[%swap3A_26, %swap3A_27], %swap3A_30 {strides = array<i32>} : memref<40x144xf32, #tpu.memory_space<vmem>>, vector<1x16xf32>,
      %swap3A_31 = arith.index_cast %scan3A_21 : i32 to index
      %swap3A_32 = arith.constant 32 : index
      %swap3A_33 = tpu.vector_load %arg8[%swap3A_31, %swap3A_32] {strides = array<i32>} : memref<40x144xf32, #tpu.memory_space<vmem>>, vector<1x16xf32>,
      %swap3A_34 = vector.shape_cast %swap3A_33 : vector<1x16xf32> to vector<16xf32>
      %swap3A_35 = vector.shape_cast %broadcast_in_dim3A_0 : vector<16xf32> to vector<1x16xf32>
      tpu.vector_store %arg8[%swap3A_31, %swap3A_32], %swap3A_35 {strides = array<i32>} : memref<40x144xf32, #tpu.memory_space<vmem>>, vector<1x16xf32>,
      %swap3A_36 = arith.index_cast %scan3A_21 : i32 to index
      %swap3A_37 = arith.constant 48 : index
      %swap3A_38 = tpu.vector_load %arg8[%swap3A_36, %swap3A_37] {strides = array<i32>} : memref<40x144xf32, #tpu.memory_space<vmem>>, vector<1x16xf32>,
      %swap3A_39 = vector.shape_cast %swap3A_38 : vector<1x16xf32> to vector<16xf32>
      %swap3A_40 = vector.shape_cast %broadcast_in_dim3A_0 : vector<16xf32> to vector<1x16xf32>
      tpu.vector_store %arg8[%swap3A_36, %swap3A_37], %swap3A_40 {strides = array<i32>} : memref<40x144xf32, #tpu.memory_space<vmem>>, vector<1x16xf32>,
      %swap3A_41 = arith.index_cast %scan3A_21 : i32 to index
      %swap3A_42 = arith.constant 64 : index
      %swap3A_43 = tpu.vector_load %arg8[%swap3A_41, %swap3A_42] {strides = array<i32>} : memref<40x144xf32, #tpu.memory_space<vmem>>, vector<1x16xf32>,
      %swap3A_44 = vector.shape_cast %swap3A_43 : vector<1x16xf32> to vector<16xf32>
      %swap3A_45 = vector.shape_cast %broadcast_in_dim3A_0 : vector<16xf32> to vector<1x16xf32>
      tpu.vector_store %arg8[%swap3A_41, %swap3A_42], %swap3A_45 {strides = array<i32>} : memref<40x144xf32, #tpu.memory_space<vmem>>, vector<1x16xf32>,
      %swap3A_46 = arith.index_cast %scan3A_21 : i32 to index
      %swap3A_47 = arith.constant 80 : index
      %swap3A_48 = tpu.vector_load %arg8[%swap3A_46, %swap3A_47] {strides = array<i32>} : memref<40x144xf32, #tpu.memory_space<vmem>>, vector<1x16xf32>,
      %swap3A_49 = vector.shape_cast %swap3A_48 : vector<1x16xf32> to vector<16xf32>
      %swap3A_50 = vector.shape_cast %broadcast_in_dim3A_0 : vector<16xf32> to vector<1x16xf32>
      tpu.vector_store %arg8[%swap3A_46, %swap3A_47], %swap3A_50 {strides = array<i32>} : memref<40x144xf32, #tpu.memory_space<vmem>>, vector<1x16xf32>,
      %swap3A_51 = arith.index_cast %scan3A_21 : i32 to index
      %swap3A_52 = arith.constant 96 : index
      %swap3A_53 = tpu.vector_load %arg8[%swap3A_51, %swap3A_52] {strides = array<i32>} : memref<40x144xf32, #tpu.memory_space<vmem>>, vector<1x16xf32>,
      %swap3A_54 = vector.shape_cast %swap3A_53 : vector<1x16xf32> to vector<16xf32>
      %swap3A_55 = vector.shape_cast %broadcast_in_dim3A_0 : vector<16xf32> to vector<1x16xf32>
      tpu.vector_store %arg8[%swap3A_51, %swap3A_52], %swap3A_55 {strides = array<i32>} : memref<40x144xf32, #tpu.memory_space<vmem>>, vector<1x16xf32>,
      %swap3A_56 = arith.index_cast %scan3A_21 : i32 to index
      %swap3A_57 = arith.constant 112 : index
      %swap3A_58 = tpu.vector_load %arg8[%swap3A_56, %swap3A_57] {strides = array<i32>} : memref<40x144xf32, #tpu.memory_space<vmem>>, vector<1x16xf32>,
      %swap3A_59 = vector.shape_cast %swap3A_58 : vector<1x16xf32> to vector<16xf32>
      %swap3A_60 = vector.shape_cast %broadcast_in_dim3A_0 : vector<16xf32> to vector<1x16xf32>
      tpu.vector_store %arg8[%swap3A_56, %swap3A_57], %swap3A_60 {strides = array<i32>} : memref<40x144xf32, #tpu.memory_space<vmem>>, vector<1x16xf32>,
      %swap3A_61 = arith.index_cast %scan3A_21 : i32 to index
      %swap3A_62 = arith.constant 128 : index
      %swap3A_63 = tpu.vector_load %arg8[%swap3A_61, %swap3A_62] {strides = array<i32>} : memref<40x144xf32, #tpu.memory_space<vmem>>, vector<1x16xf32>,
      %swap3A_64 = vector.shape_cast %swap3A_63 : vector<1x16xf32> to vector<16xf32>
      %swap3A_65 = vector.shape_cast %broadcast_in_dim3A_0 : vector<16xf32> to vector<1x16xf32>
      tpu.vector_store %arg8[%swap3A_61, %swap3A_62], %swap3A_65 {strides = array<i32>} : memref<40x144xf32, #tpu.memory_space<vmem>>, vector<1x16xf32>,
    }
    %scan3A_5 = arith.constant 40 : i32
    %mul3A = arith.constant 65 : i32
    %mul3A_6 = arith.muli %arg1, %mul3A : i32
    %add3A = arith.constant 0 : i32
    %add3A_7 = arith.addi %mul3A_6, %add3A : i32
    "tpu.region"() ({
      %run_scoped3A = tpu.sem_alloc : memref<!tpu.dma_semaphore, #tpu.memory_space<semaphore_mem>>
      %dma_start3A = arith.constant 0 : i32
      %dma_start3A_21 = arith.constant 0 : i32
      %dma_start3A_22 = tpu.memref_slice %arg8[%dma_start3A, %dma_start3A_21] : memref<40x144xf32, #tpu.memory_space<vmem>> -> memref<40x144xf32, #tpu.memory_space<vmem>>
      %dma_start3A_23 = arith.constant 0 : i32
      %dma_start3A_24 = tpu.memref_slice %arg12[%add3A_7, %dma_start3A_23] : memref<1040x144xf32, #tpu.memory_space<vmem_shared>> -> memref<40x144xf32, #tpu.memory_space<vmem_shared>>
      %dma_start3A_25 = arith.constant 0 : i32
      %dma_start3A_26 = tpu.memref_slice %arg12[%add3A_7, %dma_start3A_25] : memref<1040x144xf32, #tpu.memory_space<vmem_shared>> -> memref<40x144xf32, #tpu.memory_space<vmem_shared>>
      %dma_start3A_27 = arith.constant 0 : i32
      %dma_start3A_28 = arith.constant 0 : i32
      %dma_start3A_29 = tpu.memref_slice %arg8[%dma_start3A_27, %dma_start3A_28] : memref<40x144xf32, #tpu.memory_space<vmem>> -> memref<40x144xf32, #tpu.memory_space<vmem>>
      tpu.enqueue_dma source(%dma_start3A_29 : memref<40x144xf32, #tpu.memory_space<vmem>>) target(%dma_start3A_26 : memref<40x144xf32, #tpu.memory_space<vmem_shared>>) target_semaphore(%run_scoped3A : memref<!tpu.dma_semaphore, #tpu.memory_space<semaphore_mem>>)
      %dma_wait3A = arith.constant 0 : i32
      %dma_wait3A_30 = arith.constant 0 : i32
      %dma_wait3A_31 = tpu.memref_slice %arg8[%dma_wait3A, %dma_wait3A_30] : memref<40x144xf32, #tpu.memory_space<vmem>> -> memref<40x144xf32, #tpu.memory_space<vmem>>
      %dma_wait3A_32 = arith.constant 0 : i32
      %dma_wait3A_33 = tpu.memref_slice %arg12[%add3A_7, %dma_wait3A_32] : memref<1040x144xf32, #tpu.memory_space<vmem_shared>> -> memref<40x144xf32, #tpu.memory_space<vmem_shared>>
      %dma_wait3A_34 = arith.constant 0 : i32
      %dma_wait3A_35 = tpu.memref_slice %arg12[%add3A_7, %dma_wait3A_34] : memref<1040x144xf32, #tpu.memory_space<vmem_shared>> -> memref<40x144xf32, #tpu.memory_space<vmem_shared>>
      %dma_wait3A_36 = arith.constant 0 : i32
      %dma_wait3A_37 = arith.constant 0 : i32
      %dma_wait3A_38 = tpu.memref_slice %arg8[%dma_wait3A_36, %dma_wait3A_37] : memref<40x144xf32, #tpu.memory_space<vmem>> -> memref<40x144xf32, #tpu.memory_space<vmem>>
      tpu.wait_dma2 semaphore(%run_scoped3A : memref<!tpu.dma_semaphore, #tpu.memory_space<semaphore_mem>>) src(%dma_wait3A_38 : memref<40x144xf32, #tpu.memory_space<vmem>>) dst(%dma_wait3A_35 : memref<40x144xf32, #tpu.memory_space<vmem_shared>>)
      tpu.yield
    }) : () -> ()
    %mul3A_8 = arith.constant 65 : i32
    %mul3A_9 = arith.muli %arg1, %mul3A_8 : i32
    %add3A_10 = arith.constant 40 : i32
    %add3A_11 = arith.addi %mul3A_9, %add3A_10 : i32
    "tpu.region"() ({
      %run_scoped3A = tpu.sem_alloc : memref<!tpu.dma_semaphore, #tpu.memory_space<semaphore_mem>>
      %dma_start3A = arith.constant 0 : i32
      %dma_start3A_21 = arith.constant 0 : i32
      %dma_start3A_22 = tpu.memref_slice %arg8[%dma_start3A, %dma_start3A_21] : memref<40x144xf32, #tpu.memory_space<vmem>> -> memref<25x144xf32, #tpu.memory_space<vmem>>
      %dma_start3A_23 = arith.constant 0 : i32
      %dma_start3A_24 = tpu.memref_slice %arg12[%add3A_11, %dma_start3A_23] : memref<1040x144xf32, #tpu.memory_space<vmem_shared>> -> memref<25x144xf32, #tpu.memory_space<vmem_shared>>
      %dma_start3A_25 = arith.constant 0 : i32
      %dma_start3A_26 = tpu.memref_slice %arg12[%add3A_11, %dma_start3A_25] : memref<1040x144xf32, #tpu.memory_space<vmem_shared>> -> memref<25x144xf32, #tpu.memory_space<vmem_shared>>
      %dma_start3A_27 = arith.constant 0 : i32
      %dma_start3A_28 = arith.constant 0 : i32
      %dma_start3A_29 = tpu.memref_slice %arg8[%dma_start3A_27, %dma_start3A_28] : memref<40x144xf32, #tpu.memory_space<vmem>> -> memref<25x144xf32, #tpu.memory_space<vmem>>
      tpu.enqueue_dma source(%dma_start3A_29 : memref<25x144xf32, #tpu.memory_space<vmem>>) target(%dma_start3A_26 : memref<25x144xf32, #tpu.memory_space<vmem_shared>>) target_semaphore(%run_scoped3A : memref<!tpu.dma_semaphore, #tpu.memory_space<semaphore_mem>>)
      %dma_wait3A = arith.constant 0 : i32
      %dma_wait3A_30 = arith.constant 0 : i32
      %dma_wait3A_31 = tpu.memref_slice %arg8[%dma_wait3A, %dma_wait3A_30] : memref<40x144xf32, #tpu.memory_space<vmem>> -> memref<25x144xf32, #tpu.memory_space<vmem>>
      %dma_wait3A_32 = arith.constant 0 : i32
      %dma_wait3A_33 = tpu.memref_slice %arg12[%add3A_11, %dma_wait3A_32] : memref<1040x144xf32, #tpu.memory_space<vmem_shared>> -> memref<25x144xf32, #tpu.memory_space<vmem_shared>>
      %dma_wait3A_34 = arith.constant 0 : i32
      %dma_wait3A_35 = tpu.memref_slice %arg12[%add3A_11, %dma_wait3A_34] : memref<1040x144xf32, #tpu.memory_space<vmem_shared>> -> memref<25x144xf32, #tpu.memory_space<vmem_shared>>
      %dma_wait3A_36 = arith.constant 0 : i32
      %dma_wait3A_37 = arith.constant 0 : i32
      %dma_wait3A_38 = tpu.memref_slice %arg8[%dma_wait3A_36, %dma_wait3A_37] : memref<40x144xf32, #tpu.memory_space<vmem>> -> memref<25x144xf32, #tpu.memory_space<vmem>>
      tpu.wait_dma2 semaphore(%run_scoped3A : memref<!tpu.dma_semaphore, #tpu.memory_space<semaphore_mem>>) src(%dma_wait3A_38 : memref<25x144xf32, #tpu.memory_space<vmem>>) dst(%dma_wait3A_35 : memref<25x144xf32, #tpu.memory_space<vmem_shared>>)
      tpu.yield
    }) : () -> ()
    %barrier3A = arith.constant 0 : index
    tpu.barrier barrier_id(%barrier3A)
    "tpu.region"() ({
      %run_scoped3A = tpu.sem_alloc : memref<!tpu.dma_semaphore, #tpu.memory_space<semaphore_mem>>
      %dma_start3A = arith.constant 0 : i32
      %dma_start3A_21 = arith.constant 0 : i32
      %dma_start3A_22 = tpu.memref_slice %arg3[%arg0, %dma_start3A, %dma_start3A_21] : memref<2x16x10000xi32, #tpu.memory_space<hbm>> -> memref<1x16x10000xi32, #tpu.memory_space<hbm>>
      %dma_start3A_23 = tpu.memref_squeeze %dma_start3A_22 : memref<1x16x10000xi32, #tpu.memory_space<hbm>> -> memref<16x10000xi32, #tpu.memory_space<hbm>>
      %dma_start3A_24 = arith.constant 0 : i32
      %dma_start3A_25 = tpu.memref_slice %dma_start3A_23[%arg1, %dma_start3A_24] : memref<16x10000xi32, #tpu.memory_space<hbm>> -> memref<1x10000xi32, #tpu.memory_space<hbm>>
      %dma_start3A_26 = tpu.memref_squeeze %dma_start3A_25 : memref<1x10000xi32, #tpu.memory_space<hbm>> -> memref<10000xi32, #tpu.memory_space<hbm>>
      %dma_start3A_27 = arith.constant 0 : i32
      %dma_start3A_28 = arith.constant 0 : i32
      %dma_start3A_29 = tpu.memref_slice %arg3[%arg0, %dma_start3A_27, %dma_start3A_28] : memref<2x16x10000xi32, #tpu.memory_space<hbm>> -> memref<1x16x10000xi32, #tpu.memory_space<hbm>>
      %dma_start3A_30 = tpu.memref_squeeze %dma_start3A_29 : memref<1x16x10000xi32, #tpu.memory_space<hbm>> -> memref<16x10000xi32, #tpu.memory_space<hbm>>
      %dma_start3A_31 = arith.constant 0 : i32
      %dma_start3A_32 = tpu.memref_slice %dma_start3A_30[%arg1, %dma_start3A_31] : memref<16x10000xi32, #tpu.memory_space<hbm>> -> memref<1x10000xi32, #tpu.memory_space<hbm>>
      %dma_start3A_33 = tpu.memref_squeeze %dma_start3A_32 : memref<1x10000xi32, #tpu.memory_space<hbm>> -> memref<10000xi32, #tpu.memory_space<hbm>>
      tpu.enqueue_dma source(%dma_start3A_33 : memref<10000xi32, #tpu.memory_space<hbm>>) target(%arg6 : memref<10000xi32, #tpu.memory_space<vmem>>) target_semaphore(%run_scoped3A : memref<!tpu.dma_semaphore, #tpu.memory_space<semaphore_mem>>)
      %dma_wait3A = arith.constant 0 : i32
      %dma_wait3A_34 = arith.constant 0 : i32
      %dma_wait3A_35 = tpu.memref_slice %arg3[%arg0, %dma_wait3A, %dma_wait3A_34] : memref<2x16x10000xi32, #tpu.memory_space<hbm>> -> memref<1x16x10000xi32, #tpu.memory_space<hbm>>
      %dma_wait3A_36 = tpu.memref_squeeze %dma_wait3A_35 : memref<1x16x10000xi32, #tpu.memory_space<hbm>> -> memref<16x10000xi32, #tpu.memory_space<hbm>>
      %dma_wait3A_37 = arith.constant 0 : i32
      %dma_wait3A_38 = tpu.memref_slice %dma_wait3A_36[%arg1, %dma_wait3A_37] : memref<16x10000xi32, #tpu.memory_space<hbm>> -> memref<1x10000xi32, #tpu.memory_space<hbm>>
      %dma_wait3A_39 = tpu.memref_squeeze %dma_wait3A_38 : memref<1x10000xi32, #tpu.memory_space<hbm>> -> memref<10000xi32, #tpu.memory_space<hbm>>
      %dma_wait3A_40 = arith.constant 0 : i32
      %dma_wait3A_41 = arith.constant 0 : i32
      %dma_wait3A_42 = tpu.memref_slice %arg3[%arg0, %dma_wait3A_40, %dma_wait3A_41] : memref<2x16x10000xi32, #tpu.memory_space<hbm>> -> memref<1x16x10000xi32, #tpu.memory_space<hbm>>
      %dma_wait3A_43 = tpu.memref_squeeze %dma_wait3A_42 : memref<1x16x10000xi32, #tpu.memory_space<hbm>> -> memref<16x10000xi32, #tpu.memory_space<hbm>>
      %dma_wait3A_44 = arith.constant 0 : i32
      %dma_wait3A_45 = tpu.memref_slice %dma_wait3A_43[%arg1, %dma_wait3A_44] : memref<16x10000xi32, #tpu.memory_space<hbm>> -> memref<1x10000xi32, #tpu.memory_space<hbm>>
      %dma_wait3A_46 = tpu.memref_squeeze %dma_wait3A_45 : memref<1x10000xi32, #tpu.memory_space<hbm>> -> memref<10000xi32, #tpu.memory_space<hbm>>
      tpu.wait_dma2 semaphore(%run_scoped3A : memref<!tpu.dma_semaphore, #tpu.memory_space<semaphore_mem>>) src(%dma_wait3A_46 : memref<10000xi32, #tpu.memory_space<hbm>>) dst(%arg6 : memref<10000xi32, #tpu.memory_space<vmem>>)
      tpu.yield
    }) : () -> ()
    "tpu.region"() ({
      %run_scoped3A = tpu.sem_alloc : memref<!tpu.dma_semaphore, #tpu.memory_space<semaphore_mem>>
      %dma_start3A = arith.constant 0 : i32
      %dma_start3A_21 = arith.constant 0 : i32
      %dma_start3A_22 = tpu.memref_slice %arg4[%arg0, %dma_start3A, %dma_start3A_21] : memref<2x16x10000xi32, #tpu.memory_space<hbm>> -> memref<1x16x10000xi32, #tpu.memory_space<hbm>>
      %dma_start3A_23 = tpu.memref_squeeze %dma_start3A_22 : memref<1x16x10000xi32, #tpu.memory_space<hbm>> -> memref<16x10000xi32, #tpu.memory_space<hbm>>
      %dma_start3A_24 = arith.constant 0 : i32
      %dma_start3A_25 = tpu.memref_slice %dma_start3A_23[%arg1, %dma_start3A_24] : memref<16x10000xi32, #tpu.memory_space<hbm>> -> memref<1x10000xi32, #tpu.memory_space<hbm>>
      %dma_start3A_26 = tpu.memref_squeeze %dma_start3A_25 : memref<1x10000xi32, #tpu.memory_space<hbm>> -> memref<10000xi32, #tpu.memory_space<hbm>>
      %dma_start3A_27 = arith.constant 0 : i32
      %dma_start3A_28 = arith.constant 0 : i32
      %dma_start3A_29 = tpu.memref_slice %arg4[%arg0, %dma_start3A_27, %dma_start3A_28] : memref<2x16x10000xi32, #tpu.memory_space<hbm>> -> memref<1x16x10000xi32, #tpu.memory_space<hbm>>
      %dma_start3A_30 = tpu.memref_squeeze %dma_start3A_29 : memref<1x16x10000xi32, #tpu.memory_space<hbm>> -> memref<16x10000xi32, #tpu.memory_space<hbm>>
      %dma_start3A_31 = arith.constant 0 : i32
      %dma_start3A_32 = tpu.memref_slice %dma_start3A_30[%arg1, %dma_start3A_31] : memref<16x10000xi32, #tpu.memory_space<hbm>> -> memref<1x10000xi32, #tpu.memory_space<hbm>>
      %dma_start3A_33 = tpu.memref_squeeze %dma_start3A_32 : memref<1x10000xi32, #tpu.memory_space<hbm>> -> memref<10000xi32, #tpu.memory_space<hbm>>
      tpu.enqueue_dma source(%dma_start3A_33 : memref<10000xi32, #tpu.memory_space<hbm>>) target(%arg7 : memref<10000xi32, #tpu.memory_space<vmem>>) target_semaphore(%run_scoped3A : memref<!tpu.dma_semaphore, #tpu.memory_space<semaphore_mem>>)
      %dma_wait3A = arith.constant 0 : i32
      %dma_wait3A_34 = arith.constant 0 : i32
      %dma_wait3A_35 = tpu.memref_slice %arg4[%arg0, %dma_wait3A, %dma_wait3A_34] : memref<2x16x10000xi32, #tpu.memory_space<hbm>> -> memref<1x16x10000xi32, #tpu.memory_space<hbm>>
      %dma_wait3A_36 = tpu.memref_squeeze %dma_wait3A_35 : memref<1x16x10000xi32, #tpu.memory_space<hbm>> -> memref<16x10000xi32, #tpu.memory_space<hbm>>
      %dma_wait3A_37 = arith.constant 0 : i32
      %dma_wait3A_38 = tpu.memref_slice %dma_wait3A_36[%arg1, %dma_wait3A_37] : memref<16x10000xi32, #tpu.memory_space<hbm>> -> memref<1x10000xi32, #tpu.memory_space<hbm>>
      %dma_wait3A_39 = tpu.memref_squeeze %dma_wait3A_38 : memref<1x10000xi32, #tpu.memory_space<hbm>> -> memref<10000xi32, #tpu.memory_space<hbm>>
      %dma_wait3A_40 = arith.constant 0 : i32
      %dma_wait3A_41 = arith.constant 0 : i32
      %dma_wait3A_42 = tpu.memref_slice %arg4[%arg0, %dma_wait3A_40, %dma_wait3A_41] : memref<2x16x10000xi32, #tpu.memory_space<hbm>> -> memref<1x16x10000xi32, #tpu.memory_space<hbm>>
      %dma_wait3A_43 = tpu.memref_squeeze %dma_wait3A_42 : memref<1x16x10000xi32, #tpu.memory_space<hbm>> -> memref<16x10000xi32, #tpu.memory_space<hbm>>
      %dma_wait3A_44 = arith.constant 0 : i32
      %dma_wait3A_45 = tpu.memref_slice %dma_wait3A_43[%arg1, %dma_wait3A_44] : memref<16x10000xi32, #tpu.memory_space<hbm>> -> memref<1x10000xi32, #tpu.memory_space<hbm>>
      %dma_wait3A_46 = tpu.memref_squeeze %dma_wait3A_45 : memref<1x10000xi32, #tpu.memory_space<hbm>> -> memref<10000xi32, #tpu.memory_space<hbm>>
      tpu.wait_dma2 semaphore(%run_scoped3A : memref<!tpu.dma_semaphore, #tpu.memory_space<semaphore_mem>>) src(%dma_wait3A_46 : memref<10000xi32, #tpu.memory_space<hbm>>) dst(%arg7 : memref<10000xi32, #tpu.memory_space<vmem>>)
      tpu.yield
    }) : () -> ()
    %scan3A_12 = arith.constant 0 : i32
    %scan3A_13 = arith.constant 0 : i32
    %scan3A_14 = arith.constant 125 : i32
    %scan3A_15 = arith.addi %scan3A_13, %scan3A_14 : i32
    %scan3A_16 = arith.constant 1 : i32
    scf.for %scan3A_21 = %scan3A_13 to %scan3A_15 step %scan3A_16  : i32 {
      %mul3A_22 = arith.constant 2 : i32
      %mul3A_23 = arith.muli %scan3A_21, %mul3A_22 : i32
      %mul3A_24 = arith.constant 40 : i32
      %mul3A_25 = arith.muli %mul3A_23, %mul3A_24 : i32
      %add3A_26 = arith.constant 0 : i32
      %add3A_27 = arith.addi %mul3A_25, %add3A_26 : i32
      %dma_start3A = tpu.memref_slice %arg6[%add3A_27] : memref<10000xi32, #tpu.memory_space<vmem>> -> memref<40xi32, #tpu.memory_space<vmem>>
      %dma_start3A_28 = arith.constant 0 : i32
      %dma_start3A_29 = arith.constant 0 : i32
      %dma_start3A_30 = tpu.memref_slice %arg2[%dma_start3A_28, %dma_start3A_29] : memref<10000x144xf32, #tpu.memory_space<hbm>> -> memref<10000x144xf32, #tpu.memory_space<hbm>>
      tpu.enqueue_indirect_dma source(%dma_start3A_30 : memref<10000x144xf32, #tpu.memory_space<hbm>>) target(%arg8 : memref<40x144xf32, #tpu.memory_space<vmem>>) offsets(%dma_start3A : memref<40xi32, #tpu.memory_space<vmem>>) semaphore(%arg10 : memref<!tpu.dma_semaphore, #tpu.memory_space<semaphore_mem>>)
      %dma_wait3A = tpu.memref_slice %arg6[%add3A_27] : memref<10000xi32, #tpu.memory_space<vmem>> -> memref<40xi32, #tpu.memory_space<vmem>>
      %dma_wait3A_31 = arith.constant 0 : i32
      %dma_wait3A_32 = arith.constant 0 : i32
      %dma_wait3A_33 = tpu.memref_slice %arg2[%dma_wait3A_31, %dma_wait3A_32] : memref<10000x144xf32, #tpu.memory_space<hbm>> -> memref<10000x144xf32, #tpu.memory_space<hbm>>
      tpu.wait_indirect_dma semaphore(%arg10 : memref<!tpu.dma_semaphore, #tpu.memory_space<semaphore_mem>>) src(%dma_wait3A_33 : memref<10000x144xf32, #tpu.memory_space<hbm>>) dst(%arg8 : memref<40x144xf32, #tpu.memory_space<vmem>>)
      %mul3A_34 = arith.constant 2 : i32
      %mul3A_35 = arith.muli %scan3A_21, %mul3A_34 : i32
      %mul3A_36 = arith.constant 40 : i32
      %mul3A_37 = arith.muli %mul3A_35, %mul3A_36 : i32
      %add3A_38 = arith.constant 40 : i32
      %add3A_39 = arith.addi %mul3A_37, %add3A_38 : i32
      %dma_start3A_40 = tpu.memref_slice %arg6[%add3A_39] : memref<10000xi32, #tpu.memory_space<vmem>> -> memref<40xi32, #tpu.memory_space<vmem>>
      %dma_start3A_41 = arith.constant 0 : i32
      %dma_start3A_42 = arith.constant 0 : i32
      %dma_start3A_43 = tpu.memref_slice %arg2[%dma_start3A_41, %dma_start3A_42] : memref<10000x144xf32, #tpu.memory_space<hbm>> -> memref<10000x144xf32, #tpu.memory_space<hbm>>
      tpu.enqueue_indirect_dma source(%dma_start3A_43 : memref<10000x144xf32, #tpu.memory_space<hbm>>) target(%arg9 : memref<40x144xf32, #tpu.memory_space<vmem>>) offsets(%dma_start3A_40 : memref<40xi32, #tpu.memory_space<vmem>>) semaphore(%arg11 : memref<!tpu.dma_semaphore, #tpu.memory_space<semaphore_mem>>)
      %mul3A_44 = arith.constant 2 : i32
      %mul3A_45 = arith.muli %scan3A_21, %mul3A_44 : i32
      %mul3A_46 = arith.constant 40 : i32
      %mul3A_47 = arith.muli %mul3A_45, %mul3A_46 : i32
      %add3A_48 = arith.constant 0 : i32
      %add3A_49 = arith.addi %mul3A_47, %add3A_48 : i32
      "tpu.region"() ({
        %run_scoped3A = tpu.sem_alloc : memref<!tpu.dma_semaphore, #tpu.memory_space<semaphore_mem>>
        %dma_start3A_60 = tpu.memref_slice %arg7[%add3A_49] : memref<10000xi32, #tpu.memory_space<vmem>> -> memref<40xi32, #tpu.memory_space<vmem>>
        %dma_start3A_61 = arith.constant 0 : i32
        %dma_start3A_62 = arith.constant 0 : i32
        %dma_start3A_63 = tpu.memref_slice %arg12[%dma_start3A_61, %dma_start3A_62] : memref<1040x144xf32, #tpu.memory_space<vmem_shared>> -> memref<1040x144xf32, #tpu.memory_space<vmem_shared>>
        tpu.enqueue_indirect_dma source(%arg8 : memref<40x144xf32, #tpu.memory_space<vmem>>) target(%dma_start3A_63 : memref<1040x144xf32, #tpu.memory_space<vmem_shared>>) offsets(%dma_start3A_60 : memref<40xi32, #tpu.memory_space<vmem>>) semaphore(%run_scoped3A : memref<!tpu.dma_semaphore, #tpu.memory_space<semaphore_mem>>) {add = true}
        %dma_wait3A_64 = tpu.memref_slice %arg7[%add3A_49] : memref<10000xi32, #tpu.memory_space<vmem>> -> memref<40xi32, #tpu.memory_space<vmem>>
        %dma_wait3A_65 = arith.constant 0 : i32
        %dma_wait3A_66 = arith.constant 0 : i32
        %dma_wait3A_67 = tpu.memref_slice %arg12[%dma_wait3A_65, %dma_wait3A_66] : memref<1040x144xf32, #tpu.memory_space<vmem_shared>> -> memref<1040x144xf32, #tpu.memory_space<vmem_shared>>
        tpu.wait_indirect_dma semaphore(%run_scoped3A : memref<!tpu.dma_semaphore, #tpu.memory_space<semaphore_mem>>) src(%arg8 : memref<40x144xf32, #tpu.memory_space<vmem>>) dst(%dma_wait3A_67 : memref<1040x144xf32, #tpu.memory_space<vmem_shared>>)
        tpu.yield
      }) : () -> ()
      %dma_wait3A_50 = tpu.memref_slice %arg6[%add3A_39] : memref<10000xi32, #tpu.memory_space<vmem>> -> memref<40xi32, #tpu.memory_space<vmem>>
      %dma_wait3A_51 = arith.constant 0 : i32
      %dma_wait3A_52 = arith.constant 0 : i32
      %dma_wait3A_53 = tpu.memref_slice %arg2[%dma_wait3A_51, %dma_wait3A_52] : memref<10000x144xf32, #tpu.memory_space<hbm>> -> memref<10000x144xf32, #tpu.memory_space<hbm>>
      tpu.wait_indirect_dma semaphore(%arg11 : memref<!tpu.dma_semaphore, #tpu.memory_space<semaphore_mem>>) src(%dma_wait3A_53 : memref<10000x144xf32, #tpu.memory_space<hbm>>) dst(%arg9 : memref<40x144xf32, #tpu.memory_space<vmem>>)
      %mul3A_54 = arith.constant 2 : i32
      %mul3A_55 = arith.muli %scan3A_21, %mul3A_54 : i32
      %mul3A_56 = arith.constant 40 : i32
      %mul3A_57 = arith.muli %mul3A_55, %mul3A_56 : i32
      %add3A_58 = arith.constant 40 : i32
      %add3A_59 = arith.addi %mul3A_57, %add3A_58 : i32
      "tpu.region"() ({
        %run_scoped3A = tpu.sem_alloc : memref<!tpu.dma_semaphore, #tpu.memory_space<semaphore_mem>>
        %dma_start3A_60 = tpu.memref_slice %arg7[%add3A_59] : memref<10000xi32, #tpu.memory_space<vmem>> -> memref<40xi32, #tpu.memory_space<vmem>>
        %dma_start3A_61 = arith.constant 0 : i32
        %dma_start3A_62 = arith.constant 0 : i32
        %dma_start3A_63 = tpu.memref_slice %arg12[%dma_start3A_61, %dma_start3A_62] : memref<1040x144xf32, #tpu.memory_space<vmem_shared>> -> memref<1040x144xf32, #tpu.memory_space<vmem_shared>>
        tpu.enqueue_indirect_dma source(%arg9 : memref<40x144xf32, #tpu.memory_space<vmem>>) target(%dma_start3A_63 : memref<1040x144xf32, #tpu.memory_space<vmem_shared>>) offsets(%dma_start3A_60 : memref<40xi32, #tpu.memory_space<vmem>>) semaphore(%run_scoped3A : memref<!tpu.dma_semaphore, #tpu.memory_space<semaphore_mem>>) {add = true}
        %dma_wait3A_64 = tpu.memref_slice %arg7[%add3A_59] : memref<10000xi32, #tpu.memory_space<vmem>> -> memref<40xi32, #tpu.memory_space<vmem>>
        %dma_wait3A_65 = arith.constant 0 : i32
        %dma_wait3A_66 = arith.constant 0 : i32
        %dma_wait3A_67 = tpu.memref_slice %arg12[%dma_wait3A_65, %dma_wait3A_66] : memref<1040x144xf32, #tpu.memory_space<vmem_shared>> -> memref<1040x144xf32, #tpu.memory_space<vmem_shared>>
        tpu.wait_indirect_dma semaphore(%run_scoped3A : memref<!tpu.dma_semaphore, #tpu.memory_space<semaphore_mem>>) src(%arg9 : memref<40x144xf32, #tpu.memory_space<vmem>>) dst(%dma_wait3A_67 : memref<1040x144xf32, #tpu.memory_space<vmem_shared>>)
        tpu.yield
      }) : () -> ()
    }
    %scan3A_17 = arith.constant 125 : i32
    %barrier3A_18 = arith.constant 0 : index
    tpu.barrier barrier_id(%barrier3A_18)
    %mul3A_19 = arith.constant 65 : i32
    %mul3A_20 = arith.muli %arg1, %mul3A_19 : i32
    "tpu.region"() ({
      %run_scoped3A = tpu.sem_alloc : memref<!tpu.dma_semaphore, #tpu.memory_space<semaphore_mem>>
      %dma_start3A = arith.constant 0 : i32
      %dma_start3A_21 = arith.constant 0 : i32
      %dma_start3A_22 = tpu.memref_slice %arg5[%arg0, %dma_start3A, %dma_start3A_21] : memref<2x1040x144xf32, #tpu.memory_space<hbm>> -> memref<1x1040x144xf32, #tpu.memory_space<hbm>>
      %dma_start3A_23 = tpu.memref_squeeze %dma_start3A_22 : memref<1x1040x144xf32, #tpu.memory_space<hbm>> -> memref<1040x144xf32, #tpu.memory_space<hbm>>
      %dma_start3A_24 = arith.constant 0 : i32
      %dma_start3A_25 = tpu.memref_slice %dma_start3A_23[%mul3A_20, %dma_start3A_24] : memref<1040x144xf32, #tpu.memory_space<hbm>> -> memref<65x144xf32, #tpu.memory_space<hbm>>
      %dma_start3A_26 = arith.constant 0 : i32
      %dma_start3A_27 = tpu.memref_slice %arg12[%mul3A_20, %dma_start3A_26] : memref<1040x144xf32, #tpu.memory_space<vmem_shared>> -> memref<65x144xf32, #tpu.memory_space<vmem_shared>>
      tpu.enqueue_dma source(%dma_start3A_27 : memref<65x144xf32, #tpu.memory_space<vmem_shared>>) target(%dma_start3A_25 : memref<65x144xf32, #tpu.memory_space<hbm>>) target_semaphore(%run_scoped3A : memref<!tpu.dma_semaphore, #tpu.memory_space<semaphore_mem>>)
      %dma_wait3A = arith.constant 0 : i32
      %dma_wait3A_28 = arith.constant 0 : i32
      %dma_wait3A_29 = tpu.memref_slice %arg5[%arg0, %dma_wait3A, %dma_wait3A_28] : memref<2x1040x144xf32, #tpu.memory_space<hbm>> -> memref<1x1040x144xf32, #tpu.memory_space<hbm>>
      %dma_wait3A_30 = tpu.memref_squeeze %dma_wait3A_29 : memref<1x1040x144xf32, #tpu.memory_space<hbm>> -> memref<1040x144xf32, #tpu.memory_space<hbm>>
      %dma_wait3A_31 = arith.constant 0 : i32
      %dma_wait3A_32 = tpu.memref_slice %dma_wait3A_30[%mul3A_20, %dma_wait3A_31] : memref<1040x144xf32, #tpu.memory_space<hbm>> -> memref<65x144xf32, #tpu.memory_space<hbm>>
      %dma_wait3A_33 = arith.constant 0 : i32
      %dma_wait3A_34 = tpu.memref_slice %arg12[%mul3A_20, %dma_wait3A_33] : memref<1040x144xf32, #tpu.memory_space<vmem_shared>> -> memref<65x144xf32, #tpu.memory_space<vmem_shared>>
      tpu.wait_dma2 semaphore(%run_scoped3A : memref<!tpu.dma_semaphore, #tpu.memory_space<semaphore_mem>>) src(%dma_wait3A_34 : memref<65x144xf32, #tpu.memory_space<vmem_shared>>) dst(%dma_wait3A_32 : memref<65x144xf32, #tpu.memory_space<hbm>>)
      tpu.yield
    }) : () -> ()
    return
  }
}

#map = affine_map<(d0, d1) -> (0, 0)>
#map1 = affine_map<(d0, d1) -> (0, 0, 0)>
module attributes {stable_mosaic.version = 14 : i64} {
  func.func @body(%arg0: i32, %arg1: i32, %arg2: memref<10000x144xf32, #tpu.memory_space<hbm>>, %arg3: memref<10000x144xf32, #tpu.memory_space<hbm>>, %arg4: memref<2x16x10000xi32, #tpu.memory_space<hbm>>, %arg5: memref<2x16x10000xi32, #tpu.memory_space<hbm>>, %arg6: memref<2x16x10000xi32, #tpu.memory_space<hbm>>, %arg7: memref<2x16x10000xi32, #tpu.memory_space<hbm>>, %arg8: memref<2x10000x144xf32, #tpu.memory_space<hbm>>, %arg9: memref<2x1040x144xf32, #tpu.memory_space<hbm>>, %arg10: memref<10000xi32, #tpu.memory_space<vmem>>, %arg11: memref<10000xi32, #tpu.memory_space<vmem>>, %arg12: memref<40x144xf32, #tpu.memory_space<vmem>>, %arg13: memref<40x144xf32, #tpu.memory_space<vmem>>, %arg14: memref<!tpu.dma_semaphore, #tpu.memory_space<semaphore_mem>>, %arg15: memref<!tpu.dma_semaphore, #tpu.memory_space<semaphore_mem>>, %arg16: memref<10000x144xf32, #tpu.memory_space<vmem_shared>>, %arg17: memref<1040x144xf32, #tpu.memory_space<vmem_shared>>) attributes {dimension_semantics = [#tpu.dimension_semantics<core_parallel>, #tpu.dimension_semantics<subcore_parallel>], iteration_bounds = array<i64: 2, 16>, scalar_prefetch = 0 : i64, scratch_operands = 8 : i64, tpu.core_type = #tpu.core_type<sc_vector_subcore>, window_params = [{transform_indices = #map}, {transform_indices = #map}, {transform_indices = #map1}, {transform_indices = #map1}, {transform_indices = #map1}, {transform_indices = #map1}, {transform_indices = #map1}, {transform_indices = #map1}]} {
    %broadcast_in_dim3A = arith.constant 0.000000e+00 : f32
    %broadcast_in_dim3A_0 = vector.broadcast %broadcast_in_dim3A : f32 to vector<16xf32>
    %scan3A = arith.constant 0 : i32
    %scan3A_1 = arith.constant 0 : i32
    %scan3A_2 = arith.constant 40 : i32
    %scan3A_3 = arith.addi %scan3A_1, %scan3A_2 : i32
    %scan3A_4 = arith.constant 1 : i32
    scf.for %scan3A_93 = %scan3A_1 to %scan3A_3 step %scan3A_4  : i32 {
      %swap3A = arith.index_cast %scan3A_93 : i32 to index
      %swap3A_94 = arith.constant 0 : index
      %swap3A_95 = tpu.vector_load %arg12[%swap3A, %swap3A_94] {strides = array<i32>} : memref<40x144xf32, #tpu.memory_space<vmem>>, vector<1x16xf32>,
      %swap3A_96 = vector.shape_cast %swap3A_95 : vector<1x16xf32> to vector<16xf32>
      %swap3A_97 = vector.shape_cast %broadcast_in_dim3A_0 : vector<16xf32> to vector<1x16xf32>
      tpu.vector_store %arg12[%swap3A, %swap3A_94], %swap3A_97 {strides = array<i32>} : memref<40x144xf32, #tpu.memory_space<vmem>>, vector<1x16xf32>,
      %swap3A_98 = arith.index_cast %scan3A_93 : i32 to index
      %swap3A_99 = arith.constant 16 : index
      %swap3A_100 = tpu.vector_load %arg12[%swap3A_98, %swap3A_99] {strides = array<i32>} : memref<40x144xf32, #tpu.memory_space<vmem>>, vector<1x16xf32>,
      %swap3A_101 = vector.shape_cast %swap3A_100 : vector<1x16xf32> to vector<16xf32>
      %swap3A_102 = vector.shape_cast %broadcast_in_dim3A_0 : vector<16xf32> to vector<1x16xf32>
      tpu.vector_store %arg12[%swap3A_98, %swap3A_99], %swap3A_102 {strides = array<i32>} : memref<40x144xf32, #tpu.memory_space<vmem>>, vector<1x16xf32>,
      %swap3A_103 = arith.index_cast %scan3A_93 : i32 to index
      %swap3A_104 = arith.constant 32 : index
      %swap3A_105 = tpu.vector_load %arg12[%swap3A_103, %swap3A_104] {strides = array<i32>} : memref<40x144xf32, #tpu.memory_space<vmem>>, vector<1x16xf32>,
      %swap3A_106 = vector.shape_cast %swap3A_105 : vector<1x16xf32> to vector<16xf32>
      %swap3A_107 = vector.shape_cast %broadcast_in_dim3A_0 : vector<16xf32> to vector<1x16xf32>
      tpu.vector_store %arg12[%swap3A_103, %swap3A_104], %swap3A_107 {strides = array<i32>} : memref<40x144xf32, #tpu.memory_space<vmem>>, vector<1x16xf32>,
      %swap3A_108 = arith.index_cast %scan3A_93 : i32 to index
      %swap3A_109 = arith.constant 48 : index
      %swap3A_110 = tpu.vector_load %arg12[%swap3A_108, %swap3A_109] {strides = array<i32>} : memref<40x144xf32, #tpu.memory_space<vmem>>, vector<1x16xf32>,
      %swap3A_111 = vector.shape_cast %swap3A_110 : vector<1x16xf32> to vector<16xf32>
      %swap3A_112 = vector.shape_cast %broadcast_in_dim3A_0 : vector<16xf32> to vector<1x16xf32>
      tpu.vector_store %arg12[%swap3A_108, %swap3A_109], %swap3A_112 {strides = array<i32>} : memref<40x144xf32, #tpu.memory_space<vmem>>, vector<1x16xf32>,
      %swap3A_113 = arith.index_cast %scan3A_93 : i32 to index
      %swap3A_114 = arith.constant 64 : index
      %swap3A_115 = tpu.vector_load %arg12[%swap3A_113, %swap3A_114] {strides = array<i32>} : memref<40x144xf32, #tpu.memory_space<vmem>>, vector<1x16xf32>,
      %swap3A_116 = vector.shape_cast %swap3A_115 : vector<1x16xf32> to vector<16xf32>
      %swap3A_117 = vector.shape_cast %broadcast_in_dim3A_0 : vector<16xf32> to vector<1x16xf32>
      tpu.vector_store %arg12[%swap3A_113, %swap3A_114], %swap3A_117 {strides = array<i32>} : memref<40x144xf32, #tpu.memory_space<vmem>>, vector<1x16xf32>,
      %swap3A_118 = arith.index_cast %scan3A_93 : i32 to index
      %swap3A_119 = arith.constant 80 : index
      %swap3A_120 = tpu.vector_load %arg12[%swap3A_118, %swap3A_119] {strides = array<i32>} : memref<40x144xf32, #tpu.memory_space<vmem>>, vector<1x16xf32>,
      %swap3A_121 = vector.shape_cast %swap3A_120 : vector<1x16xf32> to vector<16xf32>
      %swap3A_122 = vector.shape_cast %broadcast_in_dim3A_0 : vector<16xf32> to vector<1x16xf32>
      tpu.vector_store %arg12[%swap3A_118, %swap3A_119], %swap3A_122 {strides = array<i32>} : memref<40x144xf32, #tpu.memory_space<vmem>>, vector<1x16xf32>,
      %swap3A_123 = arith.index_cast %scan3A_93 : i32 to index
      %swap3A_124 = arith.constant 96 : index
      %swap3A_125 = tpu.vector_load %arg12[%swap3A_123, %swap3A_124] {strides = array<i32>} : memref<40x144xf32, #tpu.memory_space<vmem>>, vector<1x16xf32>,
      %swap3A_126 = vector.shape_cast %swap3A_125 : vector<1x16xf32> to vector<16xf32>
      %swap3A_127 = vector.shape_cast %broadcast_in_dim3A_0 : vector<16xf32> to vector<1x16xf32>
      tpu.vector_store %arg12[%swap3A_123, %swap3A_124], %swap3A_127 {strides = array<i32>} : memref<40x144xf32, #tpu.memory_space<vmem>>, vector<1x16xf32>,
      %swap3A_128 = arith.index_cast %scan3A_93 : i32 to index
      %swap3A_129 = arith.constant 112 : index
      %swap3A_130 = tpu.vector_load %arg12[%swap3A_128, %swap3A_129] {strides = array<i32>} : memref<40x144xf32, #tpu.memory_space<vmem>>, vector<1x16xf32>,
      %swap3A_131 = vector.shape_cast %swap3A_130 : vector<1x16xf32> to vector<16xf32>
      %swap3A_132 = vector.shape_cast %broadcast_in_dim3A_0 : vector<16xf32> to vector<1x16xf32>
      tpu.vector_store %arg12[%swap3A_128, %swap3A_129], %swap3A_132 {strides = array<i32>} : memref<40x144xf32, #tpu.memory_space<vmem>>, vector<1x16xf32>,
      %swap3A_133 = arith.index_cast %scan3A_93 : i32 to index
      %swap3A_134 = arith.constant 128 : index
      %swap3A_135 = tpu.vector_load %arg12[%swap3A_133, %swap3A_134] {strides = array<i32>} : memref<40x144xf32, #tpu.memory_space<vmem>>, vector<1x16xf32>,
      %swap3A_136 = vector.shape_cast %swap3A_135 : vector<1x16xf32> to vector<16xf32>
      %swap3A_137 = vector.shape_cast %broadcast_in_dim3A_0 : vector<16xf32> to vector<1x16xf32>
      tpu.vector_store %arg12[%swap3A_133, %swap3A_134], %swap3A_137 {strides = array<i32>} : memref<40x144xf32, #tpu.memory_space<vmem>>, vector<1x16xf32>,
    }
    %scan3A_5 = arith.constant 40 : i32
    %mul3A = arith.constant 625 : i32
    %mul3A_6 = arith.muli %arg1, %mul3A : i32
    %add3A = arith.constant 0 : i32
    %add3A_7 = arith.addi %mul3A_6, %add3A : i32
    "tpu.region"() ({
      %run_scoped3A = tpu.sem_alloc : memref<!tpu.dma_semaphore, #tpu.memory_space<semaphore_mem>>
      %dma_start3A = arith.constant 0 : i32
      %dma_start3A_93 = arith.constant 0 : i32
      %dma_start3A_94 = tpu.memref_slice %arg12[%dma_start3A, %dma_start3A_93] : memref<40x144xf32, #tpu.memory_space<vmem>> -> memref<40x144xf32, #tpu.memory_space<vmem>>
      %dma_start3A_95 = arith.constant 0 : i32
      %dma_start3A_96 = tpu.memref_slice %arg16[%add3A_7, %dma_start3A_95] : memref<10000x144xf32, #tpu.memory_space<vmem_shared>> -> memref<40x144xf32, #tpu.memory_space<vmem_shared>>
      %dma_start3A_97 = arith.constant 0 : i32
      %dma_start3A_98 = tpu.memref_slice %arg16[%add3A_7, %dma_start3A_97] : memref<10000x144xf32, #tpu.memory_space<vmem_shared>> -> memref<40x144xf32, #tpu.memory_space<vmem_shared>>
      %dma_start3A_99 = arith.constant 0 : i32
      %dma_start3A_100 = arith.constant 0 : i32
      %dma_start3A_101 = tpu.memref_slice %arg12[%dma_start3A_99, %dma_start3A_100] : memref<40x144xf32, #tpu.memory_space<vmem>> -> memref<40x144xf32, #tpu.memory_space<vmem>>
      tpu.enqueue_dma source(%dma_start3A_101 : memref<40x144xf32, #tpu.memory_space<vmem>>) target(%dma_start3A_98 : memref<40x144xf32, #tpu.memory_space<vmem_shared>>) target_semaphore(%run_scoped3A : memref<!tpu.dma_semaphore, #tpu.memory_space<semaphore_mem>>)
      %dma_wait3A = arith.constant 0 : i32
      %dma_wait3A_102 = arith.constant 0 : i32
      %dma_wait3A_103 = tpu.memref_slice %arg12[%dma_wait3A, %dma_wait3A_102] : memref<40x144xf32, #tpu.memory_space<vmem>> -> memref<40x144xf32, #tpu.memory_space<vmem>>
      %dma_wait3A_104 = arith.constant 0 : i32
      %dma_wait3A_105 = tpu.memref_slice %arg16[%add3A_7, %dma_wait3A_104] : memref<10000x144xf32, #tpu.memory_space<vmem_shared>> -> memref<40x144xf32, #tpu.memory_space<vmem_shared>>
      %dma_wait3A_106 = arith.constant 0 : i32
      %dma_wait3A_107 = tpu.memref_slice %arg16[%add3A_7, %dma_wait3A_106] : memref<10000x144xf32, #tpu.memory_space<vmem_shared>> -> memref<40x144xf32, #tpu.memory_space<vmem_shared>>
      %dma_wait3A_108 = arith.constant 0 : i32
      %dma_wait3A_109 = arith.constant 0 : i32
      %dma_wait3A_110 = tpu.memref_slice %arg12[%dma_wait3A_108, %dma_wait3A_109] : memref<40x144xf32, #tpu.memory_space<vmem>> -> memref<40x144xf32, #tpu.memory_space<vmem>>
      tpu.wait_dma2 semaphore(%run_scoped3A : memref<!tpu.dma_semaphore, #tpu.memory_space<semaphore_mem>>) src(%dma_wait3A_110 : memref<40x144xf32, #tpu.memory_space<vmem>>) dst(%dma_wait3A_107 : memref<40x144xf32, #tpu.memory_space<vmem_shared>>)
      tpu.yield
    }) : () -> ()
    %mul3A_8 = arith.constant 625 : i32
    %mul3A_9 = arith.muli %arg1, %mul3A_8 : i32
    %add3A_10 = arith.constant 40 : i32
    %add3A_11 = arith.addi %mul3A_9, %add3A_10 : i32
    "tpu.region"() ({
      %run_scoped3A = tpu.sem_alloc : memref<!tpu.dma_semaphore, #tpu.memory_space<semaphore_mem>>
      %dma_start3A = arith.constant 0 : i32
      %dma_start3A_93 = arith.constant 0 : i32
      %dma_start3A_94 = tpu.memref_slice %arg12[%dma_start3A, %dma_start3A_93] : memref<40x144xf32, #tpu.memory_space<vmem>> -> memref<40x144xf32, #tpu.memory_space<vmem>>
      %dma_start3A_95 = arith.constant 0 : i32
      %dma_start3A_96 = tpu.memref_slice %arg16[%add3A_11, %dma_start3A_95] : memref<10000x144xf32, #tpu.memory_space<vmem_shared>> -> memref<40x144xf32, #tpu.memory_space<vmem_shared>>
      %dma_start3A_97 = arith.constant 0 : i32
      %dma_start3A_98 = tpu.memref_slice %arg16[%add3A_11, %dma_start3A_97] : memref<10000x144xf32, #tpu.memory_space<vmem_shared>> -> memref<40x144xf32, #tpu.memory_space<vmem_shared>>
      %dma_start3A_99 = arith.constant 0 : i32
      %dma_start3A_100 = arith.constant 0 : i32
      %dma_start3A_101 = tpu.memref_slice %arg12[%dma_start3A_99, %dma_start3A_100] : memref<40x144xf32, #tpu.memory_space<vmem>> -> memref<40x144xf32, #tpu.memory_space<vmem>>
      tpu.enqueue_dma source(%dma_start3A_101 : memref<40x144xf32, #tpu.memory_space<vmem>>) target(%dma_start3A_98 : memref<40x144xf32, #tpu.memory_space<vmem_shared>>) target_semaphore(%run_scoped3A : memref<!tpu.dma_semaphore, #tpu.memory_space<semaphore_mem>>)
      %dma_wait3A = arith.constant 0 : i32
      %dma_wait3A_102 = arith.constant 0 : i32
      %dma_wait3A_103 = tpu.memref_slice %arg12[%dma_wait3A, %dma_wait3A_102] : memref<40x144xf32, #tpu.memory_space<vmem>> -> memref<40x144xf32, #tpu.memory_space<vmem>>
      %dma_wait3A_104 = arith.constant 0 : i32
      %dma_wait3A_105 = tpu.memref_slice %arg16[%add3A_11, %dma_wait3A_104] : memref<10000x144xf32, #tpu.memory_space<vmem_shared>> -> memref<40x144xf32, #tpu.memory_space<vmem_shared>>
      %dma_wait3A_106 = arith.constant 0 : i32
      %dma_wait3A_107 = tpu.memref_slice %arg16[%add3A_11, %dma_wait3A_106] : memref<10000x144xf32, #tpu.memory_space<vmem_shared>> -> memref<40x144xf32, #tpu.memory_space<vmem_shared>>
      %dma_wait3A_108 = arith.constant 0 : i32
      %dma_wait3A_109 = arith.constant 0 : i32
      %dma_wait3A_110 = tpu.memref_slice %arg12[%dma_wait3A_108, %dma_wait3A_109] : memref<40x144xf32, #tpu.memory_space<vmem>> -> memref<40x144xf32, #tpu.memory_space<vmem>>
      tpu.wait_dma2 semaphore(%run_scoped3A : memref<!tpu.dma_semaphore, #tpu.memory_space<semaphore_mem>>) src(%dma_wait3A_110 : memref<40x144xf32, #tpu.memory_space<vmem>>) dst(%dma_wait3A_107 : memref<40x144xf32, #tpu.memory_space<vmem_shared>>)
      tpu.yield
    }) : () -> ()
    %mul3A_12 = arith.constant 625 : i32
    %mul3A_13 = arith.muli %arg1, %mul3A_12 : i32
    %add3A_14 = arith.constant 80 : i32
    %add3A_15 = arith.addi %mul3A_13, %add3A_14 : i32
    "tpu.region"() ({
      %run_scoped3A = tpu.sem_alloc : memref<!tpu.dma_semaphore, #tpu.memory_space<semaphore_mem>>
      %dma_start3A = arith.constant 0 : i32
      %dma_start3A_93 = arith.constant 0 : i32
      %dma_start3A_94 = tpu.memref_slice %arg12[%dma_start3A, %dma_start3A_93] : memref<40x144xf32, #tpu.memory_space<vmem>> -> memref<40x144xf32, #tpu.memory_space<vmem>>
      %dma_start3A_95 = arith.constant 0 : i32
      %dma_start3A_96 = tpu.memref_slice %arg16[%add3A_15, %dma_start3A_95] : memref<10000x144xf32, #tpu.memory_space<vmem_shared>> -> memref<40x144xf32, #tpu.memory_space<vmem_shared>>
      %dma_start3A_97 = arith.constant 0 : i32
      %dma_start3A_98 = tpu.memref_slice %arg16[%add3A_15, %dma_start3A_97] : memref<10000x144xf32, #tpu.memory_space<vmem_shared>> -> memref<40x144xf32, #tpu.memory_space<vmem_shared>>
      %dma_start3A_99 = arith.constant 0 : i32
      %dma_start3A_100 = arith.constant 0 : i32
      %dma_start3A_101 = tpu.memref_slice %arg12[%dma_start3A_99, %dma_start3A_100] : memref<40x144xf32, #tpu.memory_space<vmem>> -> memref<40x144xf32, #tpu.memory_space<vmem>>
      tpu.enqueue_dma source(%dma_start3A_101 : memref<40x144xf32, #tpu.memory_space<vmem>>) target(%dma_start3A_98 : memref<40x144xf32, #tpu.memory_space<vmem_shared>>) target_semaphore(%run_scoped3A : memref<!tpu.dma_semaphore, #tpu.memory_space<semaphore_mem>>)
      %dma_wait3A = arith.constant 0 : i32
      %dma_wait3A_102 = arith.constant 0 : i32
      %dma_wait3A_103 = tpu.memref_slice %arg12[%dma_wait3A, %dma_wait3A_102] : memref<40x144xf32, #tpu.memory_space<vmem>> -> memref<40x144xf32, #tpu.memory_space<vmem>>
      %dma_wait3A_104 = arith.constant 0 : i32
      %dma_wait3A_105 = tpu.memref_slice %arg16[%add3A_15, %dma_wait3A_104] : memref<10000x144xf32, #tpu.memory_space<vmem_shared>> -> memref<40x144xf32, #tpu.memory_space<vmem_shared>>
      %dma_wait3A_106 = arith.constant 0 : i32
      %dma_wait3A_107 = tpu.memref_slice %arg16[%add3A_15, %dma_wait3A_106] : memref<10000x144xf32, #tpu.memory_space<vmem_shared>> -> memref<40x144xf32, #tpu.memory_space<vmem_shared>>
      %dma_wait3A_108 = arith.constant 0 : i32
      %dma_wait3A_109 = arith.constant 0 : i32
      %dma_wait3A_110 = tpu.memref_slice %arg12[%dma_wait3A_108, %dma_wait3A_109] : memref<40x144xf32, #tpu.memory_space<vmem>> -> memref<40x144xf32, #tpu.memory_space<vmem>>
      tpu.wait_dma2 semaphore(%run_scoped3A : memref<!tpu.dma_semaphore, #tpu.memory_space<semaphore_mem>>) src(%dma_wait3A_110 : memref<40x144xf32, #tpu.memory_space<vmem>>) dst(%dma_wait3A_107 : memref<40x144xf32, #tpu.memory_space<vmem_shared>>)
      tpu.yield
    }) : () -> ()
    %mul3A_16 = arith.constant 625 : i32
    %mul3A_17 = arith.muli %arg1, %mul3A_16 : i32
    %add3A_18 = arith.constant 120 : i32
    %add3A_19 = arith.addi %mul3A_17, %add3A_18 : i32
    "tpu.region"() ({
      %run_scoped3A = tpu.sem_alloc : memref<!tpu.dma_semaphore, #tpu.memory_space<semaphore_mem>>
      %dma_start3A = arith.constant 0 : i32
      %dma_start3A_93 = arith.constant 0 : i32
      %dma_start3A_94 = tpu.memref_slice %arg12[%dma_start3A, %dma_start3A_93] : memref<40x144xf32, #tpu.memory_space<vmem>> -> memref<40x144xf32, #tpu.memory_space<vmem>>
      %dma_start3A_95 = arith.constant 0 : i32
      %dma_start3A_96 = tpu.memref_slice %arg16[%add3A_19, %dma_start3A_95] : memref<10000x144xf32, #tpu.memory_space<vmem_shared>> -> memref<40x144xf32, #tpu.memory_space<vmem_shared>>
      %dma_start3A_97 = arith.constant 0 : i32
      %dma_start3A_98 = tpu.memref_slice %arg16[%add3A_19, %dma_start3A_97] : memref<10000x144xf32, #tpu.memory_space<vmem_shared>> -> memref<40x144xf32, #tpu.memory_space<vmem_shared>>
      %dma_start3A_99 = arith.constant 0 : i32
      %dma_start3A_100 = arith.constant 0 : i32
      %dma_start3A_101 = tpu.memref_slice %arg12[%dma_start3A_99, %dma_start3A_100] : memref<40x144xf32, #tpu.memory_space<vmem>> -> memref<40x144xf32, #tpu.memory_space<vmem>>
      tpu.enqueue_dma source(%dma_start3A_101 : memref<40x144xf32, #tpu.memory_space<vmem>>) target(%dma_start3A_98 : memref<40x144xf32, #tpu.memory_space<vmem_shared>>) target_semaphore(%run_scoped3A : memref<!tpu.dma_semaphore, #tpu.memory_space<semaphore_mem>>)
      %dma_wait3A = arith.constant 0 : i32
      %dma_wait3A_102 = arith.constant 0 : i32
      %dma_wait3A_103 = tpu.memref_slice %arg12[%dma_wait3A, %dma_wait3A_102] : memref<40x144xf32, #tpu.memory_space<vmem>> -> memref<40x144xf32, #tpu.memory_space<vmem>>
      %dma_wait3A_104 = arith.constant 0 : i32
      %dma_wait3A_105 = tpu.memref_slice %arg16[%add3A_19, %dma_wait3A_104] : memref<10000x144xf32, #tpu.memory_space<vmem_shared>> -> memref<40x144xf32, #tpu.memory_space<vmem_shared>>
      %dma_wait3A_106 = arith.constant 0 : i32
      %dma_wait3A_107 = tpu.memref_slice %arg16[%add3A_19, %dma_wait3A_106] : memref<10000x144xf32, #tpu.memory_space<vmem_shared>> -> memref<40x144xf32, #tpu.memory_space<vmem_shared>>
      %dma_wait3A_108 = arith.constant 0 : i32
      %dma_wait3A_109 = arith.constant 0 : i32
      %dma_wait3A_110 = tpu.memref_slice %arg12[%dma_wait3A_108, %dma_wait3A_109] : memref<40x144xf32, #tpu.memory_space<vmem>> -> memref<40x144xf32, #tpu.memory_space<vmem>>
      tpu.wait_dma2 semaphore(%run_scoped3A : memref<!tpu.dma_semaphore, #tpu.memory_space<semaphore_mem>>) src(%dma_wait3A_110 : memref<40x144xf32, #tpu.memory_space<vmem>>) dst(%dma_wait3A_107 : memref<40x144xf32, #tpu.memory_space<vmem_shared>>)
      tpu.yield
    }) : () -> ()
    %mul3A_20 = arith.constant 625 : i32
    %mul3A_21 = arith.muli %arg1, %mul3A_20 : i32
    %add3A_22 = arith.constant 160 : i32
    %add3A_23 = arith.addi %mul3A_21, %add3A_22 : i32
    "tpu.region"() ({
      %run_scoped3A = tpu.sem_alloc : memref<!tpu.dma_semaphore, #tpu.memory_space<semaphore_mem>>
      %dma_start3A = arith.constant 0 : i32
      %dma_start3A_93 = arith.constant 0 : i32
      %dma_start3A_94 = tpu.memref_slice %arg12[%dma_start3A, %dma_start3A_93] : memref<40x144xf32, #tpu.memory_space<vmem>> -> memref<40x144xf32, #tpu.memory_space<vmem>>
      %dma_start3A_95 = arith.constant 0 : i32
      %dma_start3A_96 = tpu.memref_slice %arg16[%add3A_23, %dma_start3A_95] : memref<10000x144xf32, #tpu.memory_space<vmem_shared>> -> memref<40x144xf32, #tpu.memory_space<vmem_shared>>
      %dma_start3A_97 = arith.constant 0 : i32
      %dma_start3A_98 = tpu.memref_slice %arg16[%add3A_23, %dma_start3A_97] : memref<10000x144xf32, #tpu.memory_space<vmem_shared>> -> memref<40x144xf32, #tpu.memory_space<vmem_shared>>
      %dma_start3A_99 = arith.constant 0 : i32
      %dma_start3A_100 = arith.constant 0 : i32
      %dma_start3A_101 = tpu.memref_slice %arg12[%dma_start3A_99, %dma_start3A_100] : memref<40x144xf32, #tpu.memory_space<vmem>> -> memref<40x144xf32, #tpu.memory_space<vmem>>
      tpu.enqueue_dma source(%dma_start3A_101 : memref<40x144xf32, #tpu.memory_space<vmem>>) target(%dma_start3A_98 : memref<40x144xf32, #tpu.memory_space<vmem_shared>>) target_semaphore(%run_scoped3A : memref<!tpu.dma_semaphore, #tpu.memory_space<semaphore_mem>>)
      %dma_wait3A = arith.constant 0 : i32
      %dma_wait3A_102 = arith.constant 0 : i32
      %dma_wait3A_103 = tpu.memref_slice %arg12[%dma_wait3A, %dma_wait3A_102] : memref<40x144xf32, #tpu.memory_space<vmem>> -> memref<40x144xf32, #tpu.memory_space<vmem>>
      %dma_wait3A_104 = arith.constant 0 : i32
      %dma_wait3A_105 = tpu.memref_slice %arg16[%add3A_23, %dma_wait3A_104] : memref<10000x144xf32, #tpu.memory_space<vmem_shared>> -> memref<40x144xf32, #tpu.memory_space<vmem_shared>>
      %dma_wait3A_106 = arith.constant 0 : i32
      %dma_wait3A_107 = tpu.memref_slice %arg16[%add3A_23, %dma_wait3A_106] : memref<10000x144xf32, #tpu.memory_space<vmem_shared>> -> memref<40x144xf32, #tpu.memory_space<vmem_shared>>
      %dma_wait3A_108 = arith.constant 0 : i32
      %dma_wait3A_109 = arith.constant 0 : i32
      %dma_wait3A_110 = tpu.memref_slice %arg12[%dma_wait3A_108, %dma_wait3A_109] : memref<40x144xf32, #tpu.memory_space<vmem>> -> memref<40x144xf32, #tpu.memory_space<vmem>>
      tpu.wait_dma2 semaphore(%run_scoped3A : memref<!tpu.dma_semaphore, #tpu.memory_space<semaphore_mem>>) src(%dma_wait3A_110 : memref<40x144xf32, #tpu.memory_space<vmem>>) dst(%dma_wait3A_107 : memref<40x144xf32, #tpu.memory_space<vmem_shared>>)
      tpu.yield
    }) : () -> ()
    %mul3A_24 = arith.constant 625 : i32
    %mul3A_25 = arith.muli %arg1, %mul3A_24 : i32
    %add3A_26 = arith.constant 200 : i32
    %add3A_27 = arith.addi %mul3A_25, %add3A_26 : i32
    "tpu.region"() ({
      %run_scoped3A = tpu.sem_alloc : memref<!tpu.dma_semaphore, #tpu.memory_space<semaphore_mem>>
      %dma_start3A = arith.constant 0 : i32
      %dma_start3A_93 = arith.constant 0 : i32
      %dma_start3A_94 = tpu.memref_slice %arg12[%dma_start3A, %dma_start3A_93] : memref<40x144xf32, #tpu.memory_space<vmem>> -> memref<40x144xf32, #tpu.memory_space<vmem>>
      %dma_start3A_95 = arith.constant 0 : i32
      %dma_start3A_96 = tpu.memref_slice %arg16[%add3A_27, %dma_start3A_95] : memref<10000x144xf32, #tpu.memory_space<vmem_shared>> -> memref<40x144xf32, #tpu.memory_space<vmem_shared>>
      %dma_start3A_97 = arith.constant 0 : i32
      %dma_start3A_98 = tpu.memref_slice %arg16[%add3A_27, %dma_start3A_97] : memref<10000x144xf32, #tpu.memory_space<vmem_shared>> -> memref<40x144xf32, #tpu.memory_space<vmem_shared>>
      %dma_start3A_99 = arith.constant 0 : i32
      %dma_start3A_100 = arith.constant 0 : i32
      %dma_start3A_101 = tpu.memref_slice %arg12[%dma_start3A_99, %dma_start3A_100] : memref<40x144xf32, #tpu.memory_space<vmem>> -> memref<40x144xf32, #tpu.memory_space<vmem>>
      tpu.enqueue_dma source(%dma_start3A_101 : memref<40x144xf32, #tpu.memory_space<vmem>>) target(%dma_start3A_98 : memref<40x144xf32, #tpu.memory_space<vmem_shared>>) target_semaphore(%run_scoped3A : memref<!tpu.dma_semaphore, #tpu.memory_space<semaphore_mem>>)
      %dma_wait3A = arith.constant 0 : i32
      %dma_wait3A_102 = arith.constant 0 : i32
      %dma_wait3A_103 = tpu.memref_slice %arg12[%dma_wait3A, %dma_wait3A_102] : memref<40x144xf32, #tpu.memory_space<vmem>> -> memref<40x144xf32, #tpu.memory_space<vmem>>
      %dma_wait3A_104 = arith.constant 0 : i32
      %dma_wait3A_105 = tpu.memref_slice %arg16[%add3A_27, %dma_wait3A_104] : memref<10000x144xf32, #tpu.memory_space<vmem_shared>> -> memref<40x144xf32, #tpu.memory_space<vmem_shared>>
      %dma_wait3A_106 = arith.constant 0 : i32
      %dma_wait3A_107 = tpu.memref_slice %arg16[%add3A_27, %dma_wait3A_106] : memref<10000x144xf32, #tpu.memory_space<vmem_shared>> -> memref<40x144xf32, #tpu.memory_space<vmem_shared>>
      %dma_wait3A_108 = arith.constant 0 : i32
      %dma_wait3A_109 = arith.constant 0 : i32
      %dma_wait3A_110 = tpu.memref_slice %arg12[%dma_wait3A_108, %dma_wait3A_109] : memref<40x144xf32, #tpu.memory_space<vmem>> -> memref<40x144xf32, #tpu.memory_space<vmem>>
      tpu.wait_dma2 semaphore(%run_scoped3A : memref<!tpu.dma_semaphore, #tpu.memory_space<semaphore_mem>>) src(%dma_wait3A_110 : memref<40x144xf32, #tpu.memory_space<vmem>>) dst(%dma_wait3A_107 : memref<40x144xf32, #tpu.memory_space<vmem_shared>>)
      tpu.yield
    }) : () -> ()
    %mul3A_28 = arith.constant 625 : i32
    %mul3A_29 = arith.muli %arg1, %mul3A_28 : i32
    %add3A_30 = arith.constant 240 : i32
    %add3A_31 = arith.addi %mul3A_29, %add3A_30 : i32
    "tpu.region"() ({
      %run_scoped3A = tpu.sem_alloc : memref<!tpu.dma_semaphore, #tpu.memory_space<semaphore_mem>>
      %dma_start3A = arith.constant 0 : i32
      %dma_start3A_93 = arith.constant 0 : i32
      %dma_start3A_94 = tpu.memref_slice %arg12[%dma_start3A, %dma_start3A_93] : memref<40x144xf32, #tpu.memory_space<vmem>> -> memref<40x144xf32, #tpu.memory_space<vmem>>
      %dma_start3A_95 = arith.constant 0 : i32
      %dma_start3A_96 = tpu.memref_slice %arg16[%add3A_31, %dma_start3A_95] : memref<10000x144xf32, #tpu.memory_space<vmem_shared>> -> memref<40x144xf32, #tpu.memory_space<vmem_shared>>
      %dma_start3A_97 = arith.constant 0 : i32
      %dma_start3A_98 = tpu.memref_slice %arg16[%add3A_31, %dma_start3A_97] : memref<10000x144xf32, #tpu.memory_space<vmem_shared>> -> memref<40x144xf32, #tpu.memory_space<vmem_shared>>
      %dma_start3A_99 = arith.constant 0 : i32
      %dma_start3A_100 = arith.constant 0 : i32
      %dma_start3A_101 = tpu.memref_slice %arg12[%dma_start3A_99, %dma_start3A_100] : memref<40x144xf32, #tpu.memory_space<vmem>> -> memref<40x144xf32, #tpu.memory_space<vmem>>
      tpu.enqueue_dma source(%dma_start3A_101 : memref<40x144xf32, #tpu.memory_space<vmem>>) target(%dma_start3A_98 : memref<40x144xf32, #tpu.memory_space<vmem_shared>>) target_semaphore(%run_scoped3A : memref<!tpu.dma_semaphore, #tpu.memory_space<semaphore_mem>>)
      %dma_wait3A = arith.constant 0 : i32
      %dma_wait3A_102 = arith.constant 0 : i32
      %dma_wait3A_103 = tpu.memref_slice %arg12[%dma_wait3A, %dma_wait3A_102] : memref<40x144xf32, #tpu.memory_space<vmem>> -> memref<40x144xf32, #tpu.memory_space<vmem>>
      %dma_wait3A_104 = arith.constant 0 : i32
      %dma_wait3A_105 = tpu.memref_slice %arg16[%add3A_31, %dma_wait3A_104] : memref<10000x144xf32, #tpu.memory_space<vmem_shared>> -> memref<40x144xf32, #tpu.memory_space<vmem_shared>>
      %dma_wait3A_106 = arith.constant 0 : i32
      %dma_wait3A_107 = tpu.memref_slice %arg16[%add3A_31, %dma_wait3A_106] : memref<10000x144xf32, #tpu.memory_space<vmem_shared>> -> memref<40x144xf32, #tpu.memory_space<vmem_shared>>
      %dma_wait3A_108 = arith.constant 0 : i32
      %dma_wait3A_109 = arith.constant 0 : i32
      %dma_wait3A_110 = tpu.memref_slice %arg12[%dma_wait3A_108, %dma_wait3A_109] : memref<40x144xf32, #tpu.memory_space<vmem>> -> memref<40x144xf32, #tpu.memory_space<vmem>>
      tpu.wait_dma2 semaphore(%run_scoped3A : memref<!tpu.dma_semaphore, #tpu.memory_space<semaphore_mem>>) src(%dma_wait3A_110 : memref<40x144xf32, #tpu.memory_space<vmem>>) dst(%dma_wait3A_107 : memref<40x144xf32, #tpu.memory_space<vmem_shared>>)
      tpu.yield
    }) : () -> ()
    %mul3A_32 = arith.constant 625 : i32
    %mul3A_33 = arith.muli %arg1, %mul3A_32 : i32
    %add3A_34 = arith.constant 280 : i32
    %add3A_35 = arith.addi %mul3A_33, %add3A_34 : i32
    "tpu.region"() ({
      %run_scoped3A = tpu.sem_alloc : memref<!tpu.dma_semaphore, #tpu.memory_space<semaphore_mem>>
      %dma_start3A = arith.constant 0 : i32
      %dma_start3A_93 = arith.constant 0 : i32
      %dma_start3A_94 = tpu.memref_slice %arg12[%dma_start3A, %dma_start3A_93] : memref<40x144xf32, #tpu.memory_space<vmem>> -> memref<40x144xf32, #tpu.memory_space<vmem>>
      %dma_start3A_95 = arith.constant 0 : i32
      %dma_start3A_96 = tpu.memref_slice %arg16[%add3A_35, %dma_start3A_95] : memref<10000x144xf32, #tpu.memory_space<vmem_shared>> -> memref<40x144xf32, #tpu.memory_space<vmem_shared>>
      %dma_start3A_97 = arith.constant 0 : i32
      %dma_start3A_98 = tpu.memref_slice %arg16[%add3A_35, %dma_start3A_97] : memref<10000x144xf32, #tpu.memory_space<vmem_shared>> -> memref<40x144xf32, #tpu.memory_space<vmem_shared>>
      %dma_start3A_99 = arith.constant 0 : i32
      %dma_start3A_100 = arith.constant 0 : i32
      %dma_start3A_101 = tpu.memref_slice %arg12[%dma_start3A_99, %dma_start3A_100] : memref<40x144xf32, #tpu.memory_space<vmem>> -> memref<40x144xf32, #tpu.memory_space<vmem>>
      tpu.enqueue_dma source(%dma_start3A_101 : memref<40x144xf32, #tpu.memory_space<vmem>>) target(%dma_start3A_98 : memref<40x144xf32, #tpu.memory_space<vmem_shared>>) target_semaphore(%run_scoped3A : memref<!tpu.dma_semaphore, #tpu.memory_space<semaphore_mem>>)
      %dma_wait3A = arith.constant 0 : i32
      %dma_wait3A_102 = arith.constant 0 : i32
      %dma_wait3A_103 = tpu.memref_slice %arg12[%dma_wait3A, %dma_wait3A_102] : memref<40x144xf32, #tpu.memory_space<vmem>> -> memref<40x144xf32, #tpu.memory_space<vmem>>
      %dma_wait3A_104 = arith.constant 0 : i32
      %dma_wait3A_105 = tpu.memref_slice %arg16[%add3A_35, %dma_wait3A_104] : memref<10000x144xf32, #tpu.memory_space<vmem_shared>> -> memref<40x144xf32, #tpu.memory_space<vmem_shared>>
      %dma_wait3A_106 = arith.constant 0 : i32
      %dma_wait3A_107 = tpu.memref_slice %arg16[%add3A_35, %dma_wait3A_106] : memref<10000x144xf32, #tpu.memory_space<vmem_shared>> -> memref<40x144xf32, #tpu.memory_space<vmem_shared>>
      %dma_wait3A_108 = arith.constant 0 : i32
      %dma_wait3A_109 = arith.constant 0 : i32
      %dma_wait3A_110 = tpu.memref_slice %arg12[%dma_wait3A_108, %dma_wait3A_109] : memref<40x144xf32, #tpu.memory_space<vmem>> -> memref<40x144xf32, #tpu.memory_space<vmem>>
      tpu.wait_dma2 semaphore(%run_scoped3A : memref<!tpu.dma_semaphore, #tpu.memory_space<semaphore_mem>>) src(%dma_wait3A_110 : memref<40x144xf32, #tpu.memory_space<vmem>>) dst(%dma_wait3A_107 : memref<40x144xf32, #tpu.memory_space<vmem_shared>>)
      tpu.yield
    }) : () -> ()
    %mul3A_36 = arith.constant 625 : i32
    %mul3A_37 = arith.muli %arg1, %mul3A_36 : i32
    %add3A_38 = arith.constant 320 : i32
    %add3A_39 = arith.addi %mul3A_37, %add3A_38 : i32
    "tpu.region"() ({
      %run_scoped3A = tpu.sem_alloc : memref<!tpu.dma_semaphore, #tpu.memory_space<semaphore_mem>>
      %dma_start3A = arith.constant 0 : i32
      %dma_start3A_93 = arith.constant 0 : i32
      %dma_start3A_94 = tpu.memref_slice %arg12[%dma_start3A, %dma_start3A_93] : memref<40x144xf32, #tpu.memory_space<vmem>> -> memref<40x144xf32, #tpu.memory_space<vmem>>
      %dma_start3A_95 = arith.constant 0 : i32
      %dma_start3A_96 = tpu.memref_slice %arg16[%add3A_39, %dma_start3A_95] : memref<10000x144xf32, #tpu.memory_space<vmem_shared>> -> memref<40x144xf32, #tpu.memory_space<vmem_shared>>
      %dma_start3A_97 = arith.constant 0 : i32
      %dma_start3A_98 = tpu.memref_slice %arg16[%add3A_39, %dma_start3A_97] : memref<10000x144xf32, #tpu.memory_space<vmem_shared>> -> memref<40x144xf32, #tpu.memory_space<vmem_shared>>
      %dma_start3A_99 = arith.constant 0 : i32
      %dma_start3A_100 = arith.constant 0 : i32
      %dma_start3A_101 = tpu.memref_slice %arg12[%dma_start3A_99, %dma_start3A_100] : memref<40x144xf32, #tpu.memory_space<vmem>> -> memref<40x144xf32, #tpu.memory_space<vmem>>
      tpu.enqueue_dma source(%dma_start3A_101 : memref<40x144xf32, #tpu.memory_space<vmem>>) target(%dma_start3A_98 : memref<40x144xf32, #tpu.memory_space<vmem_shared>>) target_semaphore(%run_scoped3A : memref<!tpu.dma_semaphore, #tpu.memory_space<semaphore_mem>>)
      %dma_wait3A = arith.constant 0 : i32
      %dma_wait3A_102 = arith.constant 0 : i32
      %dma_wait3A_103 = tpu.memref_slice %arg12[%dma_wait3A, %dma_wait3A_102] : memref<40x144xf32, #tpu.memory_space<vmem>> -> memref<40x144xf32, #tpu.memory_space<vmem>>
      %dma_wait3A_104 = arith.constant 0 : i32
      %dma_wait3A_105 = tpu.memref_slice %arg16[%add3A_39, %dma_wait3A_104] : memref<10000x144xf32, #tpu.memory_space<vmem_shared>> -> memref<40x144xf32, #tpu.memory_space<vmem_shared>>
      %dma_wait3A_106 = arith.constant 0 : i32
      %dma_wait3A_107 = tpu.memref_slice %arg16[%add3A_39, %dma_wait3A_106] : memref<10000x144xf32, #tpu.memory_space<vmem_shared>> -> memref<40x144xf32, #tpu.memory_space<vmem_shared>>
      %dma_wait3A_108 = arith.constant 0 : i32
      %dma_wait3A_109 = arith.constant 0 : i32
      %dma_wait3A_110 = tpu.memref_slice %arg12[%dma_wait3A_108, %dma_wait3A_109] : memref<40x144xf32, #tpu.memory_space<vmem>> -> memref<40x144xf32, #tpu.memory_space<vmem>>
      tpu.wait_dma2 semaphore(%run_scoped3A : memref<!tpu.dma_semaphore, #tpu.memory_space<semaphore_mem>>) src(%dma_wait3A_110 : memref<40x144xf32, #tpu.memory_space<vmem>>) dst(%dma_wait3A_107 : memref<40x144xf32, #tpu.memory_space<vmem_shared>>)
      tpu.yield
    }) : () -> ()
    %mul3A_40 = arith.constant 625 : i32
    %mul3A_41 = arith.muli %arg1, %mul3A_40 : i32
    %add3A_42 = arith.constant 360 : i32
    %add3A_43 = arith.addi %mul3A_41, %add3A_42 : i32
    "tpu.region"() ({
      %run_scoped3A = tpu.sem_alloc : memref<!tpu.dma_semaphore, #tpu.memory_space<semaphore_mem>>
      %dma_start3A = arith.constant 0 : i32
      %dma_start3A_93 = arith.constant 0 : i32
      %dma_start3A_94 = tpu.memref_slice %arg12[%dma_start3A, %dma_start3A_93] : memref<40x144xf32, #tpu.memory_space<vmem>> -> memref<40x144xf32, #tpu.memory_space<vmem>>
      %dma_start3A_95 = arith.constant 0 : i32
      %dma_start3A_96 = tpu.memref_slice %arg16[%add3A_43, %dma_start3A_95] : memref<10000x144xf32, #tpu.memory_space<vmem_shared>> -> memref<40x144xf32, #tpu.memory_space<vmem_shared>>
      %dma_start3A_97 = arith.constant 0 : i32
      %dma_start3A_98 = tpu.memref_slice %arg16[%add3A_43, %dma_start3A_97] : memref<10000x144xf32, #tpu.memory_space<vmem_shared>> -> memref<40x144xf32, #tpu.memory_space<vmem_shared>>
      %dma_start3A_99 = arith.constant 0 : i32
      %dma_start3A_100 = arith.constant 0 : i32
      %dma_start3A_101 = tpu.memref_slice %arg12[%dma_start3A_99, %dma_start3A_100] : memref<40x144xf32, #tpu.memory_space<vmem>> -> memref<40x144xf32, #tpu.memory_space<vmem>>
      tpu.enqueue_dma source(%dma_start3A_101 : memref<40x144xf32, #tpu.memory_space<vmem>>) target(%dma_start3A_98 : memref<40x144xf32, #tpu.memory_space<vmem_shared>>) target_semaphore(%run_scoped3A : memref<!tpu.dma_semaphore, #tpu.memory_space<semaphore_mem>>)
      %dma_wait3A = arith.constant 0 : i32
      %dma_wait3A_102 = arith.constant 0 : i32
      %dma_wait3A_103 = tpu.memref_slice %arg12[%dma_wait3A, %dma_wait3A_102] : memref<40x144xf32, #tpu.memory_space<vmem>> -> memref<40x144xf32, #tpu.memory_space<vmem>>
      %dma_wait3A_104 = arith.constant 0 : i32
      %dma_wait3A_105 = tpu.memref_slice %arg16[%add3A_43, %dma_wait3A_104] : memref<10000x144xf32, #tpu.memory_space<vmem_shared>> -> memref<40x144xf32, #tpu.memory_space<vmem_shared>>
      %dma_wait3A_106 = arith.constant 0 : i32
      %dma_wait3A_107 = tpu.memref_slice %arg16[%add3A_43, %dma_wait3A_106] : memref<10000x144xf32, #tpu.memory_space<vmem_shared>> -> memref<40x144xf32, #tpu.memory_space<vmem_shared>>
      %dma_wait3A_108 = arith.constant 0 : i32
      %dma_wait3A_109 = arith.constant 0 : i32
      %dma_wait3A_110 = tpu.memref_slice %arg12[%dma_wait3A_108, %dma_wait3A_109] : memref<40x144xf32, #tpu.memory_space<vmem>> -> memref<40x144xf32, #tpu.memory_space<vmem>>
      tpu.wait_dma2 semaphore(%run_scoped3A : memref<!tpu.dma_semaphore, #tpu.memory_space<semaphore_mem>>) src(%dma_wait3A_110 : memref<40x144xf32, #tpu.memory_space<vmem>>) dst(%dma_wait3A_107 : memref<40x144xf32, #tpu.memory_space<vmem_shared>>)
      tpu.yield
    }) : () -> ()
    %mul3A_44 = arith.constant 625 : i32
    %mul3A_45 = arith.muli %arg1, %mul3A_44 : i32
    %add3A_46 = arith.constant 400 : i32
    %add3A_47 = arith.addi %mul3A_45, %add3A_46 : i32
    "tpu.region"() ({
      %run_scoped3A = tpu.sem_alloc : memref<!tpu.dma_semaphore, #tpu.memory_space<semaphore_mem>>
      %dma_start3A = arith.constant 0 : i32
      %dma_start3A_93 = arith.constant 0 : i32
      %dma_start3A_94 = tpu.memref_slice %arg12[%dma_start3A, %dma_start3A_93] : memref<40x144xf32, #tpu.memory_space<vmem>> -> memref<40x144xf32, #tpu.memory_space<vmem>>
      %dma_start3A_95 = arith.constant 0 : i32
      %dma_start3A_96 = tpu.memref_slice %arg16[%add3A_47, %dma_start3A_95] : memref<10000x144xf32, #tpu.memory_space<vmem_shared>> -> memref<40x144xf32, #tpu.memory_space<vmem_shared>>
      %dma_start3A_97 = arith.constant 0 : i32
      %dma_start3A_98 = tpu.memref_slice %arg16[%add3A_47, %dma_start3A_97] : memref<10000x144xf32, #tpu.memory_space<vmem_shared>> -> memref<40x144xf32, #tpu.memory_space<vmem_shared>>
      %dma_start3A_99 = arith.constant 0 : i32
      %dma_start3A_100 = arith.constant 0 : i32
      %dma_start3A_101 = tpu.memref_slice %arg12[%dma_start3A_99, %dma_start3A_100] : memref<40x144xf32, #tpu.memory_space<vmem>> -> memref<40x144xf32, #tpu.memory_space<vmem>>
      tpu.enqueue_dma source(%dma_start3A_101 : memref<40x144xf32, #tpu.memory_space<vmem>>) target(%dma_start3A_98 : memref<40x144xf32, #tpu.memory_space<vmem_shared>>) target_semaphore(%run_scoped3A : memref<!tpu.dma_semaphore, #tpu.memory_space<semaphore_mem>>)
      %dma_wait3A = arith.constant 0 : i32
      %dma_wait3A_102 = arith.constant 0 : i32
      %dma_wait3A_103 = tpu.memref_slice %arg12[%dma_wait3A, %dma_wait3A_102] : memref<40x144xf32, #tpu.memory_space<vmem>> -> memref<40x144xf32, #tpu.memory_space<vmem>>
      %dma_wait3A_104 = arith.constant 0 : i32
      %dma_wait3A_105 = tpu.memref_slice %arg16[%add3A_47, %dma_wait3A_104] : memref<10000x144xf32, #tpu.memory_space<vmem_shared>> -> memref<40x144xf32, #tpu.memory_space<vmem_shared>>
      %dma_wait3A_106 = arith.constant 0 : i32
      %dma_wait3A_107 = tpu.memref_slice %arg16[%add3A_47, %dma_wait3A_106] : memref<10000x144xf32, #tpu.memory_space<vmem_shared>> -> memref<40x144xf32, #tpu.memory_space<vmem_shared>>
      %dma_wait3A_108 = arith.constant 0 : i32
      %dma_wait3A_109 = arith.constant 0 : i32
      %dma_wait3A_110 = tpu.memref_slice %arg12[%dma_wait3A_108, %dma_wait3A_109] : memref<40x144xf32, #tpu.memory_space<vmem>> -> memref<40x144xf32, #tpu.memory_space<vmem>>
      tpu.wait_dma2 semaphore(%run_scoped3A : memref<!tpu.dma_semaphore, #tpu.memory_space<semaphore_mem>>) src(%dma_wait3A_110 : memref<40x144xf32, #tpu.memory_space<vmem>>) dst(%dma_wait3A_107 : memref<40x144xf32, #tpu.memory_space<vmem_shared>>)
      tpu.yield
    }) : () -> ()
    %mul3A_48 = arith.constant 625 : i32
    %mul3A_49 = arith.muli %arg1, %mul3A_48 : i32
    %add3A_50 = arith.constant 440 : i32
    %add3A_51 = arith.addi %mul3A_49, %add3A_50 : i32
    "tpu.region"() ({
      %run_scoped3A = tpu.sem_alloc : memref<!tpu.dma_semaphore, #tpu.memory_space<semaphore_mem>>
      %dma_start3A = arith.constant 0 : i32
      %dma_start3A_93 = arith.constant 0 : i32
      %dma_start3A_94 = tpu.memref_slice %arg12[%dma_start3A, %dma_start3A_93] : memref<40x144xf32, #tpu.memory_space<vmem>> -> memref<40x144xf32, #tpu.memory_space<vmem>>
      %dma_start3A_95 = arith.constant 0 : i32
      %dma_start3A_96 = tpu.memref_slice %arg16[%add3A_51, %dma_start3A_95] : memref<10000x144xf32, #tpu.memory_space<vmem_shared>> -> memref<40x144xf32, #tpu.memory_space<vmem_shared>>
      %dma_start3A_97 = arith.constant 0 : i32
      %dma_start3A_98 = tpu.memref_slice %arg16[%add3A_51, %dma_start3A_97] : memref<10000x144xf32, #tpu.memory_space<vmem_shared>> -> memref<40x144xf32, #tpu.memory_space<vmem_shared>>
      %dma_start3A_99 = arith.constant 0 : i32
      %dma_start3A_100 = arith.constant 0 : i32
      %dma_start3A_101 = tpu.memref_slice %arg12[%dma_start3A_99, %dma_start3A_100] : memref<40x144xf32, #tpu.memory_space<vmem>> -> memref<40x144xf32, #tpu.memory_space<vmem>>
      tpu.enqueue_dma source(%dma_start3A_101 : memref<40x144xf32, #tpu.memory_space<vmem>>) target(%dma_start3A_98 : memref<40x144xf32, #tpu.memory_space<vmem_shared>>) target_semaphore(%run_scoped3A : memref<!tpu.dma_semaphore, #tpu.memory_space<semaphore_mem>>)
      %dma_wait3A = arith.constant 0 : i32
      %dma_wait3A_102 = arith.constant 0 : i32
      %dma_wait3A_103 = tpu.memref_slice %arg12[%dma_wait3A, %dma_wait3A_102] : memref<40x144xf32, #tpu.memory_space<vmem>> -> memref<40x144xf32, #tpu.memory_space<vmem>>
      %dma_wait3A_104 = arith.constant 0 : i32
      %dma_wait3A_105 = tpu.memref_slice %arg16[%add3A_51, %dma_wait3A_104] : memref<10000x144xf32, #tpu.memory_space<vmem_shared>> -> memref<40x144xf32, #tpu.memory_space<vmem_shared>>
      %dma_wait3A_106 = arith.constant 0 : i32
      %dma_wait3A_107 = tpu.memref_slice %arg16[%add3A_51, %dma_wait3A_106] : memref<10000x144xf32, #tpu.memory_space<vmem_shared>> -> memref<40x144xf32, #tpu.memory_space<vmem_shared>>
      %dma_wait3A_108 = arith.constant 0 : i32
      %dma_wait3A_109 = arith.constant 0 : i32
      %dma_wait3A_110 = tpu.memref_slice %arg12[%dma_wait3A_108, %dma_wait3A_109] : memref<40x144xf32, #tpu.memory_space<vmem>> -> memref<40x144xf32, #tpu.memory_space<vmem>>
      tpu.wait_dma2 semaphore(%run_scoped3A : memref<!tpu.dma_semaphore, #tpu.memory_space<semaphore_mem>>) src(%dma_wait3A_110 : memref<40x144xf32, #tpu.memory_space<vmem>>) dst(%dma_wait3A_107 : memref<40x144xf32, #tpu.memory_space<vmem_shared>>)
      tpu.yield
    }) : () -> ()
    %mul3A_52 = arith.constant 625 : i32
    %mul3A_53 = arith.muli %arg1, %mul3A_52 : i32
    %add3A_54 = arith.constant 480 : i32
    %add3A_55 = arith.addi %mul3A_53, %add3A_54 : i32
    "tpu.region"() ({
      %run_scoped3A = tpu.sem_alloc : memref<!tpu.dma_semaphore, #tpu.memory_space<semaphore_mem>>
      %dma_start3A = arith.constant 0 : i32
      %dma_start3A_93 = arith.constant 0 : i32
      %dma_start3A_94 = tpu.memref_slice %arg12[%dma_start3A, %dma_start3A_93] : memref<40x144xf32, #tpu.memory_space<vmem>> -> memref<40x144xf32, #tpu.memory_space<vmem>>
      %dma_start3A_95 = arith.constant 0 : i32
      %dma_start3A_96 = tpu.memref_slice %arg16[%add3A_55, %dma_start3A_95] : memref<10000x144xf32, #tpu.memory_space<vmem_shared>> -> memref<40x144xf32, #tpu.memory_space<vmem_shared>>
      %dma_start3A_97 = arith.constant 0 : i32
      %dma_start3A_98 = tpu.memref_slice %arg16[%add3A_55, %dma_start3A_97] : memref<10000x144xf32, #tpu.memory_space<vmem_shared>> -> memref<40x144xf32, #tpu.memory_space<vmem_shared>>
      %dma_start3A_99 = arith.constant 0 : i32
      %dma_start3A_100 = arith.constant 0 : i32
      %dma_start3A_101 = tpu.memref_slice %arg12[%dma_start3A_99, %dma_start3A_100] : memref<40x144xf32, #tpu.memory_space<vmem>> -> memref<40x144xf32, #tpu.memory_space<vmem>>
      tpu.enqueue_dma source(%dma_start3A_101 : memref<40x144xf32, #tpu.memory_space<vmem>>) target(%dma_start3A_98 : memref<40x144xf32, #tpu.memory_space<vmem_shared>>) target_semaphore(%run_scoped3A : memref<!tpu.dma_semaphore, #tpu.memory_space<semaphore_mem>>)
      %dma_wait3A = arith.constant 0 : i32
      %dma_wait3A_102 = arith.constant 0 : i32
      %dma_wait3A_103 = tpu.memref_slice %arg12[%dma_wait3A, %dma_wait3A_102] : memref<40x144xf32, #tpu.memory_space<vmem>> -> memref<40x144xf32, #tpu.memory_space<vmem>>
      %dma_wait3A_104 = arith.constant 0 : i32
      %dma_wait3A_105 = tpu.memref_slice %arg16[%add3A_55, %dma_wait3A_104] : memref<10000x144xf32, #tpu.memory_space<vmem_shared>> -> memref<40x144xf32, #tpu.memory_space<vmem_shared>>
      %dma_wait3A_106 = arith.constant 0 : i32
      %dma_wait3A_107 = tpu.memref_slice %arg16[%add3A_55, %dma_wait3A_106] : memref<10000x144xf32, #tpu.memory_space<vmem_shared>> -> memref<40x144xf32, #tpu.memory_space<vmem_shared>>
      %dma_wait3A_108 = arith.constant 0 : i32
      %dma_wait3A_109 = arith.constant 0 : i32
      %dma_wait3A_110 = tpu.memref_slice %arg12[%dma_wait3A_108, %dma_wait3A_109] : memref<40x144xf32, #tpu.memory_space<vmem>> -> memref<40x144xf32, #tpu.memory_space<vmem>>
      tpu.wait_dma2 semaphore(%run_scoped3A : memref<!tpu.dma_semaphore, #tpu.memory_space<semaphore_mem>>) src(%dma_wait3A_110 : memref<40x144xf32, #tpu.memory_space<vmem>>) dst(%dma_wait3A_107 : memref<40x144xf32, #tpu.memory_space<vmem_shared>>)
      tpu.yield
    }) : () -> ()
    %mul3A_56 = arith.constant 625 : i32
    %mul3A_57 = arith.muli %arg1, %mul3A_56 : i32
    %add3A_58 = arith.constant 520 : i32
    %add3A_59 = arith.addi %mul3A_57, %add3A_58 : i32
    "tpu.region"() ({
      %run_scoped3A = tpu.sem_alloc : memref<!tpu.dma_semaphore, #tpu.memory_space<semaphore_mem>>
      %dma_start3A = arith.constant 0 : i32
      %dma_start3A_93 = arith.constant 0 : i32
      %dma_start3A_94 = tpu.memref_slice %arg12[%dma_start3A, %dma_start3A_93] : memref<40x144xf32, #tpu.memory_space<vmem>> -> memref<40x144xf32, #tpu.memory_space<vmem>>
      %dma_start3A_95 = arith.constant 0 : i32
      %dma_start3A_96 = tpu.memref_slice %arg16[%add3A_59, %dma_start3A_95] : memref<10000x144xf32, #tpu.memory_space<vmem_shared>> -> memref<40x144xf32, #tpu.memory_space<vmem_shared>>
      %dma_start3A_97 = arith.constant 0 : i32
      %dma_start3A_98 = tpu.memref_slice %arg16[%add3A_59, %dma_start3A_97] : memref<10000x144xf32, #tpu.memory_space<vmem_shared>> -> memref<40x144xf32, #tpu.memory_space<vmem_shared>>
      %dma_start3A_99 = arith.constant 0 : i32
      %dma_start3A_100 = arith.constant 0 : i32
      %dma_start3A_101 = tpu.memref_slice %arg12[%dma_start3A_99, %dma_start3A_100] : memref<40x144xf32, #tpu.memory_space<vmem>> -> memref<40x144xf32, #tpu.memory_space<vmem>>
      tpu.enqueue_dma source(%dma_start3A_101 : memref<40x144xf32, #tpu.memory_space<vmem>>) target(%dma_start3A_98 : memref<40x144xf32, #tpu.memory_space<vmem_shared>>) target_semaphore(%run_scoped3A : memref<!tpu.dma_semaphore, #tpu.memory_space<semaphore_mem>>)
      %dma_wait3A = arith.constant 0 : i32
      %dma_wait3A_102 = arith.constant 0 : i32
      %dma_wait3A_103 = tpu.memref_slice %arg12[%dma_wait3A, %dma_wait3A_102] : memref<40x144xf32, #tpu.memory_space<vmem>> -> memref<40x144xf32, #tpu.memory_space<vmem>>
      %dma_wait3A_104 = arith.constant 0 : i32
      %dma_wait3A_105 = tpu.memref_slice %arg16[%add3A_59, %dma_wait3A_104] : memref<10000x144xf32, #tpu.memory_space<vmem_shared>> -> memref<40x144xf32, #tpu.memory_space<vmem_shared>>
      %dma_wait3A_106 = arith.constant 0 : i32
      %dma_wait3A_107 = tpu.memref_slice %arg16[%add3A_59, %dma_wait3A_106] : memref<10000x144xf32, #tpu.memory_space<vmem_shared>> -> memref<40x144xf32, #tpu.memory_space<vmem_shared>>
      %dma_wait3A_108 = arith.constant 0 : i32
      %dma_wait3A_109 = arith.constant 0 : i32
      %dma_wait3A_110 = tpu.memref_slice %arg12[%dma_wait3A_108, %dma_wait3A_109] : memref<40x144xf32, #tpu.memory_space<vmem>> -> memref<40x144xf32, #tpu.memory_space<vmem>>
      tpu.wait_dma2 semaphore(%run_scoped3A : memref<!tpu.dma_semaphore, #tpu.memory_space<semaphore_mem>>) src(%dma_wait3A_110 : memref<40x144xf32, #tpu.memory_space<vmem>>) dst(%dma_wait3A_107 : memref<40x144xf32, #tpu.memory_space<vmem_shared>>)
      tpu.yield
    }) : () -> ()
    %mul3A_60 = arith.constant 625 : i32
    %mul3A_61 = arith.muli %arg1, %mul3A_60 : i32
    %add3A_62 = arith.constant 560 : i32
    %add3A_63 = arith.addi %mul3A_61, %add3A_62 : i32
    "tpu.region"() ({
      %run_scoped3A = tpu.sem_alloc : memref<!tpu.dma_semaphore, #tpu.memory_space<semaphore_mem>>
      %dma_start3A = arith.constant 0 : i32
      %dma_start3A_93 = arith.constant 0 : i32
      %dma_start3A_94 = tpu.memref_slice %arg12[%dma_start3A, %dma_start3A_93] : memref<40x144xf32, #tpu.memory_space<vmem>> -> memref<40x144xf32, #tpu.memory_space<vmem>>
      %dma_start3A_95 = arith.constant 0 : i32
      %dma_start3A_96 = tpu.memref_slice %arg16[%add3A_63, %dma_start3A_95] : memref<10000x144xf32, #tpu.memory_space<vmem_shared>> -> memref<40x144xf32, #tpu.memory_space<vmem_shared>>
      %dma_start3A_97 = arith.constant 0 : i32
      %dma_start3A_98 = tpu.memref_slice %arg16[%add3A_63, %dma_start3A_97] : memref<10000x144xf32, #tpu.memory_space<vmem_shared>> -> memref<40x144xf32, #tpu.memory_space<vmem_shared>>
      %dma_start3A_99 = arith.constant 0 : i32
      %dma_start3A_100 = arith.constant 0 : i32
      %dma_start3A_101 = tpu.memref_slice %arg12[%dma_start3A_99, %dma_start3A_100] : memref<40x144xf32, #tpu.memory_space<vmem>> -> memref<40x144xf32, #tpu.memory_space<vmem>>
      tpu.enqueue_dma source(%dma_start3A_101 : memref<40x144xf32, #tpu.memory_space<vmem>>) target(%dma_start3A_98 : memref<40x144xf32, #tpu.memory_space<vmem_shared>>) target_semaphore(%run_scoped3A : memref<!tpu.dma_semaphore, #tpu.memory_space<semaphore_mem>>)
      %dma_wait3A = arith.constant 0 : i32
      %dma_wait3A_102 = arith.constant 0 : i32
      %dma_wait3A_103 = tpu.memref_slice %arg12[%dma_wait3A, %dma_wait3A_102] : memref<40x144xf32, #tpu.memory_space<vmem>> -> memref<40x144xf32, #tpu.memory_space<vmem>>
      %dma_wait3A_104 = arith.constant 0 : i32
      %dma_wait3A_105 = tpu.memref_slice %arg16[%add3A_63, %dma_wait3A_104] : memref<10000x144xf32, #tpu.memory_space<vmem_shared>> -> memref<40x144xf32, #tpu.memory_space<vmem_shared>>
      %dma_wait3A_106 = arith.constant 0 : i32
      %dma_wait3A_107 = tpu.memref_slice %arg16[%add3A_63, %dma_wait3A_106] : memref<10000x144xf32, #tpu.memory_space<vmem_shared>> -> memref<40x144xf32, #tpu.memory_space<vmem_shared>>
      %dma_wait3A_108 = arith.constant 0 : i32
      %dma_wait3A_109 = arith.constant 0 : i32
      %dma_wait3A_110 = tpu.memref_slice %arg12[%dma_wait3A_108, %dma_wait3A_109] : memref<40x144xf32, #tpu.memory_space<vmem>> -> memref<40x144xf32, #tpu.memory_space<vmem>>
      tpu.wait_dma2 semaphore(%run_scoped3A : memref<!tpu.dma_semaphore, #tpu.memory_space<semaphore_mem>>) src(%dma_wait3A_110 : memref<40x144xf32, #tpu.memory_space<vmem>>) dst(%dma_wait3A_107 : memref<40x144xf32, #tpu.memory_space<vmem_shared>>)
      tpu.yield
    }) : () -> ()
    %mul3A_64 = arith.constant 625 : i32
    %mul3A_65 = arith.muli %arg1, %mul3A_64 : i32
    %add3A_66 = arith.constant 600 : i32
    %add3A_67 = arith.addi %mul3A_65, %add3A_66 : i32
    "tpu.region"() ({
      %run_scoped3A = tpu.sem_alloc : memref<!tpu.dma_semaphore, #tpu.memory_space<semaphore_mem>>
      %dma_start3A = arith.constant 0 : i32
      %dma_start3A_93 = arith.constant 0 : i32
      %dma_start3A_94 = tpu.memref_slice %arg12[%dma_start3A, %dma_start3A_93] : memref<40x144xf32, #tpu.memory_space<vmem>> -> memref<25x144xf32, #tpu.memory_space<vmem>>
      %dma_start3A_95 = arith.constant 0 : i32
      %dma_start3A_96 = tpu.memref_slice %arg16[%add3A_67, %dma_start3A_95] : memref<10000x144xf32, #tpu.memory_space<vmem_shared>> -> memref<25x144xf32, #tpu.memory_space<vmem_shared>>
      %dma_start3A_97 = arith.constant 0 : i32
      %dma_start3A_98 = tpu.memref_slice %arg16[%add3A_67, %dma_start3A_97] : memref<10000x144xf32, #tpu.memory_space<vmem_shared>> -> memref<25x144xf32, #tpu.memory_space<vmem_shared>>
      %dma_start3A_99 = arith.constant 0 : i32
      %dma_start3A_100 = arith.constant 0 : i32
      %dma_start3A_101 = tpu.memref_slice %arg12[%dma_start3A_99, %dma_start3A_100] : memref<40x144xf32, #tpu.memory_space<vmem>> -> memref<25x144xf32, #tpu.memory_space<vmem>>
      tpu.enqueue_dma source(%dma_start3A_101 : memref<25x144xf32, #tpu.memory_space<vmem>>) target(%dma_start3A_98 : memref<25x144xf32, #tpu.memory_space<vmem_shared>>) target_semaphore(%run_scoped3A : memref<!tpu.dma_semaphore, #tpu.memory_space<semaphore_mem>>)
      %dma_wait3A = arith.constant 0 : i32
      %dma_wait3A_102 = arith.constant 0 : i32
      %dma_wait3A_103 = tpu.memref_slice %arg12[%dma_wait3A, %dma_wait3A_102] : memref<40x144xf32, #tpu.memory_space<vmem>> -> memref<25x144xf32, #tpu.memory_space<vmem>>
      %dma_wait3A_104 = arith.constant 0 : i32
      %dma_wait3A_105 = tpu.memref_slice %arg16[%add3A_67, %dma_wait3A_104] : memref<10000x144xf32, #tpu.memory_space<vmem_shared>> -> memref<25x144xf32, #tpu.memory_space<vmem_shared>>
      %dma_wait3A_106 = arith.constant 0 : i32
      %dma_wait3A_107 = tpu.memref_slice %arg16[%add3A_67, %dma_wait3A_106] : memref<10000x144xf32, #tpu.memory_space<vmem_shared>> -> memref<25x144xf32, #tpu.memory_space<vmem_shared>>
      %dma_wait3A_108 = arith.constant 0 : i32
      %dma_wait3A_109 = arith.constant 0 : i32
      %dma_wait3A_110 = tpu.memref_slice %arg12[%dma_wait3A_108, %dma_wait3A_109] : memref<40x144xf32, #tpu.memory_space<vmem>> -> memref<25x144xf32, #tpu.memory_space<vmem>>
      tpu.wait_dma2 semaphore(%run_scoped3A : memref<!tpu.dma_semaphore, #tpu.memory_space<semaphore_mem>>) src(%dma_wait3A_110 : memref<25x144xf32, #tpu.memory_space<vmem>>) dst(%dma_wait3A_107 : memref<25x144xf32, #tpu.memory_space<vmem_shared>>)
      tpu.yield
    }) : () -> ()
    %mul3A_68 = arith.constant 65 : i32
    %mul3A_69 = arith.muli %arg1, %mul3A_68 : i32
    %add3A_70 = arith.constant 0 : i32
    %add3A_71 = arith.addi %mul3A_69, %add3A_70 : i32
    "tpu.region"() ({
      %run_scoped3A = tpu.sem_alloc : memref<!tpu.dma_semaphore, #tpu.memory_space<semaphore_mem>>
      %dma_start3A = arith.constant 0 : i32
      %dma_start3A_93 = arith.constant 0 : i32
      %dma_start3A_94 = tpu.memref_slice %arg12[%dma_start3A, %dma_start3A_93] : memref<40x144xf32, #tpu.memory_space<vmem>> -> memref<40x144xf32, #tpu.memory_space<vmem>>
      %dma_start3A_95 = arith.constant 0 : i32
      %dma_start3A_96 = tpu.memref_slice %arg17[%add3A_71, %dma_start3A_95] : memref<1040x144xf32, #tpu.memory_space<vmem_shared>> -> memref<40x144xf32, #tpu.memory_space<vmem_shared>>
      %dma_start3A_97 = arith.constant 0 : i32
      %dma_start3A_98 = tpu.memref_slice %arg17[%add3A_71, %dma_start3A_97] : memref<1040x144xf32, #tpu.memory_space<vmem_shared>> -> memref<40x144xf32, #tpu.memory_space<vmem_shared>>
      %dma_start3A_99 = arith.constant 0 : i32
      %dma_start3A_100 = arith.constant 0 : i32
      %dma_start3A_101 = tpu.memref_slice %arg12[%dma_start3A_99, %dma_start3A_100] : memref<40x144xf32, #tpu.memory_space<vmem>> -> memref<40x144xf32, #tpu.memory_space<vmem>>
      tpu.enqueue_dma source(%dma_start3A_101 : memref<40x144xf32, #tpu.memory_space<vmem>>) target(%dma_start3A_98 : memref<40x144xf32, #tpu.memory_space<vmem_shared>>) target_semaphore(%run_scoped3A : memref<!tpu.dma_semaphore, #tpu.memory_space<semaphore_mem>>)
      %dma_wait3A = arith.constant 0 : i32
      %dma_wait3A_102 = arith.constant 0 : i32
      %dma_wait3A_103 = tpu.memref_slice %arg12[%dma_wait3A, %dma_wait3A_102] : memref<40x144xf32, #tpu.memory_space<vmem>> -> memref<40x144xf32, #tpu.memory_space<vmem>>
      %dma_wait3A_104 = arith.constant 0 : i32
      %dma_wait3A_105 = tpu.memref_slice %arg17[%add3A_71, %dma_wait3A_104] : memref<1040x144xf32, #tpu.memory_space<vmem_shared>> -> memref<40x144xf32, #tpu.memory_space<vmem_shared>>
      %dma_wait3A_106 = arith.constant 0 : i32
      %dma_wait3A_107 = tpu.memref_slice %arg17[%add3A_71, %dma_wait3A_106] : memref<1040x144xf32, #tpu.memory_space<vmem_shared>> -> memref<40x144xf32, #tpu.memory_space<vmem_shared>>
      %dma_wait3A_108 = arith.constant 0 : i32
      %dma_wait3A_109 = arith.constant 0 : i32
      %dma_wait3A_110 = tpu.memref_slice %arg12[%dma_wait3A_108, %dma_wait3A_109] : memref<40x144xf32, #tpu.memory_space<vmem>> -> memref<40x144xf32, #tpu.memory_space<vmem>>
      tpu.wait_dma2 semaphore(%run_scoped3A : memref<!tpu.dma_semaphore, #tpu.memory_space<semaphore_mem>>) src(%dma_wait3A_110 : memref<40x144xf32, #tpu.memory_space<vmem>>) dst(%dma_wait3A_107 : memref<40x144xf32, #tpu.memory_space<vmem_shared>>)
      tpu.yield
    }) : () -> ()
    %mul3A_72 = arith.constant 65 : i32
    %mul3A_73 = arith.muli %arg1, %mul3A_72 : i32
    %add3A_74 = arith.constant 40 : i32
    %add3A_75 = arith.addi %mul3A_73, %add3A_74 : i32
    "tpu.region"() ({
      %run_scoped3A = tpu.sem_alloc : memref<!tpu.dma_semaphore, #tpu.memory_space<semaphore_mem>>
      %dma_start3A = arith.constant 0 : i32
      %dma_start3A_93 = arith.constant 0 : i32
      %dma_start3A_94 = tpu.memref_slice %arg12[%dma_start3A, %dma_start3A_93] : memref<40x144xf32, #tpu.memory_space<vmem>> -> memref<25x144xf32, #tpu.memory_space<vmem>>
      %dma_start3A_95 = arith.constant 0 : i32
      %dma_start3A_96 = tpu.memref_slice %arg17[%add3A_75, %dma_start3A_95] : memref<1040x144xf32, #tpu.memory_space<vmem_shared>> -> memref<25x144xf32, #tpu.memory_space<vmem_shared>>
      %dma_start3A_97 = arith.constant 0 : i32
      %dma_start3A_98 = tpu.memref_slice %arg17[%add3A_75, %dma_start3A_97] : memref<1040x144xf32, #tpu.memory_space<vmem_shared>> -> memref<25x144xf32, #tpu.memory_space<vmem_shared>>
      %dma_start3A_99 = arith.constant 0 : i32
      %dma_start3A_100 = arith.constant 0 : i32
      %dma_start3A_101 = tpu.memref_slice %arg12[%dma_start3A_99, %dma_start3A_100] : memref<40x144xf32, #tpu.memory_space<vmem>> -> memref<25x144xf32, #tpu.memory_space<vmem>>
      tpu.enqueue_dma source(%dma_start3A_101 : memref<25x144xf32, #tpu.memory_space<vmem>>) target(%dma_start3A_98 : memref<25x144xf32, #tpu.memory_space<vmem_shared>>) target_semaphore(%run_scoped3A : memref<!tpu.dma_semaphore, #tpu.memory_space<semaphore_mem>>)
      %dma_wait3A = arith.constant 0 : i32
      %dma_wait3A_102 = arith.constant 0 : i32
      %dma_wait3A_103 = tpu.memref_slice %arg12[%dma_wait3A, %dma_wait3A_102] : memref<40x144xf32, #tpu.memory_space<vmem>> -> memref<25x144xf32, #tpu.memory_space<vmem>>
      %dma_wait3A_104 = arith.constant 0 : i32
      %dma_wait3A_105 = tpu.memref_slice %arg17[%add3A_75, %dma_wait3A_104] : memref<1040x144xf32, #tpu.memory_space<vmem_shared>> -> memref<25x144xf32, #tpu.memory_space<vmem_shared>>
      %dma_wait3A_106 = arith.constant 0 : i32
      %dma_wait3A_107 = tpu.memref_slice %arg17[%add3A_75, %dma_wait3A_106] : memref<1040x144xf32, #tpu.memory_space<vmem_shared>> -> memref<25x144xf32, #tpu.memory_space<vmem_shared>>
      %dma_wait3A_108 = arith.constant 0 : i32
      %dma_wait3A_109 = arith.constant 0 : i32
      %dma_wait3A_110 = tpu.memref_slice %arg12[%dma_wait3A_108, %dma_wait3A_109] : memref<40x144xf32, #tpu.memory_space<vmem>> -> memref<25x144xf32, #tpu.memory_space<vmem>>
      tpu.wait_dma2 semaphore(%run_scoped3A : memref<!tpu.dma_semaphore, #tpu.memory_space<semaphore_mem>>) src(%dma_wait3A_110 : memref<25x144xf32, #tpu.memory_space<vmem>>) dst(%dma_wait3A_107 : memref<25x144xf32, #tpu.memory_space<vmem_shared>>)
      tpu.yield
    }) : () -> ()
    %barrier3A = arith.constant 0 : index
    tpu.barrier barrier_id(%barrier3A)
    "tpu.region"() ({
      %run_scoped3A = tpu.sem_alloc : memref<!tpu.dma_semaphore, #tpu.memory_space<semaphore_mem>>
      %dma_start3A = arith.constant 0 : i32
      %dma_start3A_93 = arith.constant 0 : i32
      %dma_start3A_94 = tpu.memref_slice %arg4[%arg0, %dma_start3A, %dma_start3A_93] : memref<2x16x10000xi32, #tpu.memory_space<hbm>> -> memref<1x16x10000xi32, #tpu.memory_space<hbm>>
      %dma_start3A_95 = tpu.memref_squeeze %dma_start3A_94 : memref<1x16x10000xi32, #tpu.memory_space<hbm>> -> memref<16x10000xi32, #tpu.memory_space<hbm>>
      %dma_start3A_96 = arith.constant 0 : i32
      %dma_start3A_97 = tpu.memref_slice %dma_start3A_95[%arg1, %dma_start3A_96] : memref<16x10000xi32, #tpu.memory_space<hbm>> -> memref<1x10000xi32, #tpu.memory_space<hbm>>
      %dma_start3A_98 = tpu.memref_squeeze %dma_start3A_97 : memref<1x10000xi32, #tpu.memory_space<hbm>> -> memref<10000xi32, #tpu.memory_space<hbm>>
      %dma_start3A_99 = arith.constant 0 : i32
      %dma_start3A_100 = arith.constant 0 : i32
      %dma_start3A_101 = tpu.memref_slice %arg4[%arg0, %dma_start3A_99, %dma_start3A_100] : memref<2x16x10000xi32, #tpu.memory_space<hbm>> -> memref<1x16x10000xi32, #tpu.memory_space<hbm>>
      %dma_start3A_102 = tpu.memref_squeeze %dma_start3A_101 : memref<1x16x10000xi32, #tpu.memory_space<hbm>> -> memref<16x10000xi32, #tpu.memory_space<hbm>>
      %dma_start3A_103 = arith.constant 0 : i32
      %dma_start3A_104 = tpu.memref_slice %dma_start3A_102[%arg1, %dma_start3A_103] : memref<16x10000xi32, #tpu.memory_space<hbm>> -> memref<1x10000xi32, #tpu.memory_space<hbm>>
      %dma_start3A_105 = tpu.memref_squeeze %dma_start3A_104 : memref<1x10000xi32, #tpu.memory_space<hbm>> -> memref<10000xi32, #tpu.memory_space<hbm>>
      tpu.enqueue_dma source(%dma_start3A_105 : memref<10000xi32, #tpu.memory_space<hbm>>) target(%arg10 : memref<10000xi32, #tpu.memory_space<vmem>>) target_semaphore(%run_scoped3A : memref<!tpu.dma_semaphore, #tpu.memory_space<semaphore_mem>>)
      %dma_wait3A = arith.constant 0 : i32
      %dma_wait3A_106 = arith.constant 0 : i32
      %dma_wait3A_107 = tpu.memref_slice %arg4[%arg0, %dma_wait3A, %dma_wait3A_106] : memref<2x16x10000xi32, #tpu.memory_space<hbm>> -> memref<1x16x10000xi32, #tpu.memory_space<hbm>>
      %dma_wait3A_108 = tpu.memref_squeeze %dma_wait3A_107 : memref<1x16x10000xi32, #tpu.memory_space<hbm>> -> memref<16x10000xi32, #tpu.memory_space<hbm>>
      %dma_wait3A_109 = arith.constant 0 : i32
      %dma_wait3A_110 = tpu.memref_slice %dma_wait3A_108[%arg1, %dma_wait3A_109] : memref<16x10000xi32, #tpu.memory_space<hbm>> -> memref<1x10000xi32, #tpu.memory_space<hbm>>
      %dma_wait3A_111 = tpu.memref_squeeze %dma_wait3A_110 : memref<1x10000xi32, #tpu.memory_space<hbm>> -> memref<10000xi32, #tpu.memory_space<hbm>>
      %dma_wait3A_112 = arith.constant 0 : i32
      %dma_wait3A_113 = arith.constant 0 : i32
      %dma_wait3A_114 = tpu.memref_slice %arg4[%arg0, %dma_wait3A_112, %dma_wait3A_113] : memref<2x16x10000xi32, #tpu.memory_space<hbm>> -> memref<1x16x10000xi32, #tpu.memory_space<hbm>>
      %dma_wait3A_115 = tpu.memref_squeeze %dma_wait3A_114 : memref<1x16x10000xi32, #tpu.memory_space<hbm>> -> memref<16x10000xi32, #tpu.memory_space<hbm>>
      %dma_wait3A_116 = arith.constant 0 : i32
      %dma_wait3A_117 = tpu.memref_slice %dma_wait3A_115[%arg1, %dma_wait3A_116] : memref<16x10000xi32, #tpu.memory_space<hbm>> -> memref<1x10000xi32, #tpu.memory_space<hbm>>
      %dma_wait3A_118 = tpu.memref_squeeze %dma_wait3A_117 : memref<1x10000xi32, #tpu.memory_space<hbm>> -> memref<10000xi32, #tpu.memory_space<hbm>>
      tpu.wait_dma2 semaphore(%run_scoped3A : memref<!tpu.dma_semaphore, #tpu.memory_space<semaphore_mem>>) src(%dma_wait3A_118 : memref<10000xi32, #tpu.memory_space<hbm>>) dst(%arg10 : memref<10000xi32, #tpu.memory_space<vmem>>)
      tpu.yield
    }) : () -> ()
    "tpu.region"() ({
      %run_scoped3A = tpu.sem_alloc : memref<!tpu.dma_semaphore, #tpu.memory_space<semaphore_mem>>
      %dma_start3A = arith.constant 0 : i32
      %dma_start3A_93 = arith.constant 0 : i32
      %dma_start3A_94 = tpu.memref_slice %arg6[%arg0, %dma_start3A, %dma_start3A_93] : memref<2x16x10000xi32, #tpu.memory_space<hbm>> -> memref<1x16x10000xi32, #tpu.memory_space<hbm>>
      %dma_start3A_95 = tpu.memref_squeeze %dma_start3A_94 : memref<1x16x10000xi32, #tpu.memory_space<hbm>> -> memref<16x10000xi32, #tpu.memory_space<hbm>>
      %dma_start3A_96 = arith.constant 0 : i32
      %dma_start3A_97 = tpu.memref_slice %dma_start3A_95[%arg1, %dma_start3A_96] : memref<16x10000xi32, #tpu.memory_space<hbm>> -> memref<1x10000xi32, #tpu.memory_space<hbm>>
      %dma_start3A_98 = tpu.memref_squeeze %dma_start3A_97 : memref<1x10000xi32, #tpu.memory_space<hbm>> -> memref<10000xi32, #tpu.memory_space<hbm>>
      %dma_start3A_99 = arith.constant 0 : i32
      %dma_start3A_100 = arith.constant 0 : i32
      %dma_start3A_101 = tpu.memref_slice %arg6[%arg0, %dma_start3A_99, %dma_start3A_100] : memref<2x16x10000xi32, #tpu.memory_space<hbm>> -> memref<1x16x10000xi32, #tpu.memory_space<hbm>>
      %dma_start3A_102 = tpu.memref_squeeze %dma_start3A_101 : memref<1x16x10000xi32, #tpu.memory_space<hbm>> -> memref<16x10000xi32, #tpu.memory_space<hbm>>
      %dma_start3A_103 = arith.constant 0 : i32
      %dma_start3A_104 = tpu.memref_slice %dma_start3A_102[%arg1, %dma_start3A_103] : memref<16x10000xi32, #tpu.memory_space<hbm>> -> memref<1x10000xi32, #tpu.memory_space<hbm>>
      %dma_start3A_105 = tpu.memref_squeeze %dma_start3A_104 : memref<1x10000xi32, #tpu.memory_space<hbm>> -> memref<10000xi32, #tpu.memory_space<hbm>>
      tpu.enqueue_dma source(%dma_start3A_105 : memref<10000xi32, #tpu.memory_space<hbm>>) target(%arg11 : memref<10000xi32, #tpu.memory_space<vmem>>) target_semaphore(%run_scoped3A : memref<!tpu.dma_semaphore, #tpu.memory_space<semaphore_mem>>)
      %dma_wait3A = arith.constant 0 : i32
      %dma_wait3A_106 = arith.constant 0 : i32
      %dma_wait3A_107 = tpu.memref_slice %arg6[%arg0, %dma_wait3A, %dma_wait3A_106] : memref<2x16x10000xi32, #tpu.memory_space<hbm>> -> memref<1x16x10000xi32, #tpu.memory_space<hbm>>
      %dma_wait3A_108 = tpu.memref_squeeze %dma_wait3A_107 : memref<1x16x10000xi32, #tpu.memory_space<hbm>> -> memref<16x10000xi32, #tpu.memory_space<hbm>>
      %dma_wait3A_109 = arith.constant 0 : i32
      %dma_wait3A_110 = tpu.memref_slice %dma_wait3A_108[%arg1, %dma_wait3A_109] : memref<16x10000xi32, #tpu.memory_space<hbm>> -> memref<1x10000xi32, #tpu.memory_space<hbm>>
      %dma_wait3A_111 = tpu.memref_squeeze %dma_wait3A_110 : memref<1x10000xi32, #tpu.memory_space<hbm>> -> memref<10000xi32, #tpu.memory_space<hbm>>
      %dma_wait3A_112 = arith.constant 0 : i32
      %dma_wait3A_113 = arith.constant 0 : i32
      %dma_wait3A_114 = tpu.memref_slice %arg6[%arg0, %dma_wait3A_112, %dma_wait3A_113] : memref<2x16x10000xi32, #tpu.memory_space<hbm>> -> memref<1x16x10000xi32, #tpu.memory_space<hbm>>
      %dma_wait3A_115 = tpu.memref_squeeze %dma_wait3A_114 : memref<1x16x10000xi32, #tpu.memory_space<hbm>> -> memref<16x10000xi32, #tpu.memory_space<hbm>>
      %dma_wait3A_116 = arith.constant 0 : i32
      %dma_wait3A_117 = tpu.memref_slice %dma_wait3A_115[%arg1, %dma_wait3A_116] : memref<16x10000xi32, #tpu.memory_space<hbm>> -> memref<1x10000xi32, #tpu.memory_space<hbm>>
      %dma_wait3A_118 = tpu.memref_squeeze %dma_wait3A_117 : memref<1x10000xi32, #tpu.memory_space<hbm>> -> memref<10000xi32, #tpu.memory_space<hbm>>
      tpu.wait_dma2 semaphore(%run_scoped3A : memref<!tpu.dma_semaphore, #tpu.memory_space<semaphore_mem>>) src(%dma_wait3A_118 : memref<10000xi32, #tpu.memory_space<hbm>>) dst(%arg11 : memref<10000xi32, #tpu.memory_space<vmem>>)
      tpu.yield
    }) : () -> ()
    %scan3A_76 = arith.constant 0 : i32
    %scan3A_77 = arith.constant 0 : i32
    %scan3A_78 = arith.constant 125 : i32
    %scan3A_79 = arith.addi %scan3A_77, %scan3A_78 : i32
    %scan3A_80 = arith.constant 1 : i32
    scf.for %scan3A_93 = %scan3A_77 to %scan3A_79 step %scan3A_80  : i32 {
      %mul3A_94 = arith.constant 2 : i32
      %mul3A_95 = arith.muli %scan3A_93, %mul3A_94 : i32
      %mul3A_96 = arith.constant 40 : i32
      %mul3A_97 = arith.muli %mul3A_95, %mul3A_96 : i32
      %add3A_98 = arith.constant 0 : i32
      %add3A_99 = arith.addi %mul3A_97, %add3A_98 : i32
      %dma_start3A = tpu.memref_slice %arg10[%add3A_99] : memref<10000xi32, #tpu.memory_space<vmem>> -> memref<40xi32, #tpu.memory_space<vmem>>
      %dma_start3A_100 = arith.constant 0 : i32
      %dma_start3A_101 = arith.constant 0 : i32
      %dma_start3A_102 = tpu.memref_slice %arg2[%dma_start3A_100, %dma_start3A_101] : memref<10000x144xf32, #tpu.memory_space<hbm>> -> memref<10000x144xf32, #tpu.memory_space<hbm>>
      tpu.enqueue_indirect_dma source(%dma_start3A_102 : memref<10000x144xf32, #tpu.memory_space<hbm>>) target(%arg12 : memref<40x144xf32, #tpu.memory_space<vmem>>) offsets(%dma_start3A : memref<40xi32, #tpu.memory_space<vmem>>) semaphore(%arg14 : memref<!tpu.dma_semaphore, #tpu.memory_space<semaphore_mem>>)
      %dma_wait3A = tpu.memref_slice %arg10[%add3A_99] : memref<10000xi32, #tpu.memory_space<vmem>> -> memref<40xi32, #tpu.memory_space<vmem>>
      %dma_wait3A_103 = arith.constant 0 : i32
      %dma_wait3A_104 = arith.constant 0 : i32
      %dma_wait3A_105 = tpu.memref_slice %arg2[%dma_wait3A_103, %dma_wait3A_104] : memref<10000x144xf32, #tpu.memory_space<hbm>> -> memref<10000x144xf32, #tpu.memory_space<hbm>>
      tpu.wait_indirect_dma semaphore(%arg14 : memref<!tpu.dma_semaphore, #tpu.memory_space<semaphore_mem>>) src(%dma_wait3A_105 : memref<10000x144xf32, #tpu.memory_space<hbm>>) dst(%arg12 : memref<40x144xf32, #tpu.memory_space<vmem>>)
      %mul3A_106 = arith.constant 2 : i32
      %mul3A_107 = arith.muli %scan3A_93, %mul3A_106 : i32
      %mul3A_108 = arith.constant 40 : i32
      %mul3A_109 = arith.muli %mul3A_107, %mul3A_108 : i32
      %add3A_110 = arith.constant 40 : i32
      %add3A_111 = arith.addi %mul3A_109, %add3A_110 : i32
      %dma_start3A_112 = tpu.memref_slice %arg10[%add3A_111] : memref<10000xi32, #tpu.memory_space<vmem>> -> memref<40xi32, #tpu.memory_space<vmem>>
      %dma_start3A_113 = arith.constant 0 : i32
      %dma_start3A_114 = arith.constant 0 : i32
      %dma_start3A_115 = tpu.memref_slice %arg2[%dma_start3A_113, %dma_start3A_114] : memref<10000x144xf32, #tpu.memory_space<hbm>> -> memref<10000x144xf32, #tpu.memory_space<hbm>>
      tpu.enqueue_indirect_dma source(%dma_start3A_115 : memref<10000x144xf32, #tpu.memory_space<hbm>>) target(%arg13 : memref<40x144xf32, #tpu.memory_space<vmem>>) offsets(%dma_start3A_112 : memref<40xi32, #tpu.memory_space<vmem>>) semaphore(%arg15 : memref<!tpu.dma_semaphore, #tpu.memory_space<semaphore_mem>>)
      %mul3A_116 = arith.constant 2 : i32
      %mul3A_117 = arith.muli %scan3A_93, %mul3A_116 : i32
      %mul3A_118 = arith.constant 40 : i32
      %mul3A_119 = arith.muli %mul3A_117, %mul3A_118 : i32
      %add3A_120 = arith.constant 0 : i32
      %add3A_121 = arith.addi %mul3A_119, %add3A_120 : i32
      "tpu.region"() ({
        %run_scoped3A = tpu.sem_alloc : memref<!tpu.dma_semaphore, #tpu.memory_space<semaphore_mem>>
        %dma_start3A_132 = tpu.memref_slice %arg11[%add3A_121] : memref<10000xi32, #tpu.memory_space<vmem>> -> memref<40xi32, #tpu.memory_space<vmem>>
        %dma_start3A_133 = arith.constant 0 : i32
        %dma_start3A_134 = arith.constant 0 : i32
        %dma_start3A_135 = tpu.memref_slice %arg16[%dma_start3A_133, %dma_start3A_134] : memref<10000x144xf32, #tpu.memory_space<vmem_shared>> -> memref<10000x144xf32, #tpu.memory_space<vmem_shared>>
        tpu.enqueue_indirect_dma source(%arg12 : memref<40x144xf32, #tpu.memory_space<vmem>>) target(%dma_start3A_135 : memref<10000x144xf32, #tpu.memory_space<vmem_shared>>) offsets(%dma_start3A_132 : memref<40xi32, #tpu.memory_space<vmem>>) semaphore(%run_scoped3A : memref<!tpu.dma_semaphore, #tpu.memory_space<semaphore_mem>>) {add = true}
        %dma_wait3A_136 = tpu.memref_slice %arg11[%add3A_121] : memref<10000xi32, #tpu.memory_space<vmem>> -> memref<40xi32, #tpu.memory_space<vmem>>
        %dma_wait3A_137 = arith.constant 0 : i32
        %dma_wait3A_138 = arith.constant 0 : i32
        %dma_wait3A_139 = tpu.memref_slice %arg16[%dma_wait3A_137, %dma_wait3A_138] : memref<10000x144xf32, #tpu.memory_space<vmem_shared>> -> memref<10000x144xf32, #tpu.memory_space<vmem_shared>>
        tpu.wait_indirect_dma semaphore(%run_scoped3A : memref<!tpu.dma_semaphore, #tpu.memory_space<semaphore_mem>>) src(%arg12 : memref<40x144xf32, #tpu.memory_space<vmem>>) dst(%dma_wait3A_139 : memref<10000x144xf32, #tpu.memory_space<vmem_shared>>)
        tpu.yield
      }) : () -> ()
      %dma_wait3A_122 = tpu.memref_slice %arg10[%add3A_111] : memref<10000xi32, #tpu.memory_space<vmem>> -> memref<40xi32, #tpu.memory_space<vmem>>
      %dma_wait3A_123 = arith.constant 0 : i32
      %dma_wait3A_124 = arith.constant 0 : i32
      %dma_wait3A_125 = tpu.memref_slice %arg2[%dma_wait3A_123, %dma_wait3A_124] : memref<10000x144xf32, #tpu.memory_space<hbm>> -> memref<10000x144xf32, #tpu.memory_space<hbm>>
      tpu.wait_indirect_dma semaphore(%arg15 : memref<!tpu.dma_semaphore, #tpu.memory_space<semaphore_mem>>) src(%dma_wait3A_125 : memref<10000x144xf32, #tpu.memory_space<hbm>>) dst(%arg13 : memref<40x144xf32, #tpu.memory_space<vmem>>)
      %mul3A_126 = arith.constant 2 : i32
      %mul3A_127 = arith.muli %scan3A_93, %mul3A_126 : i32
      %mul3A_128 = arith.constant 40 : i32
      %mul3A_129 = arith.muli %mul3A_127, %mul3A_128 : i32
      %add3A_130 = arith.constant 40 : i32
      %add3A_131 = arith.addi %mul3A_129, %add3A_130 : i32
      "tpu.region"() ({
        %run_scoped3A = tpu.sem_alloc : memref<!tpu.dma_semaphore, #tpu.memory_space<semaphore_mem>>
        %dma_start3A_132 = tpu.memref_slice %arg11[%add3A_131] : memref<10000xi32, #tpu.memory_space<vmem>> -> memref<40xi32, #tpu.memory_space<vmem>>
        %dma_start3A_133 = arith.constant 0 : i32
        %dma_start3A_134 = arith.constant 0 : i32
        %dma_start3A_135 = tpu.memref_slice %arg16[%dma_start3A_133, %dma_start3A_134] : memref<10000x144xf32, #tpu.memory_space<vmem_shared>> -> memref<10000x144xf32, #tpu.memory_space<vmem_shared>>
        tpu.enqueue_indirect_dma source(%arg13 : memref<40x144xf32, #tpu.memory_space<vmem>>) target(%dma_start3A_135 : memref<10000x144xf32, #tpu.memory_space<vmem_shared>>) offsets(%dma_start3A_132 : memref<40xi32, #tpu.memory_space<vmem>>) semaphore(%run_scoped3A : memref<!tpu.dma_semaphore, #tpu.memory_space<semaphore_mem>>) {add = true}
        %dma_wait3A_136 = tpu.memref_slice %arg11[%add3A_131] : memref<10000xi32, #tpu.memory_space<vmem>> -> memref<40xi32, #tpu.memory_space<vmem>>
        %dma_wait3A_137 = arith.constant 0 : i32
        %dma_wait3A_138 = arith.constant 0 : i32
        %dma_wait3A_139 = tpu.memref_slice %arg16[%dma_wait3A_137, %dma_wait3A_138] : memref<10000x144xf32, #tpu.memory_space<vmem_shared>> -> memref<10000x144xf32, #tpu.memory_space<vmem_shared>>
        tpu.wait_indirect_dma semaphore(%run_scoped3A : memref<!tpu.dma_semaphore, #tpu.memory_space<semaphore_mem>>) src(%arg13 : memref<40x144xf32, #tpu.memory_space<vmem>>) dst(%dma_wait3A_139 : memref<10000x144xf32, #tpu.memory_space<vmem_shared>>)
        tpu.yield
      }) : () -> ()
    }
    %scan3A_81 = arith.constant 125 : i32
    "tpu.region"() ({
      %run_scoped3A = tpu.sem_alloc : memref<!tpu.dma_semaphore, #tpu.memory_space<semaphore_mem>>
      %dma_start3A = arith.constant 0 : i32
      %dma_start3A_93 = arith.constant 0 : i32
      %dma_start3A_94 = tpu.memref_slice %arg5[%arg0, %dma_start3A, %dma_start3A_93] : memref<2x16x10000xi32, #tpu.memory_space<hbm>> -> memref<1x16x10000xi32, #tpu.memory_space<hbm>>
      %dma_start3A_95 = tpu.memref_squeeze %dma_start3A_94 : memref<1x16x10000xi32, #tpu.memory_space<hbm>> -> memref<16x10000xi32, #tpu.memory_space<hbm>>
      %dma_start3A_96 = arith.constant 0 : i32
      %dma_start3A_97 = tpu.memref_slice %dma_start3A_95[%arg1, %dma_start3A_96] : memref<16x10000xi32, #tpu.memory_space<hbm>> -> memref<1x10000xi32, #tpu.memory_space<hbm>>
      %dma_start3A_98 = tpu.memref_squeeze %dma_start3A_97 : memref<1x10000xi32, #tpu.memory_space<hbm>> -> memref<10000xi32, #tpu.memory_space<hbm>>
      %dma_start3A_99 = arith.constant 0 : i32
      %dma_start3A_100 = arith.constant 0 : i32
      %dma_start3A_101 = tpu.memref_slice %arg5[%arg0, %dma_start3A_99, %dma_start3A_100] : memref<2x16x10000xi32, #tpu.memory_space<hbm>> -> memref<1x16x10000xi32, #tpu.memory_space<hbm>>
      %dma_start3A_102 = tpu.memref_squeeze %dma_start3A_101 : memref<1x16x10000xi32, #tpu.memory_space<hbm>> -> memref<16x10000xi32, #tpu.memory_space<hbm>>
      %dma_start3A_103 = arith.constant 0 : i32
      %dma_start3A_104 = tpu.memref_slice %dma_start3A_102[%arg1, %dma_start3A_103] : memref<16x10000xi32, #tpu.memory_space<hbm>> -> memref<1x10000xi32, #tpu.memory_space<hbm>>
      %dma_start3A_105 = tpu.memref_squeeze %dma_start3A_104 : memref<1x10000xi32, #tpu.memory_space<hbm>> -> memref<10000xi32, #tpu.memory_space<hbm>>
      tpu.enqueue_dma source(%dma_start3A_105 : memref<10000xi32, #tpu.memory_space<hbm>>) target(%arg10 : memref<10000xi32, #tpu.memory_space<vmem>>) target_semaphore(%run_scoped3A : memref<!tpu.dma_semaphore, #tpu.memory_space<semaphore_mem>>)
      %dma_wait3A = arith.constant 0 : i32
      %dma_wait3A_106 = arith.constant 0 : i32
      %dma_wait3A_107 = tpu.memref_slice %arg5[%arg0, %dma_wait3A, %dma_wait3A_106] : memref<2x16x10000xi32, #tpu.memory_space<hbm>> -> memref<1x16x10000xi32, #tpu.memory_space<hbm>>
      %dma_wait3A_108 = tpu.memref_squeeze %dma_wait3A_107 : memref<1x16x10000xi32, #tpu.memory_space<hbm>> -> memref<16x10000xi32, #tpu.memory_space<hbm>>
      %dma_wait3A_109 = arith.constant 0 : i32
      %dma_wait3A_110 = tpu.memref_slice %dma_wait3A_108[%arg1, %dma_wait3A_109] : memref<16x10000xi32, #tpu.memory_space<hbm>> -> memref<1x10000xi32, #tpu.memory_space<hbm>>
      %dma_wait3A_111 = tpu.memref_squeeze %dma_wait3A_110 : memref<1x10000xi32, #tpu.memory_space<hbm>> -> memref<10000xi32, #tpu.memory_space<hbm>>
      %dma_wait3A_112 = arith.constant 0 : i32
      %dma_wait3A_113 = arith.constant 0 : i32
      %dma_wait3A_114 = tpu.memref_slice %arg5[%arg0, %dma_wait3A_112, %dma_wait3A_113] : memref<2x16x10000xi32, #tpu.memory_space<hbm>> -> memref<1x16x10000xi32, #tpu.memory_space<hbm>>
      %dma_wait3A_115 = tpu.memref_squeeze %dma_wait3A_114 : memref<1x16x10000xi32, #tpu.memory_space<hbm>> -> memref<16x10000xi32, #tpu.memory_space<hbm>>
      %dma_wait3A_116 = arith.constant 0 : i32
      %dma_wait3A_117 = tpu.memref_slice %dma_wait3A_115[%arg1, %dma_wait3A_116] : memref<16x10000xi32, #tpu.memory_space<hbm>> -> memref<1x10000xi32, #tpu.memory_space<hbm>>
      %dma_wait3A_118 = tpu.memref_squeeze %dma_wait3A_117 : memref<1x10000xi32, #tpu.memory_space<hbm>> -> memref<10000xi32, #tpu.memory_space<hbm>>
      tpu.wait_dma2 semaphore(%run_scoped3A : memref<!tpu.dma_semaphore, #tpu.memory_space<semaphore_mem>>) src(%dma_wait3A_118 : memref<10000xi32, #tpu.memory_space<hbm>>) dst(%arg10 : memref<10000xi32, #tpu.memory_space<vmem>>)
      tpu.yield
    }) : () -> ()
    "tpu.region"() ({
      %run_scoped3A = tpu.sem_alloc : memref<!tpu.dma_semaphore, #tpu.memory_space<semaphore_mem>>
      %dma_start3A = arith.constant 0 : i32
      %dma_start3A_93 = arith.constant 0 : i32
      %dma_start3A_94 = tpu.memref_slice %arg7[%arg0, %dma_start3A, %dma_start3A_93] : memref<2x16x10000xi32, #tpu.memory_space<hbm>> -> memref<1x16x10000xi32, #tpu.memory_space<hbm>>
      %dma_start3A_95 = tpu.memref_squeeze %dma_start3A_94 : memref<1x16x10000xi32, #tpu.memory_space<hbm>> -> memref<16x10000xi32, #tpu.memory_space<hbm>>
      %dma_start3A_96 = arith.constant 0 : i32
      %dma_start3A_97 = tpu.memref_slice %dma_start3A_95[%arg1, %dma_start3A_96] : memref<16x10000xi32, #tpu.memory_space<hbm>> -> memref<1x10000xi32, #tpu.memory_space<hbm>>
      %dma_start3A_98 = tpu.memref_squeeze %dma_start3A_97 : memref<1x10000xi32, #tpu.memory_space<hbm>> -> memref<10000xi32, #tpu.memory_space<hbm>>
      %dma_start3A_99 = arith.constant 0 : i32
      %dma_start3A_100 = arith.constant 0 : i32
      %dma_start3A_101 = tpu.memref_slice %arg7[%arg0, %dma_start3A_99, %dma_start3A_100] : memref<2x16x10000xi32, #tpu.memory_space<hbm>> -> memref<1x16x10000xi32, #tpu.memory_space<hbm>>
      %dma_start3A_102 = tpu.memref_squeeze %dma_start3A_101 : memref<1x16x10000xi32, #tpu.memory_space<hbm>> -> memref<16x10000xi32, #tpu.memory_space<hbm>>
      %dma_start3A_103 = arith.constant 0 : i32
      %dma_start3A_104 = tpu.memref_slice %dma_start3A_102[%arg1, %dma_start3A_103] : memref<16x10000xi32, #tpu.memory_space<hbm>> -> memref<1x10000xi32, #tpu.memory_space<hbm>>
      %dma_start3A_105 = tpu.memref_squeeze %dma_start3A_104 : memref<1x10000xi32, #tpu.memory_space<hbm>> -> memref<10000xi32, #tpu.memory_space<hbm>>
      tpu.enqueue_dma source(%dma_start3A_105 : memref<10000xi32, #tpu.memory_space<hbm>>) target(%arg11 : memref<10000xi32, #tpu.memory_space<vmem>>) target_semaphore(%run_scoped3A : memref<!tpu.dma_semaphore, #tpu.memory_space<semaphore_mem>>)
      %dma_wait3A = arith.constant 0 : i32
      %dma_wait3A_106 = arith.constant 0 : i32
      %dma_wait3A_107 = tpu.memref_slice %arg7[%arg0, %dma_wait3A, %dma_wait3A_106] : memref<2x16x10000xi32, #tpu.memory_space<hbm>> -> memref<1x16x10000xi32, #tpu.memory_space<hbm>>
      %dma_wait3A_108 = tpu.memref_squeeze %dma_wait3A_107 : memref<1x16x10000xi32, #tpu.memory_space<hbm>> -> memref<16x10000xi32, #tpu.memory_space<hbm>>
      %dma_wait3A_109 = arith.constant 0 : i32
      %dma_wait3A_110 = tpu.memref_slice %dma_wait3A_108[%arg1, %dma_wait3A_109] : memref<16x10000xi32, #tpu.memory_space<hbm>> -> memref<1x10000xi32, #tpu.memory_space<hbm>>
      %dma_wait3A_111 = tpu.memref_squeeze %dma_wait3A_110 : memref<1x10000xi32, #tpu.memory_space<hbm>> -> memref<10000xi32, #tpu.memory_space<hbm>>
      %dma_wait3A_112 = arith.constant 0 : i32
      %dma_wait3A_113 = arith.constant 0 : i32
      %dma_wait3A_114 = tpu.memref_slice %arg7[%arg0, %dma_wait3A_112, %dma_wait3A_113] : memref<2x16x10000xi32, #tpu.memory_space<hbm>> -> memref<1x16x10000xi32, #tpu.memory_space<hbm>>
      %dma_wait3A_115 = tpu.memref_squeeze %dma_wait3A_114 : memref<1x16x10000xi32, #tpu.memory_space<hbm>> -> memref<16x10000xi32, #tpu.memory_space<hbm>>
      %dma_wait3A_116 = arith.constant 0 : i32
      %dma_wait3A_117 = tpu.memref_slice %dma_wait3A_115[%arg1, %dma_wait3A_116] : memref<16x10000xi32, #tpu.memory_space<hbm>> -> memref<1x10000xi32, #tpu.memory_space<hbm>>
      %dma_wait3A_118 = tpu.memref_squeeze %dma_wait3A_117 : memref<1x10000xi32, #tpu.memory_space<hbm>> -> memref<10000xi32, #tpu.memory_space<hbm>>
      tpu.wait_dma2 semaphore(%run_scoped3A : memref<!tpu.dma_semaphore, #tpu.memory_space<semaphore_mem>>) src(%dma_wait3A_118 : memref<10000xi32, #tpu.memory_space<hbm>>) dst(%arg11 : memref<10000xi32, #tpu.memory_space<vmem>>)
      tpu.yield
    }) : () -> ()
    %scan3A_82 = arith.constant 0 : i32
    %scan3A_83 = arith.constant 0 : i32
    %scan3A_84 = arith.constant 125 : i32
    %scan3A_85 = arith.addi %scan3A_83, %scan3A_84 : i32
    %scan3A_86 = arith.constant 1 : i32
    scf.for %scan3A_93 = %scan3A_83 to %scan3A_85 step %scan3A_86  : i32 {
      %mul3A_94 = arith.constant 2 : i32
      %mul3A_95 = arith.muli %scan3A_93, %mul3A_94 : i32
      %mul3A_96 = arith.constant 40 : i32
      %mul3A_97 = arith.muli %mul3A_95, %mul3A_96 : i32
      %add3A_98 = arith.constant 0 : i32
      %add3A_99 = arith.addi %mul3A_97, %add3A_98 : i32
      %dma_start3A = tpu.memref_slice %arg10[%add3A_99] : memref<10000xi32, #tpu.memory_space<vmem>> -> memref<40xi32, #tpu.memory_space<vmem>>
      %dma_start3A_100 = arith.constant 0 : i32
      %dma_start3A_101 = arith.constant 0 : i32
      %dma_start3A_102 = tpu.memref_slice %arg3[%dma_start3A_100, %dma_start3A_101] : memref<10000x144xf32, #tpu.memory_space<hbm>> -> memref<10000x144xf32, #tpu.memory_space<hbm>>
      tpu.enqueue_indirect_dma source(%dma_start3A_102 : memref<10000x144xf32, #tpu.memory_space<hbm>>) target(%arg12 : memref<40x144xf32, #tpu.memory_space<vmem>>) offsets(%dma_start3A : memref<40xi32, #tpu.memory_space<vmem>>) semaphore(%arg14 : memref<!tpu.dma_semaphore, #tpu.memory_space<semaphore_mem>>)
      %dma_wait3A = tpu.memref_slice %arg10[%add3A_99] : memref<10000xi32, #tpu.memory_space<vmem>> -> memref<40xi32, #tpu.memory_space<vmem>>
      %dma_wait3A_103 = arith.constant 0 : i32
      %dma_wait3A_104 = arith.constant 0 : i32
      %dma_wait3A_105 = tpu.memref_slice %arg3[%dma_wait3A_103, %dma_wait3A_104] : memref<10000x144xf32, #tpu.memory_space<hbm>> -> memref<10000x144xf32, #tpu.memory_space<hbm>>
      tpu.wait_indirect_dma semaphore(%arg14 : memref<!tpu.dma_semaphore, #tpu.memory_space<semaphore_mem>>) src(%dma_wait3A_105 : memref<10000x144xf32, #tpu.memory_space<hbm>>) dst(%arg12 : memref<40x144xf32, #tpu.memory_space<vmem>>)
      %mul3A_106 = arith.constant 2 : i32
      %mul3A_107 = arith.muli %scan3A_93, %mul3A_106 : i32
      %mul3A_108 = arith.constant 40 : i32
      %mul3A_109 = arith.muli %mul3A_107, %mul3A_108 : i32
      %add3A_110 = arith.constant 40 : i32
      %add3A_111 = arith.addi %mul3A_109, %add3A_110 : i32
      %dma_start3A_112 = tpu.memref_slice %arg10[%add3A_111] : memref<10000xi32, #tpu.memory_space<vmem>> -> memref<40xi32, #tpu.memory_space<vmem>>
      %dma_start3A_113 = arith.constant 0 : i32
      %dma_start3A_114 = arith.constant 0 : i32
      %dma_start3A_115 = tpu.memref_slice %arg3[%dma_start3A_113, %dma_start3A_114] : memref<10000x144xf32, #tpu.memory_space<hbm>> -> memref<10000x144xf32, #tpu.memory_space<hbm>>
      tpu.enqueue_indirect_dma source(%dma_start3A_115 : memref<10000x144xf32, #tpu.memory_space<hbm>>) target(%arg13 : memref<40x144xf32, #tpu.memory_space<vmem>>) offsets(%dma_start3A_112 : memref<40xi32, #tpu.memory_space<vmem>>) semaphore(%arg15 : memref<!tpu.dma_semaphore, #tpu.memory_space<semaphore_mem>>)
      %mul3A_116 = arith.constant 2 : i32
      %mul3A_117 = arith.muli %scan3A_93, %mul3A_116 : i32
      %mul3A_118 = arith.constant 40 : i32
      %mul3A_119 = arith.muli %mul3A_117, %mul3A_118 : i32
      %add3A_120 = arith.constant 0 : i32
      %add3A_121 = arith.addi %mul3A_119, %add3A_120 : i32
      "tpu.region"() ({
        %run_scoped3A = tpu.sem_alloc : memref<!tpu.dma_semaphore, #tpu.memory_space<semaphore_mem>>
        %dma_start3A_132 = tpu.memref_slice %arg11[%add3A_121] : memref<10000xi32, #tpu.memory_space<vmem>> -> memref<40xi32, #tpu.memory_space<vmem>>
        %dma_start3A_133 = arith.constant 0 : i32
        %dma_start3A_134 = arith.constant 0 : i32
        %dma_start3A_135 = tpu.memref_slice %arg17[%dma_start3A_133, %dma_start3A_134] : memref<1040x144xf32, #tpu.memory_space<vmem_shared>> -> memref<1040x144xf32, #tpu.memory_space<vmem_shared>>
        tpu.enqueue_indirect_dma source(%arg12 : memref<40x144xf32, #tpu.memory_space<vmem>>) target(%dma_start3A_135 : memref<1040x144xf32, #tpu.memory_space<vmem_shared>>) offsets(%dma_start3A_132 : memref<40xi32, #tpu.memory_space<vmem>>) semaphore(%run_scoped3A : memref<!tpu.dma_semaphore, #tpu.memory_space<semaphore_mem>>) {add = true}
        %dma_wait3A_136 = tpu.memref_slice %arg11[%add3A_121] : memref<10000xi32, #tpu.memory_space<vmem>> -> memref<40xi32, #tpu.memory_space<vmem>>
        %dma_wait3A_137 = arith.constant 0 : i32
        %dma_wait3A_138 = arith.constant 0 : i32
        %dma_wait3A_139 = tpu.memref_slice %arg17[%dma_wait3A_137, %dma_wait3A_138] : memref<1040x144xf32, #tpu.memory_space<vmem_shared>> -> memref<1040x144xf32, #tpu.memory_space<vmem_shared>>
        tpu.wait_indirect_dma semaphore(%run_scoped3A : memref<!tpu.dma_semaphore, #tpu.memory_space<semaphore_mem>>) src(%arg12 : memref<40x144xf32, #tpu.memory_space<vmem>>) dst(%dma_wait3A_139 : memref<1040x144xf32, #tpu.memory_space<vmem_shared>>)
        tpu.yield
      }) : () -> ()
      %dma_wait3A_122 = tpu.memref_slice %arg10[%add3A_111] : memref<10000xi32, #tpu.memory_space<vmem>> -> memref<40xi32, #tpu.memory_space<vmem>>
      %dma_wait3A_123 = arith.constant 0 : i32
      %dma_wait3A_124 = arith.constant 0 : i32
      %dma_wait3A_125 = tpu.memref_slice %arg3[%dma_wait3A_123, %dma_wait3A_124] : memref<10000x144xf32, #tpu.memory_space<hbm>> -> memref<10000x144xf32, #tpu.memory_space<hbm>>
      tpu.wait_indirect_dma semaphore(%arg15 : memref<!tpu.dma_semaphore, #tpu.memory_space<semaphore_mem>>) src(%dma_wait3A_125 : memref<10000x144xf32, #tpu.memory_space<hbm>>) dst(%arg13 : memref<40x144xf32, #tpu.memory_space<vmem>>)
      %mul3A_126 = arith.constant 2 : i32
      %mul3A_127 = arith.muli %scan3A_93, %mul3A_126 : i32
      %mul3A_128 = arith.constant 40 : i32
      %mul3A_129 = arith.muli %mul3A_127, %mul3A_128 : i32
      %add3A_130 = arith.constant 40 : i32
      %add3A_131 = arith.addi %mul3A_129, %add3A_130 : i32
      "tpu.region"() ({
        %run_scoped3A = tpu.sem_alloc : memref<!tpu.dma_semaphore, #tpu.memory_space<semaphore_mem>>
        %dma_start3A_132 = tpu.memref_slice %arg11[%add3A_131] : memref<10000xi32, #tpu.memory_space<vmem>> -> memref<40xi32, #tpu.memory_space<vmem>>
        %dma_start3A_133 = arith.constant 0 : i32
        %dma_start3A_134 = arith.constant 0 : i32
        %dma_start3A_135 = tpu.memref_slice %arg17[%dma_start3A_133, %dma_start3A_134] : memref<1040x144xf32, #tpu.memory_space<vmem_shared>> -> memref<1040x144xf32, #tpu.memory_space<vmem_shared>>
        tpu.enqueue_indirect_dma source(%arg13 : memref<40x144xf32, #tpu.memory_space<vmem>>) target(%dma_start3A_135 : memref<1040x144xf32, #tpu.memory_space<vmem_shared>>) offsets(%dma_start3A_132 : memref<40xi32, #tpu.memory_space<vmem>>) semaphore(%run_scoped3A : memref<!tpu.dma_semaphore, #tpu.memory_space<semaphore_mem>>) {add = true}
        %dma_wait3A_136 = tpu.memref_slice %arg11[%add3A_131] : memref<10000xi32, #tpu.memory_space<vmem>> -> memref<40xi32, #tpu.memory_space<vmem>>
        %dma_wait3A_137 = arith.constant 0 : i32
        %dma_wait3A_138 = arith.constant 0 : i32
        %dma_wait3A_139 = tpu.memref_slice %arg17[%dma_wait3A_137, %dma_wait3A_138] : memref<1040x144xf32, #tpu.memory_space<vmem_shared>> -> memref<1040x144xf32, #tpu.memory_space<vmem_shared>>
        tpu.wait_indirect_dma semaphore(%run_scoped3A : memref<!tpu.dma_semaphore, #tpu.memory_space<semaphore_mem>>) src(%arg13 : memref<40x144xf32, #tpu.memory_space<vmem>>) dst(%dma_wait3A_139 : memref<1040x144xf32, #tpu.memory_space<vmem_shared>>)
        tpu.yield
      }) : () -> ()
    }
    %scan3A_87 = arith.constant 125 : i32
    %barrier3A_88 = arith.constant 0 : index
    tpu.barrier barrier_id(%barrier3A_88)
    %mul3A_89 = arith.constant 625 : i32
    %mul3A_90 = arith.muli %arg1, %mul3A_89 : i32
    "tpu.region"() ({
      %run_scoped3A = tpu.sem_alloc : memref<!tpu.dma_semaphore, #tpu.memory_space<semaphore_mem>>
      %dma_start3A = arith.constant 0 : i32
      %dma_start3A_93 = arith.constant 0 : i32
      %dma_start3A_94 = tpu.memref_slice %arg8[%arg0, %dma_start3A, %dma_start3A_93] : memref<2x10000x144xf32, #tpu.memory_space<hbm>> -> memref<1x10000x144xf32, #tpu.memory_space<hbm>>
      %dma_start3A_95 = tpu.memref_squeeze %dma_start3A_94 : memref<1x10000x144xf32, #tpu.memory_space<hbm>> -> memref<10000x144xf32, #tpu.memory_space<hbm>>
      %dma_start3A_96 = arith.constant 0 : i32
      %dma_start3A_97 = tpu.memref_slice %dma_start3A_95[%mul3A_90, %dma_start3A_96] : memref<10000x144xf32, #tpu.memory_space<hbm>> -> memref<625x144xf32, #tpu.memory_space<hbm>>
      %dma_start3A_98 = arith.constant 0 : i32
      %dma_start3A_99 = tpu.memref_slice %arg16[%mul3A_90, %dma_start3A_98] : memref<10000x144xf32, #tpu.memory_space<vmem_shared>> -> memref<625x144xf32, #tpu.memory_space<vmem_shared>>
      tpu.enqueue_dma source(%dma_start3A_99 : memref<625x144xf32, #tpu.memory_space<vmem_shared>>) target(%dma_start3A_97 : memref<625x144xf32, #tpu.memory_space<hbm>>) target_semaphore(%run_scoped3A : memref<!tpu.dma_semaphore, #tpu.memory_space<semaphore_mem>>)
      %dma_wait3A = arith.constant 0 : i32
      %dma_wait3A_100 = arith.constant 0 : i32
      %dma_wait3A_101 = tpu.memref_slice %arg8[%arg0, %dma_wait3A, %dma_wait3A_100] : memref<2x10000x144xf32, #tpu.memory_space<hbm>> -> memref<1x10000x144xf32, #tpu.memory_space<hbm>>
      %dma_wait3A_102 = tpu.memref_squeeze %dma_wait3A_101 : memref<1x10000x144xf32, #tpu.memory_space<hbm>> -> memref<10000x144xf32, #tpu.memory_space<hbm>>
      %dma_wait3A_103 = arith.constant 0 : i32
      %dma_wait3A_104 = tpu.memref_slice %dma_wait3A_102[%mul3A_90, %dma_wait3A_103] : memref<10000x144xf32, #tpu.memory_space<hbm>> -> memref<625x144xf32, #tpu.memory_space<hbm>>
      %dma_wait3A_105 = arith.constant 0 : i32
      %dma_wait3A_106 = tpu.memref_slice %arg16[%mul3A_90, %dma_wait3A_105] : memref<10000x144xf32, #tpu.memory_space<vmem_shared>> -> memref<625x144xf32, #tpu.memory_space<vmem_shared>>
      tpu.wait_dma2 semaphore(%run_scoped3A : memref<!tpu.dma_semaphore, #tpu.memory_space<semaphore_mem>>) src(%dma_wait3A_106 : memref<625x144xf32, #tpu.memory_space<vmem_shared>>) dst(%dma_wait3A_104 : memref<625x144xf32, #tpu.memory_space<hbm>>)
      tpu.yield
    }) : () -> ()
    %mul3A_91 = arith.constant 65 : i32
    %mul3A_92 = arith.muli %arg1, %mul3A_91 : i32
    "tpu.region"() ({
      %run_scoped3A = tpu.sem_alloc : memref<!tpu.dma_semaphore, #tpu.memory_space<semaphore_mem>>
      %dma_start3A = arith.constant 0 : i32
      %dma_start3A_93 = arith.constant 0 : i32
      %dma_start3A_94 = tpu.memref_slice %arg9[%arg0, %dma_start3A, %dma_start3A_93] : memref<2x1040x144xf32, #tpu.memory_space<hbm>> -> memref<1x1040x144xf32, #tpu.memory_space<hbm>>
      %dma_start3A_95 = tpu.memref_squeeze %dma_start3A_94 : memref<1x1040x144xf32, #tpu.memory_space<hbm>> -> memref<1040x144xf32, #tpu.memory_space<hbm>>
      %dma_start3A_96 = arith.constant 0 : i32
      %dma_start3A_97 = tpu.memref_slice %dma_start3A_95[%mul3A_92, %dma_start3A_96] : memref<1040x144xf32, #tpu.memory_space<hbm>> -> memref<65x144xf32, #tpu.memory_space<hbm>>
      %dma_start3A_98 = arith.constant 0 : i32
      %dma_start3A_99 = tpu.memref_slice %arg17[%mul3A_92, %dma_start3A_98] : memref<1040x144xf32, #tpu.memory_space<vmem_shared>> -> memref<65x144xf32, #tpu.memory_space<vmem_shared>>
      tpu.enqueue_dma source(%dma_start3A_99 : memref<65x144xf32, #tpu.memory_space<vmem_shared>>) target(%dma_start3A_97 : memref<65x144xf32, #tpu.memory_space<hbm>>) target_semaphore(%run_scoped3A : memref<!tpu.dma_semaphore, #tpu.memory_space<semaphore_mem>>)
      %dma_wait3A = arith.constant 0 : i32
      %dma_wait3A_100 = arith.constant 0 : i32
      %dma_wait3A_101 = tpu.memref_slice %arg9[%arg0, %dma_wait3A, %dma_wait3A_100] : memref<2x1040x144xf32, #tpu.memory_space<hbm>> -> memref<1x1040x144xf32, #tpu.memory_space<hbm>>
      %dma_wait3A_102 = tpu.memref_squeeze %dma_wait3A_101 : memref<1x1040x144xf32, #tpu.memory_space<hbm>> -> memref<1040x144xf32, #tpu.memory_space<hbm>>
      %dma_wait3A_103 = arith.constant 0 : i32
      %dma_wait3A_104 = tpu.memref_slice %dma_wait3A_102[%mul3A_92, %dma_wait3A_103] : memref<1040x144xf32, #tpu.memory_space<hbm>> -> memref<65x144xf32, #tpu.memory_space<hbm>>
      %dma_wait3A_105 = arith.constant 0 : i32
      %dma_wait3A_106 = tpu.memref_slice %arg17[%mul3A_92, %dma_wait3A_105] : memref<1040x144xf32, #tpu.memory_space<vmem_shared>> -> memref<65x144xf32, #tpu.memory_space<vmem_shared>>
      tpu.wait_dma2 semaphore(%run_scoped3A : memref<!tpu.dma_semaphore, #tpu.memory_space<semaphore_mem>>) src(%dma_wait3A_106 : memref<65x144xf32, #tpu.memory_space<vmem_shared>>) dst(%dma_wait3A_104 : memref<65x144xf32, #tpu.memory_space<hbm>>)
      tpu.yield
    }) : () -> ()
    return
  }
}

module attributes {stable_mosaic.version = 14 : i64} {
  func.func @_tc1_body(%arg0: i32, %arg1: memref<1000x128xf32, #tpu.memory_space<vmem>>, %arg2: memref<1000x128xf32, #tpu.memory_space<vmem>>, %arg3: memref<1000x1xi32, #tpu.memory_space<vmem>>, %arg4: memref<1000x1xi32, #tpu.memory_space<vmem>>, %arg5: memref<1000x1xi32, #tpu.memory_space<vmem>>, %arg6: memref<1000x1xi32, #tpu.memory_space<vmem>>, %arg7: memref<1x1024xf32, #tpu.memory_space<vmem>>, %arg8: memref<1x16xf32, #tpu.memory_space<vmem>>, %arg9: memref<128x144xf32, #tpu.memory_space<vmem>>, %arg10: memref<1x144xf32, #tpu.memory_space<vmem>>, %arg11: memref<128x144xf32, #tpu.memory_space<vmem>>, %arg12: memref<1x144xf32, #tpu.memory_space<vmem>>, %arg13: memref<16x144xf32, #tpu.memory_space<vmem>>, %arg14: memref<1x144xf32, #tpu.memory_space<vmem>>, %arg15: memref<1000x144xf32, #tpu.memory_space<vmem>>, %arg16: memref<1000x144xf32, #tpu.memory_space<vmem>>) attributes {dimension_semantics = [#tpu.dimension_semantics<arbitrary>], iteration_bounds = array<i64: 10>, scalar_prefetch = 0 : i64, scratch_operands = 0 : i64, tpu.core_type = #tpu.core_type<tc>, window_params = [{transform_indices = @transform_0, window_bounds = array<i64: 1000, 128>}, {transform_indices = @transform_1, window_bounds = array<i64: 1000, 128>}, {transform_indices = @transform_2, window_bounds = array<i64: 1000, 1>}, {transform_indices = @transform_3, window_bounds = array<i64: 1000, 1>}, {transform_indices = @transform_4, window_bounds = array<i64: 1000, 1>}, {transform_indices = @transform_5, window_bounds = array<i64: 1000, 1>}, {pipeline_mode = #tpu.pipeline_mode<synchronous>, transform_indices = @transform_6, window_bounds = array<i64: 1, 1024>}, {pipeline_mode = #tpu.pipeline_mode<synchronous>, transform_indices = @transform_7, window_bounds = array<i64: 1, 16>}, {pipeline_mode = #tpu.pipeline_mode<synchronous>, transform_indices = @transform_8, window_bounds = array<i64: 128, 144>}, {pipeline_mode = #tpu.pipeline_mode<synchronous>, transform_indices = @transform_9, window_bounds = array<i64: 1, 144>}, {pipeline_mode = #tpu.pipeline_mode<synchronous>, transform_indices = @transform_10, window_bounds = array<i64: 128, 144>}, {pipeline_mode = #tpu.pipeline_mode<synchronous>, transform_indices = @transform_11, window_bounds = array<i64: 1, 144>}, {pipeline_mode = #tpu.pipeline_mode<synchronous>, transform_indices = @transform_12, window_bounds = array<i64: 16, 144>}, {pipeline_mode = #tpu.pipeline_mode<synchronous>, transform_indices = @transform_13, window_bounds = array<i64: 1, 144>}, {transform_indices = @transform_14, window_bounds = array<i64: 1000, 144>}, {transform_indices = @transform_15, window_bounds = array<i64: 1000, 144>}]} {
    %get3A = arith.constant 0 : index
    %get3A_0 = arith.constant 0 : index
    %get3A_1 = vector.load %arg5[%get3A, %get3A_0] : memref<1000x1xi32, #tpu.memory_space<vmem>>, vector<1000x1xi32>
    %iota3A = tpu.iota {dimensions = array<i32: 1>} : vector<1000x1024xi32>
    %eq3A = vector.broadcast %get3A_1 : vector<1000x1xi32> to vector<1000x1024xi32>
    %eq3A_2 = arith.cmpi eq, %eq3A, %iota3A : vector<1000x1024xi32>
    %get3A_3 = arith.constant 0 : index
    %get3A_4 = arith.constant 0 : index
    %get3A_5 = vector.load %arg7[%get3A_3, %get3A_4] : memref<1x1024xf32, #tpu.memory_space<vmem>>, vector<1x1024xf32>
    %jit3A = arith.constant 0.000000e+00 : f32
    %broadcast_in_dim3A = vector.shape_cast %get3A_5 : vector<1x1024xf32> to vector<1x1024xf32>
    %broadcast_in_dim3A_6 = vector.broadcast %broadcast_in_dim3A : vector<1x1024xf32> to vector<1000x1024xf32>
    %broadcast_in_dim3A_7 = vector.broadcast %jit3A : f32 to vector<1000x1024xf32>
    %select_n3A = arith.select %eq3A_2, %broadcast_in_dim3A_6, %broadcast_in_dim3A_7 : vector<1000x1024xi1>, vector<1000x1024xf32>
    %reduce_sum3A = arith.constant dense<0.000000e+00> : vector<1000xf32>
    %reduce_sum3A_8 = vector.multi_reduction <add>, %select_n3A, %reduce_sum3A [1] : vector<1000x1024xf32> to vector<1000xf32>
    %broadcast_in_dim3A_9 = vector.shape_cast %reduce_sum3A_8 : vector<1000xf32> to vector<1000x1xf32>
    %get3A_10 = arith.constant 0 : index
    %get3A_11 = arith.constant 0 : index
    %get3A_12 = vector.load %arg3[%get3A_10, %get3A_11] : memref<1000x1xi32, #tpu.memory_space<vmem>>, vector<1000x1xi32>
    %convert_element_type3A = arith.sitofp %get3A_12 : vector<1000x1xi32> to vector<1000x1xf32>
    %sub3A = arith.subf %broadcast_in_dim3A_9, %convert_element_type3A : vector<1000x1xf32>
    %get3A_13 = arith.constant 0 : index
    %get3A_14 = arith.constant 0 : index
    %get3A_15 = vector.load %arg8[%get3A_13, %get3A_14] : memref<1x16xf32, #tpu.memory_space<vmem>>, vector<1x16xf32>
    %mul3A = vector.broadcast %sub3A : vector<1000x1xf32> to vector<1000x16xf32>
    %mul3A_16 = vector.broadcast %get3A_15 : vector<1x16xf32> to vector<1000x16xf32>
    %mul3A_17 = arith.mulf %mul3A, %mul3A_16 : vector<1000x16xf32>
    %sin3A = math.sin %mul3A_17 : vector<1000x16xf32>
    %get3A_18 = arith.constant 0 : index
    %get3A_19 = arith.constant 0 : index
    %get3A_20 = vector.load %arg1[%get3A_18, %get3A_19] : memref<1000x128xf32, #tpu.memory_space<vmem>>, vector<1000x128xf32>
    %get3A_21 = arith.constant 0 : index
    %get3A_22 = arith.constant 0 : index
    %get3A_23 = vector.load %arg9[%get3A_21, %get3A_22] : memref<128x144xf32, #tpu.memory_space<vmem>>, vector<128x144xf32>
    %dot_general3A = arith.constant dense<0.000000e+00> : vector<1000x144xf32>
    %dot_general3A_24 = tpu.matmul %get3A_20, %get3A_23, %dot_general3A {dimension_numbers = #tpu.dot_dimension_numbers<[1], [0], [0], [1], [0, 0, 1, 1], [], []>, transpose_lhs_hint = false} : vector<1000x128xf32>, vector<128x144xf32>, vector<1000x144xf32> -> vector<1000x144xf32>
    %get3A_25 = arith.constant 0 : index
    %get3A_26 = arith.constant 0 : index
    %get3A_27 = vector.load %arg10[%get3A_25, %get3A_26] : memref<1x144xf32, #tpu.memory_space<vmem>>, vector<1x144xf32>
    %add3A = vector.broadcast %get3A_27 : vector<1x144xf32> to vector<1000x144xf32>
    %add3A_28 = arith.addf %dot_general3A_24, %add3A : vector<1000x144xf32>
    %max3A = arith.constant 0.000000e+00 : f32
    %max3A_29 = vector.broadcast %max3A : f32 to vector<1000x144xf32>
    %max3A_30 = arith.maximumf %add3A_28, %max3A_29 : vector<1000x144xf32>
    %get3A_31 = arith.constant 0 : index
    %get3A_32 = arith.constant 0 : index
    %get3A_33 = vector.load %arg13[%get3A_31, %get3A_32] : memref<16x144xf32, #tpu.memory_space<vmem>>, vector<16x144xf32>
    %dot_general3A_34 = arith.constant dense<0.000000e+00> : vector<1000x144xf32>
    %dot_general3A_35 = tpu.matmul %sin3A, %get3A_33, %dot_general3A_34 {dimension_numbers = #tpu.dot_dimension_numbers<[1], [0], [0], [1], [0, 0, 1, 1], [], []>, transpose_lhs_hint = false} : vector<1000x16xf32>, vector<16x144xf32>, vector<1000x144xf32> -> vector<1000x144xf32>
    %add3A_36 = arith.addf %max3A_30, %dot_general3A_35 : vector<1000x144xf32>
    %get3A_37 = arith.constant 0 : index
    %get3A_38 = arith.constant 0 : index
    %get3A_39 = vector.load %arg14[%get3A_37, %get3A_38] : memref<1x144xf32, #tpu.memory_space<vmem>>, vector<1x144xf32>
    %add3A_40 = vector.broadcast %get3A_39 : vector<1x144xf32> to vector<1000x144xf32>
    %add3A_41 = arith.addf %add3A_36, %add3A_40 : vector<1000x144xf32>
    %swap3A = arith.constant 0 : index
    %swap3A_42 = arith.constant 0 : index
    %swap3A_43 = vector.load %arg15[%swap3A, %swap3A_42] : memref<1000x144xf32, #tpu.memory_space<vmem>>, vector<1000x144xf32>
    tpu.vector_store %arg15[%swap3A, %swap3A_42], %add3A_41 {strides = array<i32>} : memref<1000x144xf32, #tpu.memory_space<vmem>>, vector<1000x144xf32>,
    %get3A_44 = arith.constant 0 : index
    %get3A_45 = arith.constant 0 : index
    %get3A_46 = vector.load %arg6[%get3A_44, %get3A_45] : memref<1000x1xi32, #tpu.memory_space<vmem>>, vector<1000x1xi32>
    %iota3A_47 = tpu.iota {dimensions = array<i32: 1>} : vector<1000x1024xi32>
    %eq3A_48 = vector.broadcast %get3A_46 : vector<1000x1xi32> to vector<1000x1024xi32>
    %eq3A_49 = arith.cmpi eq, %eq3A_48, %iota3A_47 : vector<1000x1024xi32>
    %get3A_50 = arith.constant 0 : index
    %get3A_51 = arith.constant 0 : index
    %get3A_52 = vector.load %arg7[%get3A_50, %get3A_51] : memref<1x1024xf32, #tpu.memory_space<vmem>>, vector<1x1024xf32>
    %jit3A_53 = arith.constant 0.000000e+00 : f32
    %broadcast_in_dim3A_54 = vector.shape_cast %get3A_52 : vector<1x1024xf32> to vector<1x1024xf32>
    %broadcast_in_dim3A_55 = vector.broadcast %broadcast_in_dim3A_54 : vector<1x1024xf32> to vector<1000x1024xf32>
    %broadcast_in_dim3A_56 = vector.broadcast %jit3A_53 : f32 to vector<1000x1024xf32>
    %select_n3A_57 = arith.select %eq3A_49, %broadcast_in_dim3A_55, %broadcast_in_dim3A_56 : vector<1000x1024xi1>, vector<1000x1024xf32>
    %reduce_sum3A_58 = arith.constant dense<0.000000e+00> : vector<1000xf32>
    %reduce_sum3A_59 = vector.multi_reduction <add>, %select_n3A_57, %reduce_sum3A_58 [1] : vector<1000x1024xf32> to vector<1000xf32>
    %broadcast_in_dim3A_60 = vector.shape_cast %reduce_sum3A_59 : vector<1000xf32> to vector<1000x1xf32>
    %get3A_61 = arith.constant 0 : index
    %get3A_62 = arith.constant 0 : index
    %get3A_63 = vector.load %arg4[%get3A_61, %get3A_62] : memref<1000x1xi32, #tpu.memory_space<vmem>>, vector<1000x1xi32>
    %convert_element_type3A_64 = arith.sitofp %get3A_63 : vector<1000x1xi32> to vector<1000x1xf32>
    %sub3A_65 = arith.subf %broadcast_in_dim3A_60, %convert_element_type3A_64 : vector<1000x1xf32>
    %get3A_66 = arith.constant 0 : index
    %get3A_67 = arith.constant 0 : index
    %get3A_68 = vector.load %arg8[%get3A_66, %get3A_67] : memref<1x16xf32, #tpu.memory_space<vmem>>, vector<1x16xf32>
    %mul3A_69 = vector.broadcast %sub3A_65 : vector<1000x1xf32> to vector<1000x16xf32>
    %mul3A_70 = vector.broadcast %get3A_68 : vector<1x16xf32> to vector<1000x16xf32>
    %mul3A_71 = arith.mulf %mul3A_69, %mul3A_70 : vector<1000x16xf32>
    %sin3A_72 = math.sin %mul3A_71 : vector<1000x16xf32>
    %get3A_73 = arith.constant 0 : index
    %get3A_74 = arith.constant 0 : index
    %get3A_75 = vector.load %arg2[%get3A_73, %get3A_74] : memref<1000x128xf32, #tpu.memory_space<vmem>>, vector<1000x128xf32>
    %get3A_76 = arith.constant 0 : index
    %get3A_77 = arith.constant 0 : index
    %get3A_78 = vector.load %arg11[%get3A_76, %get3A_77] : memref<128x144xf32, #tpu.memory_space<vmem>>, vector<128x144xf32>
    %dot_general3A_79 = arith.constant dense<0.000000e+00> : vector<1000x144xf32>
    %dot_general3A_80 = tpu.matmul %get3A_75, %get3A_78, %dot_general3A_79 {dimension_numbers = #tpu.dot_dimension_numbers<[1], [0], [0], [1], [0, 0, 1, 1], [], []>, transpose_lhs_hint = false} : vector<1000x128xf32>, vector<128x144xf32>, vector<1000x144xf32> -> vector<1000x144xf32>
    %get3A_81 = arith.constant 0 : index
    %get3A_82 = arith.constant 0 : index
    %get3A_83 = vector.load %arg12[%get3A_81, %get3A_82] : memref<1x144xf32, #tpu.memory_space<vmem>>, vector<1x144xf32>
    %add3A_84 = vector.broadcast %get3A_83 : vector<1x144xf32> to vector<1000x144xf32>
    %add3A_85 = arith.addf %dot_general3A_80, %add3A_84 : vector<1000x144xf32>
    %max3A_86 = arith.constant 0.000000e+00 : f32
    %max3A_87 = vector.broadcast %max3A_86 : f32 to vector<1000x144xf32>
    %max3A_88 = arith.maximumf %add3A_85, %max3A_87 : vector<1000x144xf32>
    %get3A_89 = arith.constant 0 : index
    %get3A_90 = arith.constant 0 : index
    %get3A_91 = vector.load %arg13[%get3A_89, %get3A_90] : memref<16x144xf32, #tpu.memory_space<vmem>>, vector<16x144xf32>
    %dot_general3A_92 = arith.constant dense<0.000000e+00> : vector<1000x144xf32>
    %dot_general3A_93 = tpu.matmul %sin3A_72, %get3A_91, %dot_general3A_92 {dimension_numbers = #tpu.dot_dimension_numbers<[1], [0], [0], [1], [0, 0, 1, 1], [], []>, transpose_lhs_hint = false} : vector<1000x16xf32>, vector<16x144xf32>, vector<1000x144xf32> -> vector<1000x144xf32>
    %add3A_94 = arith.addf %max3A_88, %dot_general3A_93 : vector<1000x144xf32>
    %get3A_95 = arith.constant 0 : index
    %get3A_96 = arith.constant 0 : index
    %get3A_97 = vector.load %arg14[%get3A_95, %get3A_96] : memref<1x144xf32, #tpu.memory_space<vmem>>, vector<1x144xf32>
    %add3A_98 = vector.broadcast %get3A_97 : vector<1x144xf32> to vector<1000x144xf32>
    %add3A_99 = arith.addf %add3A_94, %add3A_98 : vector<1000x144xf32>
    %swap3A_100 = arith.constant 0 : index
    %swap3A_101 = arith.constant 0 : index
    %swap3A_102 = vector.load %arg16[%swap3A_100, %swap3A_101] : memref<1000x144xf32, #tpu.memory_space<vmem>>, vector<1000x144xf32>
    tpu.vector_store %arg16[%swap3A_100, %swap3A_101], %add3A_99 {strides = array<i32>} : memref<1000x144xf32, #tpu.memory_space<vmem>>, vector<1000x144xf32>,
    return
  }
  func.func @transform_0(%arg0: i32) -> (i32, i32) {
    %c0_i32 = arith.constant 0 : i32
    %c0_i32_0 = arith.constant 0 : i32
    return %arg0, %c0_i32 : i32, i32
  }
  func.func @transform_1(%arg0: i32) -> (i32, i32) {
    %c0_i32 = arith.constant 0 : i32
    %c0_i32_0 = arith.constant 0 : i32
    return %arg0, %c0_i32 : i32, i32
  }
  func.func @transform_2(%arg0: i32) -> (i32, i32) {
    %c0_i32 = arith.constant 0 : i32
    %c0_i32_0 = arith.constant 0 : i32
    return %arg0, %c0_i32 : i32, i32
  }
  func.func @transform_3(%arg0: i32) -> (i32, i32) {
    %c0_i32 = arith.constant 0 : i32
    %c0_i32_0 = arith.constant 0 : i32
    return %arg0, %c0_i32 : i32, i32
  }
  func.func @transform_4(%arg0: i32) -> (i32, i32) {
    %c0_i32 = arith.constant 0 : i32
    %c0_i32_0 = arith.constant 0 : i32
    return %arg0, %c0_i32 : i32, i32
  }
  func.func @transform_5(%arg0: i32) -> (i32, i32) {
    %c0_i32 = arith.constant 0 : i32
    %c0_i32_0 = arith.constant 0 : i32
    return %arg0, %c0_i32 : i32, i32
  }
  func.func @transform_6(%arg0: i32) -> (i32, i32) {
    %c0_i32 = arith.constant 0 : i32
    %c0_i32_0 = arith.constant 0 : i32
    %c0_i32_1 = arith.constant 0 : i32
    return %c0_i32, %c0_i32_0 : i32, i32
  }
  func.func @transform_7(%arg0: i32) -> (i32, i32) {
    %c0_i32 = arith.constant 0 : i32
    %c0_i32_0 = arith.constant 0 : i32
    %c0_i32_1 = arith.constant 0 : i32
    return %c0_i32, %c0_i32_0 : i32, i32
  }
  func.func @transform_8(%arg0: i32) -> (i32, i32) {
    %c0_i32 = arith.constant 0 : i32
    %c0_i32_0 = arith.constant 0 : i32
    %c0_i32_1 = arith.constant 0 : i32
    return %c0_i32, %c0_i32_0 : i32, i32
  }
  func.func @transform_9(%arg0: i32) -> (i32, i32) {
    %c0_i32 = arith.constant 0 : i32
    %c0_i32_0 = arith.constant 0 : i32
    %c0_i32_1 = arith.constant 0 : i32
    return %c0_i32, %c0_i32_0 : i32, i32
  }
  func.func @transform_10(%arg0: i32) -> (i32, i32) {
    %c0_i32 = arith.constant 0 : i32
    %c0_i32_0 = arith.constant 0 : i32
    %c0_i32_1 = arith.constant 0 : i32
    return %c0_i32, %c0_i32_0 : i32, i32
  }
  func.func @transform_11(%arg0: i32) -> (i32, i32) {
    %c0_i32 = arith.constant 0 : i32
    %c0_i32_0 = arith.constant 0 : i32
    %c0_i32_1 = arith.constant 0 : i32
    return %c0_i32, %c0_i32_0 : i32, i32
  }
  func.func @transform_12(%arg0: i32) -> (i32, i32) {
    %c0_i32 = arith.constant 0 : i32
    %c0_i32_0 = arith.constant 0 : i32
    %c0_i32_1 = arith.constant 0 : i32
    return %c0_i32, %c0_i32_0 : i32, i32
  }
  func.func @transform_13(%arg0: i32) -> (i32, i32) {
    %c0_i32 = arith.constant 0 : i32
    %c0_i32_0 = arith.constant 0 : i32
    %c0_i32_1 = arith.constant 0 : i32
    return %c0_i32, %c0_i32_0 : i32, i32
  }
  func.func @transform_14(%arg0: i32) -> (i32, i32) {
    %c0_i32 = arith.constant 0 : i32
    %c0_i32_0 = arith.constant 0 : i32
    return %arg0, %c0_i32 : i32, i32
  }
  func.func @transform_15(%arg0: i32) -> (i32, i32) {
    %c0_i32 = arith.constant 0 : i32
    %c0_i32_0 = arith.constant 0 : i32
    return %arg0, %c0_i32 : i32, i32
  }
}

module attributes {stable_mosaic.version = 14 : i64} {
  func.func @_tc2_body(%arg0: i32, %arg1: memref<1000x144xf32, #tpu.memory_space<vmem>>, %arg2: memref<2x1000x144xf32, #tpu.memory_space<vmem>>, %arg3: memref<144x144xf32, #tpu.memory_space<vmem>>, %arg4: memref<144x144xf32, #tpu.memory_space<vmem>>, %arg5: memref<1x144xf32, #tpu.memory_space<vmem>>, %arg6: memref<1000x144xf32, #tpu.memory_space<vmem>>) attributes {dimension_semantics = [#tpu.dimension_semantics<arbitrary>], iteration_bounds = array<i64: 10>, scalar_prefetch = 0 : i64, scratch_operands = 0 : i64, tpu.core_type = #tpu.core_type<tc>, window_params = [{transform_indices = @transform_0, window_bounds = array<i64: 1000, 144>}, {transform_indices = @transform_1, window_bounds = array<i64: 2, 1000, 144>}, {pipeline_mode = #tpu.pipeline_mode<synchronous>, transform_indices = @transform_2, window_bounds = array<i64: 144, 144>}, {pipeline_mode = #tpu.pipeline_mode<synchronous>, transform_indices = @transform_3, window_bounds = array<i64: 144, 144>}, {pipeline_mode = #tpu.pipeline_mode<synchronous>, transform_indices = @transform_4, window_bounds = array<i64: 1, 144>}, {transform_indices = @transform_5, window_bounds = array<i64: 1000, 144>}]} {
    %get3A = arith.constant 0 : index
    %get3A_0 = arith.constant 0 : index
    %get3A_1 = arith.constant 0 : index
    %get3A_2 = vector.load %arg2[%get3A, %get3A_0, %get3A_1] : memref<2x1000x144xf32, #tpu.memory_space<vmem>>, vector<2x1000x144xf32>
    %slice3A = vector.extract_strided_slice %get3A_2 {offsets = [0, 0, 0], sizes = [1, 1000, 144], strides = [1, 1, 1]} : vector<2x1000x144xf32> to vector<1x1000x144xf32>
    %squeeze3A = vector.shape_cast %slice3A : vector<1x1000x144xf32> to vector<1000x144xf32>
    %slice3A_3 = vector.extract_strided_slice %get3A_2 {offsets = [1, 0, 0], sizes = [1, 1000, 144], strides = [1, 1, 1]} : vector<2x1000x144xf32> to vector<1x1000x144xf32>
    %squeeze3A_4 = vector.shape_cast %slice3A_3 : vector<1x1000x144xf32> to vector<1000x144xf32>
    %add3A = arith.addf %squeeze3A, %squeeze3A_4 : vector<1000x144xf32>
    %slice3A_5 = vector.extract_strided_slice %add3A {offsets = [0, 128], sizes = [1000, 1], strides = [1, 1]} : vector<1000x144xf32> to vector<1000x1xf32>
    %max3A = arith.constant 1.000000e+00 : f32
    %max3A_6 = vector.broadcast %max3A : f32 to vector<1000x1xf32>
    %max3A_7 = arith.maximumf %slice3A_5, %max3A_6 : vector<1000x1xf32>
    %div3A = arith.constant 1.000000e+00 : f32
    %div3A_8 = vector.broadcast %div3A : f32 to vector<1000x1xf32>
    %div3A_9 = arith.divf %div3A_8, %max3A_7 : vector<1000x1xf32>
    %mul3A = vector.broadcast %div3A_9 : vector<1000x1xf32> to vector<1000x144xf32>
    %mul3A_10 = arith.mulf %add3A, %mul3A : vector<1000x144xf32>
    %get3A_11 = arith.constant 0 : index
    %get3A_12 = arith.constant 0 : index
    %get3A_13 = vector.load %arg1[%get3A_11, %get3A_12] : memref<1000x144xf32, #tpu.memory_space<vmem>>, vector<1000x144xf32>
    %get3A_14 = arith.constant 0 : index
    %get3A_15 = arith.constant 0 : index
    %get3A_16 = vector.load %arg3[%get3A_14, %get3A_15] : memref<144x144xf32, #tpu.memory_space<vmem>>, vector<144x144xf32>
    %dot_general3A = arith.constant dense<0.000000e+00> : vector<1000x144xf32>
    %dot_general3A_17 = tpu.matmul %get3A_13, %get3A_16, %dot_general3A {dimension_numbers = #tpu.dot_dimension_numbers<[1], [0], [0], [1], [0, 0, 1, 1], [], []>, transpose_lhs_hint = false} : vector<1000x144xf32>, vector<144x144xf32>, vector<1000x144xf32> -> vector<1000x144xf32>
    %get3A_18 = arith.constant 0 : index
    %get3A_19 = arith.constant 0 : index
    %get3A_20 = vector.load %arg4[%get3A_18, %get3A_19] : memref<144x144xf32, #tpu.memory_space<vmem>>, vector<144x144xf32>
    %dot_general3A_21 = arith.constant dense<0.000000e+00> : vector<1000x144xf32>
    %dot_general3A_22 = tpu.matmul %mul3A_10, %get3A_20, %dot_general3A_21 {dimension_numbers = #tpu.dot_dimension_numbers<[1], [0], [0], [1], [0, 0, 1, 1], [], []>, transpose_lhs_hint = false} : vector<1000x144xf32>, vector<144x144xf32>, vector<1000x144xf32> -> vector<1000x144xf32>
    %add3A_23 = arith.addf %dot_general3A_17, %dot_general3A_22 : vector<1000x144xf32>
    %get3A_24 = arith.constant 0 : index
    %get3A_25 = arith.constant 0 : index
    %get3A_26 = vector.load %arg5[%get3A_24, %get3A_25] : memref<1x144xf32, #tpu.memory_space<vmem>>, vector<1x144xf32>
    %add3A_27 = vector.broadcast %get3A_26 : vector<1x144xf32> to vector<1000x144xf32>
    %add3A_28 = arith.addf %add3A_23, %add3A_27 : vector<1000x144xf32>
    %max3A_29 = arith.constant 0.000000e+00 : f32
    %max3A_30 = vector.broadcast %max3A_29 : f32 to vector<1000x144xf32>
    %max3A_31 = arith.maximumf %add3A_28, %max3A_30 : vector<1000x144xf32>
    %swap3A = arith.constant 0 : index
    %swap3A_32 = arith.constant 0 : index
    %swap3A_33 = vector.load %arg6[%swap3A, %swap3A_32] : memref<1000x144xf32, #tpu.memory_space<vmem>>, vector<1000x144xf32>
    tpu.vector_store %arg6[%swap3A, %swap3A_32], %max3A_31 {strides = array<i32>} : memref<1000x144xf32, #tpu.memory_space<vmem>>, vector<1000x144xf32>,
    return
  }
  func.func @transform_0(%arg0: i32) -> (i32, i32) {
    %c0_i32 = arith.constant 0 : i32
    %c0_i32_0 = arith.constant 0 : i32
    return %arg0, %c0_i32 : i32, i32
  }
  func.func @transform_1(%arg0: i32) -> (i32, i32, i32) {
    %c0_i32 = arith.constant 0 : i32
    %c0_i32_0 = arith.constant 0 : i32
    %c0_i32_1 = arith.constant 0 : i32
    return %c0_i32, %arg0, %c0_i32_0 : i32, i32, i32
  }
  func.func @transform_2(%arg0: i32) -> (i32, i32) {
    %c0_i32 = arith.constant 0 : i32
    %c0_i32_0 = arith.constant 0 : i32
    %c0_i32_1 = arith.constant 0 : i32
    return %c0_i32, %c0_i32_0 : i32, i32
  }
  func.func @transform_3(%arg0: i32) -> (i32, i32) {
    %c0_i32 = arith.constant 0 : i32
    %c0_i32_0 = arith.constant 0 : i32
    %c0_i32_1 = arith.constant 0 : i32
    return %c0_i32, %c0_i32_0 : i32, i32
  }
  func.func @transform_4(%arg0: i32) -> (i32, i32) {
    %c0_i32 = arith.constant 0 : i32
    %c0_i32_0 = arith.constant 0 : i32
    %c0_i32_1 = arith.constant 0 : i32
    return %c0_i32, %c0_i32_0 : i32, i32
  }
  func.func @transform_5(%arg0: i32) -> (i32, i32) {
    %c0_i32 = arith.constant 0 : i32
    %c0_i32_0 = arith.constant 0 : i32
    return %arg0, %c0_i32 : i32, i32
  }
}

module attributes {stable_mosaic.version = 14 : i64} {
  func.func @_tc3_body(%arg0: i32, %arg1: memref<1024x144xf32, #tpu.memory_space<vmem>>, %arg2: memref<2x1040x144xf32, #tpu.memory_space<vmem>>, %arg3: memref<2x1040x144xf32, #tpu.memory_space<vmem>>, %arg4: memref<144x128xf32, #tpu.memory_space<vmem>>, %arg5: memref<144x128xf32, #tpu.memory_space<vmem>>, %arg6: memref<128x128xf32, #tpu.memory_space<vmem>>, %arg7: memref<144x128xf32, #tpu.memory_space<vmem>>, %arg8: memref<1x128xf32, #tpu.memory_space<vmem>>, %arg9: memref<1x128xf32, #tpu.memory_space<vmem>>, %arg10: memref<128x1xf32, #tpu.memory_space<vmem>>, %arg11: memref<1x1xf32, #tpu.memory_space<vmem>>, %arg12: memref<1024x1xf32, #tpu.memory_space<vmem>>) attributes {dimension_semantics = [#tpu.dimension_semantics<arbitrary>], iteration_bounds = array<i64: 1>, scalar_prefetch = 0 : i64, scratch_operands = 0 : i64, tpu.core_type = #tpu.core_type<tc>, window_params = [{transform_indices = @transform_0, window_bounds = array<i64: 1024, 144>}, {pipeline_mode = #tpu.pipeline_mode<synchronous>, transform_indices = @transform_1, window_bounds = array<i64: 2, 1040, 144>}, {pipeline_mode = #tpu.pipeline_mode<synchronous>, transform_indices = @transform_2, window_bounds = array<i64: 2, 1040, 144>}, {pipeline_mode = #tpu.pipeline_mode<synchronous>, transform_indices = @transform_3, window_bounds = array<i64: 144, 128>}, {pipeline_mode = #tpu.pipeline_mode<synchronous>, transform_indices = @transform_4, window_bounds = array<i64: 144, 128>}, {pipeline_mode = #tpu.pipeline_mode<synchronous>, transform_indices = @transform_5, window_bounds = array<i64: 128, 128>}, {pipeline_mode = #tpu.pipeline_mode<synchronous>, transform_indices = @transform_6, window_bounds = array<i64: 144, 128>}, {pipeline_mode = #tpu.pipeline_mode<synchronous>, transform_indices = @transform_7, window_bounds = array<i64: 1, 128>}, {pipeline_mode = #tpu.pipeline_mode<synchronous>, transform_indices = @transform_8, window_bounds = array<i64: 1, 128>}, {pipeline_mode = #tpu.pipeline_mode<synchronous>, transform_indices = @transform_9, window_bounds = array<i64: 128, 1>}, {pipeline_mode = #tpu.pipeline_mode<synchronous>, transform_indices = @transform_10, window_bounds = array<i64: 1, 1>}, {pipeline_mode = #tpu.pipeline_mode<synchronous>, transform_indices = @transform_11, window_bounds = array<i64: 1024, 1>}]} {
    %get3A = arith.constant 0 : index
    %get3A_0 = arith.constant 0 : index
    %get3A_1 = arith.constant 0 : index
    %get3A_2 = vector.load %arg2[%get3A, %get3A_0, %get3A_1] : memref<2x1040x144xf32, #tpu.memory_space<vmem>>, vector<2x1040x144xf32>
    %slice3A = vector.extract_strided_slice %get3A_2 {offsets = [0, 0, 0], sizes = [1, 1024, 144], strides = [1, 1, 1]} : vector<2x1040x144xf32> to vector<1x1024x144xf32>
    %squeeze3A = vector.shape_cast %slice3A : vector<1x1024x144xf32> to vector<1024x144xf32>
    %slice3A_3 = vector.extract_strided_slice %get3A_2 {offsets = [1, 0, 0], sizes = [1, 1024, 144], strides = [1, 1, 1]} : vector<2x1040x144xf32> to vector<1x1024x144xf32>
    %squeeze3A_4 = vector.shape_cast %slice3A_3 : vector<1x1024x144xf32> to vector<1024x144xf32>
    %add3A = arith.addf %squeeze3A, %squeeze3A_4 : vector<1024x144xf32>
    %slice3A_5 = vector.extract_strided_slice %add3A {offsets = [0, 128], sizes = [1024, 1], strides = [1, 1]} : vector<1024x144xf32> to vector<1024x1xf32>
    %max3A = arith.constant 1.000000e+00 : f32
    %max3A_6 = vector.broadcast %max3A : f32 to vector<1024x1xf32>
    %max3A_7 = arith.maximumf %slice3A_5, %max3A_6 : vector<1024x1xf32>
    %div3A = arith.constant 1.000000e+00 : f32
    %div3A_8 = vector.broadcast %div3A : f32 to vector<1024x1xf32>
    %div3A_9 = arith.divf %div3A_8, %max3A_7 : vector<1024x1xf32>
    %mul3A = vector.broadcast %div3A_9 : vector<1024x1xf32> to vector<1024x144xf32>
    %mul3A_10 = arith.mulf %add3A, %mul3A : vector<1024x144xf32>
    %get3A_11 = arith.constant 0 : index
    %get3A_12 = arith.constant 0 : index
    %get3A_13 = vector.load %arg1[%get3A_11, %get3A_12] : memref<1024x144xf32, #tpu.memory_space<vmem>>, vector<1024x144xf32>
    %get3A_14 = arith.constant 0 : index
    %get3A_15 = arith.constant 0 : index
    %get3A_16 = vector.load %arg4[%get3A_14, %get3A_15] : memref<144x128xf32, #tpu.memory_space<vmem>>, vector<144x128xf32>
    %dot_general3A = arith.constant dense<0.000000e+00> : vector<1024x128xf32>
    %dot_general3A_17 = tpu.matmul %get3A_13, %get3A_16, %dot_general3A {dimension_numbers = #tpu.dot_dimension_numbers<[1], [0], [0], [1], [0, 0, 1, 1], [], []>, transpose_lhs_hint = false} : vector<1024x144xf32>, vector<144x128xf32>, vector<1024x128xf32> -> vector<1024x128xf32>
    %get3A_18 = arith.constant 0 : index
    %get3A_19 = arith.constant 0 : index
    %get3A_20 = vector.load %arg5[%get3A_18, %get3A_19] : memref<144x128xf32, #tpu.memory_space<vmem>>, vector<144x128xf32>
    %dot_general3A_21 = arith.constant dense<0.000000e+00> : vector<1024x128xf32>
    %dot_general3A_22 = tpu.matmul %mul3A_10, %get3A_20, %dot_general3A_21 {dimension_numbers = #tpu.dot_dimension_numbers<[1], [0], [0], [1], [0, 0, 1, 1], [], []>, transpose_lhs_hint = false} : vector<1024x144xf32>, vector<144x128xf32>, vector<1024x128xf32> -> vector<1024x128xf32>
    %add3A_23 = arith.addf %dot_general3A_17, %dot_general3A_22 : vector<1024x128xf32>
    %max3A_24 = arith.constant 0.000000e+00 : f32
    %max3A_25 = vector.broadcast %max3A_24 : f32 to vector<1024x128xf32>
    %max3A_26 = arith.maximumf %add3A_23, %max3A_25 : vector<1024x128xf32>
    %get3A_27 = arith.constant 0 : index
    %get3A_28 = arith.constant 0 : index
    %get3A_29 = arith.constant 0 : index
    %get3A_30 = vector.load %arg3[%get3A_27, %get3A_28, %get3A_29] : memref<2x1040x144xf32, #tpu.memory_space<vmem>>, vector<2x1040x144xf32>
    %slice3A_31 = vector.extract_strided_slice %get3A_30 {offsets = [0, 0, 0], sizes = [1, 1024, 144], strides = [1, 1, 1]} : vector<2x1040x144xf32> to vector<1x1024x144xf32>
    %squeeze3A_32 = vector.shape_cast %slice3A_31 : vector<1x1024x144xf32> to vector<1024x144xf32>
    %slice3A_33 = vector.extract_strided_slice %get3A_30 {offsets = [1, 0, 0], sizes = [1, 1024, 144], strides = [1, 1, 1]} : vector<2x1040x144xf32> to vector<1x1024x144xf32>
    %squeeze3A_34 = vector.shape_cast %slice3A_33 : vector<1x1024x144xf32> to vector<1024x144xf32>
    %add3A_35 = arith.addf %squeeze3A_32, %squeeze3A_34 : vector<1024x144xf32>
    %slice3A_36 = vector.extract_strided_slice %add3A_35 {offsets = [0, 128], sizes = [1024, 1], strides = [1, 1]} : vector<1024x144xf32> to vector<1024x1xf32>
    %max3A_37 = arith.constant 1.000000e+00 : f32
    %max3A_38 = vector.broadcast %max3A_37 : f32 to vector<1024x1xf32>
    %max3A_39 = arith.maximumf %slice3A_36, %max3A_38 : vector<1024x1xf32>
    %div3A_40 = arith.constant 1.000000e+00 : f32
    %div3A_41 = vector.broadcast %div3A_40 : f32 to vector<1024x1xf32>
    %div3A_42 = arith.divf %div3A_41, %max3A_39 : vector<1024x1xf32>
    %mul3A_43 = vector.broadcast %div3A_42 : vector<1024x1xf32> to vector<1024x144xf32>
    %mul3A_44 = arith.mulf %add3A_35, %mul3A_43 : vector<1024x144xf32>
    %get3A_45 = arith.constant 0 : index
    %get3A_46 = arith.constant 0 : index
    %get3A_47 = vector.load %arg6[%get3A_45, %get3A_46] : memref<128x128xf32, #tpu.memory_space<vmem>>, vector<128x128xf32>
    %dot_general3A_48 = arith.constant dense<0.000000e+00> : vector<1024x128xf32>
    %dot_general3A_49 = tpu.matmul %max3A_26, %get3A_47, %dot_general3A_48 {dimension_numbers = #tpu.dot_dimension_numbers<[1], [0], [0], [1], [0, 0, 1, 1], [], []>, transpose_lhs_hint = false} : vector<1024x128xf32>, vector<128x128xf32>, vector<1024x128xf32> -> vector<1024x128xf32>
    %get3A_50 = arith.constant 0 : index
    %get3A_51 = arith.constant 0 : index
    %get3A_52 = vector.load %arg7[%get3A_50, %get3A_51] : memref<144x128xf32, #tpu.memory_space<vmem>>, vector<144x128xf32>
    %dot_general3A_53 = arith.constant dense<0.000000e+00> : vector<1024x128xf32>
    %dot_general3A_54 = tpu.matmul %mul3A_44, %get3A_52, %dot_general3A_53 {dimension_numbers = #tpu.dot_dimension_numbers<[1], [0], [0], [1], [0, 0, 1, 1], [], []>, transpose_lhs_hint = false} : vector<1024x144xf32>, vector<144x128xf32>, vector<1024x128xf32> -> vector<1024x128xf32>
    %add3A_55 = arith.addf %dot_general3A_49, %dot_general3A_54 : vector<1024x128xf32>
    %reduce_sum3A = arith.constant dense<0.000000e+00> : vector<128xf32>
    %reduce_sum3A_56 = vector.multi_reduction <add>, %add3A_55, %reduce_sum3A [0] : vector<1024x128xf32> to vector<128xf32>
    %broadcast_in_dim3A = vector.shape_cast %reduce_sum3A_56 : vector<128xf32> to vector<1x128xf32>
    %div3A_57 = arith.constant 1.024000e+03 : f32
    %div3A_58 = vector.broadcast %div3A_57 : f32 to vector<1x128xf32>
    %div3A_59 = arith.divf %broadcast_in_dim3A, %div3A_58 : vector<1x128xf32>
    %sub3A = vector.broadcast %div3A_59 : vector<1x128xf32> to vector<1024x128xf32>
    %sub3A_60 = arith.subf %add3A_55, %sub3A : vector<1024x128xf32>
    %integer_pow3A = arith.mulf %sub3A_60, %sub3A_60 : vector<1024x128xf32>
    %reduce_sum3A_61 = arith.constant dense<0.000000e+00> : vector<128xf32>
    %reduce_sum3A_62 = vector.multi_reduction <add>, %integer_pow3A, %reduce_sum3A_61 [0] : vector<1024x128xf32> to vector<128xf32>
    %broadcast_in_dim3A_63 = vector.shape_cast %reduce_sum3A_62 : vector<128xf32> to vector<1x128xf32>
    %div3A_64 = arith.constant 1.024000e+03 : f32
    %div3A_65 = vector.broadcast %div3A_64 : f32 to vector<1x128xf32>
    %div3A_66 = arith.divf %broadcast_in_dim3A_63, %div3A_65 : vector<1x128xf32>
    %sub3A_67 = vector.broadcast %div3A_59 : vector<1x128xf32> to vector<1024x128xf32>
    %sub3A_68 = arith.subf %add3A_55, %sub3A_67 : vector<1024x128xf32>
    %add3A_69 = arith.constant 9.99999974E-6 : f32
    %add3A_70 = vector.broadcast %add3A_69 : f32 to vector<1x128xf32>
    %add3A_71 = arith.addf %div3A_66, %add3A_70 : vector<1x128xf32>
    %sqrt3A = math.sqrt %add3A_71 : vector<1x128xf32>
    %div3A_72 = vector.broadcast %sqrt3A : vector<1x128xf32> to vector<1024x128xf32>
    %div3A_73 = arith.divf %sub3A_68, %div3A_72 : vector<1024x128xf32>
    %get3A_74 = arith.constant 0 : index
    %get3A_75 = arith.constant 0 : index
    %get3A_76 = vector.load %arg8[%get3A_74, %get3A_75] : memref<1x128xf32, #tpu.memory_space<vmem>>, vector<1x128xf32>
    %mul3A_77 = vector.broadcast %get3A_76 : vector<1x128xf32> to vector<1024x128xf32>
    %mul3A_78 = arith.mulf %div3A_73, %mul3A_77 : vector<1024x128xf32>
    %get3A_79 = arith.constant 0 : index
    %get3A_80 = arith.constant 0 : index
    %get3A_81 = vector.load %arg9[%get3A_79, %get3A_80] : memref<1x128xf32, #tpu.memory_space<vmem>>, vector<1x128xf32>
    %add3A_82 = vector.broadcast %get3A_81 : vector<1x128xf32> to vector<1024x128xf32>
    %add3A_83 = arith.addf %mul3A_78, %add3A_82 : vector<1024x128xf32>
    %get3A_84 = arith.constant 0 : index
    %get3A_85 = arith.constant 0 : index
    %get3A_86 = vector.load %arg10[%get3A_84, %get3A_85] : memref<128x1xf32, #tpu.memory_space<vmem>>, vector<128x1xf32>
    %dot_general3A_87 = arith.constant dense<0.000000e+00> : vector<1024x1xf32>
    %dot_general3A_88 = tpu.matmul %add3A_83, %get3A_86, %dot_general3A_87 {dimension_numbers = #tpu.dot_dimension_numbers<[1], [0], [0], [1], [0, 0, 1, 1], [], []>, transpose_lhs_hint = false} : vector<1024x128xf32>, vector<128x1xf32>, vector<1024x1xf32> -> vector<1024x1xf32>
    %get3A_89 = arith.constant 0 : index
    %get3A_90 = arith.constant 0 : index
    %get3A_91 = vector.load %arg11[%get3A_89, %get3A_90] : memref<1x1xf32, #tpu.memory_space<vmem>>, vector<1x1xf32>
    %add3A_92 = vector.broadcast %get3A_91 : vector<1x1xf32> to vector<1024x1xf32>
    %add3A_93 = arith.addf %dot_general3A_88, %add3A_92 : vector<1024x1xf32>
    %swap3A = arith.constant 0 : index
    %swap3A_94 = arith.constant 0 : index
    %swap3A_95 = vector.load %arg12[%swap3A, %swap3A_94] : memref<1024x1xf32, #tpu.memory_space<vmem>>, vector<1024x1xf32>
    tpu.vector_store %arg12[%swap3A, %swap3A_94], %add3A_93 {strides = array<i32>} : memref<1024x1xf32, #tpu.memory_space<vmem>>, vector<1024x1xf32>,
    return
  }
  func.func @transform_0(%arg0: i32) -> (i32, i32) {
    %c0_i32 = arith.constant 0 : i32
    %c0_i32_0 = arith.constant 0 : i32
    %c0_i32_1 = arith.constant 0 : i32
    return %c0_i32, %c0_i32_0 : i32, i32
  }
  func.func @transform_1(%arg0: i32) -> (i32, i32, i32) {
    %c0_i32 = arith.constant 0 : i32
    %c0_i32_0 = arith.constant 0 : i32
    %c0_i32_1 = arith.constant 0 : i32
    %c0_i32_2 = arith.constant 0 : i32
    return %c0_i32, %c0_i32_0, %c0_i32_1 : i32, i32, i32
  }
  func.func @transform_2(%arg0: i32) -> (i32, i32, i32) {
    %c0_i32 = arith.constant 0 : i32
    %c0_i32_0 = arith.constant 0 : i32
    %c0_i32_1 = arith.constant 0 : i32
    %c0_i32_2 = arith.constant 0 : i32
    return %c0_i32, %c0_i32_0, %c0_i32_1 : i32, i32, i32
  }
  func.func @transform_3(%arg0: i32) -> (i32, i32) {
    %c0_i32 = arith.constant 0 : i32
    %c0_i32_0 = arith.constant 0 : i32
    %c0_i32_1 = arith.constant 0 : i32
    return %c0_i32, %c0_i32_0 : i32, i32
  }
  func.func @transform_4(%arg0: i32) -> (i32, i32) {
    %c0_i32 = arith.constant 0 : i32
    %c0_i32_0 = arith.constant 0 : i32
    %c0_i32_1 = arith.constant 0 : i32
    return %c0_i32, %c0_i32_0 : i32, i32
  }
  func.func @transform_5(%arg0: i32) -> (i32, i32) {
    %c0_i32 = arith.constant 0 : i32
    %c0_i32_0 = arith.constant 0 : i32
    %c0_i32_1 = arith.constant 0 : i32
    return %c0_i32, %c0_i32_0 : i32, i32
  }
  func.func @transform_6(%arg0: i32) -> (i32, i32) {
    %c0_i32 = arith.constant 0 : i32
    %c0_i32_0 = arith.constant 0 : i32
    %c0_i32_1 = arith.constant 0 : i32
    return %c0_i32, %c0_i32_0 : i32, i32
  }
  func.func @transform_7(%arg0: i32) -> (i32, i32) {
    %c0_i32 = arith.constant 0 : i32
    %c0_i32_0 = arith.constant 0 : i32
    %c0_i32_1 = arith.constant 0 : i32
    return %c0_i32, %c0_i32_0 : i32, i32
  }
  func.func @transform_8(%arg0: i32) -> (i32, i32) {
    %c0_i32 = arith.constant 0 : i32
    %c0_i32_0 = arith.constant 0 : i32
    %c0_i32_1 = arith.constant 0 : i32
    return %c0_i32, %c0_i32_0 : i32, i32
  }
  func.func @transform_9(%arg0: i32) -> (i32, i32) {
    %c0_i32 = arith.constant 0 : i32
    %c0_i32_0 = arith.constant 0 : i32
    %c0_i32_1 = arith.constant 0 : i32
    return %c0_i32, %c0_i32_0 : i32, i32
  }
  func.func @transform_10(%arg0: i32) -> (i32, i32) {
    %c0_i32 = arith.constant 0 : i32
    %c0_i32_0 = arith.constant 0 : i32
    %c0_i32_1 = arith.constant 0 : i32
    return %c0_i32, %c0_i32_0 : i32, i32
  }
  func.func @transform_11(%arg0: i32) -> (i32, i32) {
    %c0_i32 = arith.constant 0 : i32
    %c0_i32_0 = arith.constant 0 : i32
    %c0_i32_1 = arith.constant 0 : i32
    return %c0_i32, %c0_i32_0 : i32, i32
  }
}

</mosaic_0001>

<sc_bundles>
// kernel: kernel.10.cloned.1.call-start
scs
__scs_entry_jumppad:
0x0: {  	(pc) =	sbr.rel $0x88, $3  }
0x1: {  	(tag) =	ssettag $0x0;
	lr =	simm.s32 $0x1  }
0x2: {  	[smem:$0x3F88] =	sst lr;
	_ =	strace $0xD0000000  }
0x3: {  	_ = 	snop  }
0x4: {  	_ = 	snop  }
0x5: {  	_ = 	snop  }
0x6: {  	_ = 	snop  }
0x7: {  	_ = 	snop  }
__scs_overlays_trampoline_lowered:
0x8: {  	[smem:$0x3F97] =	sst s0  }
0x9: {  	[smem:$0x3F98] =	sst s1  }
0xa: {  	[smem:$0x3F99] =	sst s2  }
0xb: {  	[smem:$0x3F9A] =	sst s3  }
0xc: {  	[smem:$0x3F9B] =	sst s4  }
0xd: {  	[smem:$0x3F9C] =	sst s5  }
0xe: {  	[smem:$0x3F9D] =	sst s6  }
0xf: {  	[smem:$0x3F9E] =	sst s7  }
0x10: {  	[smem:$0x3F9F] =	sst s8  }
0x11: {  	[smem:$0x3FA0] =	sst s9;
	s0 =	simm.s32 @!p0 $0x0  }
0x12: {  	s1 =	sld [smem:$0x3F86];
	s0 =	simm.s32 @p0 $0x1  }
0x13: {  	[smem:$0x3FA1] =	sst s0;
	s0 =	simm.s32 @!p1 $0x0  }
0x14: {  	s2 =	sld [smem:$0x3F85];
	s0 =	simm.s32 @p1 $0x1  }
0x15: {  	[smem:$0x3FA2] =	sst s0;
	s0 =	simm.s32 @!p2 $0x0  }
0x16: {  	s3 =	sld [smem:$0x3FDB];
	s0 =	simm.s32 @p2 $0x1  }
0x17: {  	s4 =	simm.s32 $0x1BF5;
	[smem:$0x3FA4] =	sst s0  }
0x18: {  	s0 =	sld [smem:$0x3F87];
	_ =	swait.ge [sflag:s4], $0x0  }
0x19: {  	s7 =	sld [smem:$0x3F88]  }
0x1a: {  	s8 =	sadd.s32 $0xFFFFE003, lr  }
0x1b: {  	s9 =	sadd.s32 $0xFFFFFEF7, lr;
	s5 =	simm.s32 $0xFFFFFFFF;
	p2 =	slt.u32 s8, $0xFFFFF086  }
0x1c: {  	p1 =	slt.u32 s9, $0xF7A;
	s5 =	simm.s32 @!p2 $0x0  }
0x1d: {  	s5 =	simm.s32 @p1 $0x1;
	p0 =	seq.s32 s7, s2  }
0x1e: {  	s7 =	smul.u32 @!p0 $0xF7A, s2;
	p2 =	seq.s32 @!p0 s5, $0x0  }
0x1f: {  	s9 =	smul.u32 $0xF7A, s1;
	s8 =	simm.s32 @!p0 $0x1BF5;
	p2 =	por !p2, p0  }
0x20: {  	[sflag:s8] =	ssyncset.s32 @!p0 $0xFFFFF086;
	s6 =	sadd.s32 @!p0 s3, s7;
	s7 =	simm.s32 @!p0 $0x108  }
0x21: {  	s3 =	sadd.s32 s3, s9;
	s6 =	sadd.s32 @!p0 $0x88, s6;
	s7 =	simm.s32 @p2 $0x1082  }
0x22: {  	[simem:s7], [sflag:s8] =	dma.local @!p0 [hbm:s6], $0xF7A  }
0x23: {  	s9 =	sor.u32 $0xD0000000, s2;
	s6 =	simm.s32 $0x108;
	_ =	swait.ge @!p0 [sflag:s8], $0x0  }
0x24: {  	s3 =	sadd.s32 $0x88, s3;
	s6 =	simm.s32 @!p1 $0x1082;
	[sflag:s4] =	ssyncset.s32 $0xFFFFF086  }
0x25: {  	[simem:s6], [sflag:s4] =	dma.local [hbm:s3], $0xF7A  }
0x26: {  	[smem:$0x3F88] =	sst s1;
	(tag) =	ssettag s2;
	_ =	strace s9  }
0x27: {  	s1 =	sld [smem:$0x3F98]  }
0x28: {  	s2 =	sld [smem:$0x3F99]  }
0x29: {  	s4 =	sld [smem:$0x3F9B]  }
0x2a: {  	p0 =	seq.s32 s5, $0x0;
	s5 =	sld [smem:$0x3F9C]  }
0x2b: {  	s6 =	sld [smem:$0x3F9D]  }
0x2c: {  	s7 =	sld [smem:$0x3F9E]  }
0x2d: {  	s3 =	simm.s32 $0x108;
	s8 =	sld [smem:$0x3F9F]  }
0x2e: {  	s3 =	simm.s32 @!p0 $0x1082;
	s9 =	sld [smem:$0x3FA0]  }
0x2f: {  	lr =	sadd.s32 s0, s3;
	s0 =	sld [smem:$0x3F97]  }
0x30: {  	s3 =	sld [smem:$0x3F9A]  }
0x31: {  	[smem:$0x3FA3] =	sst s10  }
0x32: {  	s10 =	sld [smem:$0x3FA1];
	_ =	sdelay $0x3  }
0x33: {  	p0 =	seq.s32 s10, $0x1;
	s10 =	sld [smem:$0x3FA3];
	_ =	sdelay $0x3  }
0x34: {  	[smem:$0x3FA3] =	sst s10  }
0x35: {  	s10 =	sld [smem:$0x3FA2];
	_ =	sdelay $0x3  }
0x36: {  	p1 =	seq.s32 s10, $0x1;
	s10 =	sld [smem:$0x3FA3];
	_ =	sdelay $0x3  }
0x37: {  	[smem:$0x3FA3] =	sst s10  }
0x38: {  	s10 =	sld [smem:$0x3FA4]  }
0x39: {  	_ = 	snop;
	(pc) =	sbr.ind lr, $3  }
0x3a: {  	_ = 	snop  }
0x3b: {  	_ = 	snop  }
0x3c: {  	p2 =	seq.s32 s10, $0x1;
	s10 =	sld [smem:$0x3FA3]  }
0x3d: {  	_ =	shalt  }
0x3e: {  	_ =	shalt  }
0x3f: {  	_ =	shalt  }
0x40: {  	_ =	shalt  }
0x41: {  	_ =	shalt  }
0x42: {  	_ =	shalt  }
0x43: {  	_ =	shalt  }
0x44: {  	_ =	shalt  }
0x45: {  	_ =	shalt  }
0x46: {  	_ =	shalt  }
0x47: {  	_ =	shalt  }
0x48: {  	_ =	shalt  }
0x49: {  	_ =	shalt  }
0x4a: {  	_ =	shalt  }
0x4b: {  	_ =	shalt  }
0x4c: {  	_ =	shalt  }
0x4d: {  	_ =	shalt  }
0x4e: {  	_ =	shalt  }
0x4f: {  	_ =	shalt  }
0x50: {  	_ =	shalt  }
0x51: {  	_ =	shalt  }
0x52: {  	_ =	shalt  }
0x53: {  	_ =	shalt  }
0x54: {  	_ =	shalt  }
0x55: {  	_ =	shalt  }
0x56: {  	_ =	shalt  }
0x57: {  	_ =	shalt  }
0x58: {  	_ =	shalt  }
0x59: {  	_ =	shalt  }
0x5a: {  	_ =	shalt  }
0x5b: {  	_ =	shalt  }
0x5c: {  	_ =	shalt  }
0x5d: {  	_ =	shalt  }
0x5e: {  	_ =	shalt  }
0x5f: {  	_ =	shalt  }
0x60: {  	_ =	shalt  }
0x61: {  	_ =	shalt  }
0x62: {  	_ =	shalt  }
0x63: {  	_ =	shalt  }
0x64: {  	_ =	shalt  }
0x65: {  	_ =	shalt  }
0x66: {  	_ =	shalt  }
0x67: {  	_ =	shalt  }
0x68: {  	_ =	shalt  }
0x69: {  	_ =	shalt  }
0x6a: {  	_ =	shalt  }
0x6b: {  	_ =	shalt  }
0x6c: {  	_ =	shalt  }
0x6d: {  	_ =	shalt  }
0x6e: {  	_ =	shalt  }
0x6f: {  	_ =	shalt  }
0x70: {  	_ =	shalt  }
0x71: {  	_ =	shalt  }
0x72: {  	_ =	shalt  }
0x73: {  	_ =	shalt  }
0x74: {  	_ =	shalt  }
0x75: {  	_ =	shalt  }
0x76: {  	_ =	shalt  }
0x77: {  	_ =	shalt  }
0x78: {  	_ =	shalt  }
0x79: {  	_ =	shalt  }
0x7a: {  	_ =	shalt  }
0x7b: {  	_ =	shalt  }
0x7c: {  	_ =	shalt  }
0x7d: {  	_ =	shalt  }
0x7e: {  	_ =	shalt  }
0x7f: {  	_ =	shalt  }
0x80: {  	_ =	shalt  }
0x81: {  	_ =	shalt  }
0x82: {  	_ =	shalt  }
0x83: {  	_ =	shalt  }
0x84: {  	_ =	shalt  }
0x85: {  	_ =	shalt  }
0x86: {  	_ =	shalt  }
0x87: {  	_ =	shalt  }
.Lfunc_end0:
.L_simem_size_0:
called_computation.1_lowered:
.L_overlay_start_0:
0x88: {  	s2 =	sld [smem:$0x3FD9]  }
0x89: {  	s3 =	sld [smem:$0x3FFE];
	_ =	sdelay $0x1  }
0x8a: {  	s1 =	srdreg.scid  }
0x8b: {  	s0 =	sand.u32 $0x1, s1  }
0x8c: {  	s16 =	sshll.u32 s0, $0xA;
	s2 =	sadd.s32 s3, s2  }
0x8d: {  	s2 =	sadd.s32 s2, s16  }
0x8e: {  	[smem:$0x3FAF] =	sst s2  }
0x8f: {  	_ = 	snop  }
0x90: {  	(tm) =	ssettm $0x1  }
0x91: {  	s17 =	sld [smem:$0x3FFB];
	_ =	sdelay $0x3  }
0x92: {  	_ =	strace s17  }
0x93: {  	s2 =	sld [smem:$0x3FFC];
	_ =	sdelay $0x3  }
0x94: {  	_ =	strace s2  }
0x95: {  	s2 =	sld [smem:$0x3FFD];
	_ =	sdelay $0x3  }
0x96: {  	_ =	strace s2  }
0x97: {  	_ =	strace $0x8FFFFFFF  }
0x98: {  	s18 =	sld [smem:$0x3FDB];
	_ =	sdelay $0x1  }
0x99: {  	s19 =	simm.s32 $_scs_section_size  }
0x9a: {  	s4 =	simm.s32 $_size__tile_overlayer_lowered;
	s5 =	simm.s32 $_tile_overlayer_lowered  }
0x9b: {  	s22 =	simm.s32 $0x1BFF;
	s21 =	sshll.u32 s5, $0x1;
	s2 =	sadd.s32 s19, s18  }
0x9c: {  	s6 =	simm.s32 $0x0;
	s20 =	sshll.u32 s4, $0x1;
	s4 =	sadd.s32 s21, s2  }
0x9d: {  	[timem:s6], [sflag:s22] =	dma.local [hbm:s4], s20  }
0x9e: {  	_ =	swait.ge [sflag:s22], s20  }
0x9f: {  	s3 =	ssub.s32 $0x0, s20;
	[sflag:s22] =	ssyncset.done $0x0  }
0xa0: {  	[sflag:s22] =	ssyncadd.s32 s3;
	_ =	sdelay $0x1  }
0xa1: {  	s23 =	simm.s32 $0x1B8B  }
0xa2: {  	_ =	swait.ge [sflag:s23], $0x1  }
0xa3: {  	[sflag:s23] =	ssyncset.done $0x0  }
0xa4: {  	s25 =	simm.s32 $0x1B8E;
	s24 =	sld [smem:$0x3FFE];
	[sflag:s23] =	ssyncadd.s32 $0xFFFFFFFF  }
0xa5: {  	s26 =	simm.s32 $execute0_lowered;
	[smem:$0x3FD2] =	sst s25  }
0xa6: {  	s4 =	sshll.u32 s26, $0x1;
	_ =	strace $0x80000049;
	[dreg:$0x1] =	wrdreg $0xFFFFFFFF  }
0xa7: {  	s28 =	simm.s32 $_size_execute0_lowered;
	s2 =	sadd.s32 s2, s4;
	[dreg:$0x0] =	wrdreg $0x0  }
0xa8: {  	s4 =	sshll.u32 s28, $0x1;
	[dreg:$0x2] =	wrdreg s2  }
0xa9: {  	[dreg:$0x3] =	wrdreg s4  }
0xaa: {  	[dreg:$0x4] =	wrdreg $0xC0  }
0xab: {  	_ =	task [dreg:s6], $0x5FFFF  }
0xac: {  	[dreg:$0x1] =	wrdreg $0xFFFFFFFF  }
0xad: {  	[dreg:$0x0] =	wrdreg $0x60  }
0xae: {  	[dreg:$0x2] =	wrdreg s24  }
0xaf: {  	[dreg:$0x3] =	wrdreg $0x7B200  }
0xb0: {  	[dreg:$0x4] =	wrdreg $0x9  }
0xb1: {  	_ =	task.clear_ibuf [dreg:s6], $0x5FFFF;
	_ =	strace $0x90000049  }
0xb2: {  	s29 =	simm.s32 $0x9;
	_ =	strace $0x8000004B  }
0xb3: {  	_ =	swait.ge [sflag:s29], $0x1  }
0xb4: {  	[sflag:s29] =	ssyncadd.s32 $0xFFFFFFFF  }
0xb5: {  	_ =	strace $0x9000004B  }
0xb6: {  	_ =	sfence  }
0xb7: {  	s30 =	sld [smem:$0x0];
	_ =	sdelay $0x2  }
0xb8: {  	s31 =	sshll.u32 s1, $0xD;
	s1 =	sshrl.u32 s1, $0x2  }
0xb9: {  	s3 =	sand.u32 $0x4000, s31;
	s1 =	sadd.s32 s1, s30  }
0xba: {  	s0 =	sor.u32 s3, s0;
	s1 =	sshll.u32 s1, $0x11  }
0xbb: {  	s0 =	sor.u32 s1, s0  }
0xbc: {  	s0 =	sadd.s32 $0x8F2B, s0  }
0xbd: {  	[sflag:s0] =	ssyncadd.remote.s32 $0x1  }
0xbe: {  	_ =	sfence.sel $0xFFFF  }
0xbf: {  	[dreg:$0x0] =	wrdreg $0xFFFFFFFF;
	(pc) =	sbr.abs _section_cstart, $3  }
0xc0: {  	[dreg:$0x1] =	wrdreg $0xFFFFFFFF  }
0xc1: {  	_ =	task.clear_ibuf [dreg:s6], $0x2FFFF;
	_ =	strace $0x9FFFFFFF  }
0xc2: {  	(tm) =	ssettm $0x7FFFFFFF  }
0xc3: {  	_ =	shalt  }
tec
execute0_lowered:
.L_overlay_start_1:
0x0: {  	(tag) =	ssettag $0x1  }
0x1: {  	s5 =	rddreg [dreg:$0x0];
	s3 =	srdreg.scid  }
0x2: {  	s1 =	rddreg [dreg:$0x1];
	s6 =	sand.u32 $0x1, s3  }
0x3: {  	s3 =	stileid.u32;
	s7 =	smul.u32 $0x4E20, s6  }
0x4: {  	s0 =	rddreg [dreg:$0x2];
	s2 =	simm.s32 $0x0;
	s8 =	smul.u32 $0x9240, s3  }
0x5: {  	s15 =	simm.s32 $0x64A0;
	s16 =	simm.s32 $0x2;
	s9 =	smul.u32 $0x4920, s6  }
0x6: {  	[smem:$0x7FF] =	sst s2;
	s4 =	sadd.s32 $0x3000, s5;
	s11 =	smul.u32 $0x2490, s3  }
0x7: {  	_ =	strace $0x8000004A;
	s6 =	ssub.s32 $0x2, s6;
	s13 =	smul.u32 $0x4E2, s3  }
0x8: {  	s19 =	sshll.u32 s3, $0x6;
	s10 =	sshrl.u32 s6, $0x1;
	s7 =	sadd.s32 s7, s5  }
0x9: {  	s8 =	sshrl.u32 s8, $0x2;
	s9 =	sadd.s32 s9, s5;
	s10 =	ssub.s32 s6, s10  }
0xa: {  	s5 =	sadd.s32 s11, s1;
	s18 =	sshrl.u32 s11, $0x3;
	s31 =	sadd.s32 s8, s1  }
0xb: {  	s12 =	sadd.s32 $0x5B600, s7;
	s14 =	sadd.s32 $0x65400, s7;
	s17 =	sadd.s32 $0x6F200, s9  }
0xc: {  	s7 =	smax.u32 s10, $0x1;
	s8 =	simm.s32 $0x4E20;
	s9 =	simm.s32 $0x3  }
0xd: {  	s6 =	sadd.s32 $0x1680, s31;
	s10 =	sadd.s32 s13, s12;
	s11 =	sadd.s32 s13, s14  }
0xe: {  	s12 =	simm.s32 $0x2710;
	s13 =	simm.s32 $0x28;
	s14 =	simm.s32 $0x1  }
0xf: {  	v0 =	vimm.f32 $0.0e+00;
	s17 =	sadd.s32 s18, s17;
	s18 =	sor.u32 $0x1C03, s19;
	s19 =	sshrl.u32 s5, $0x3  }
.LBB2_1:
0x10: {  	s20 =	simm.s32 $0x0;
	s21 =	simm.s32 $0x240  }
.LBB2_2:
0x11: {  	p0 =	sne.s32 s21, $0x57C0;
	[tilespmem:s20+$0x4EA0] =	vst v0  }
0x12: {  	[tilespmem:s20+$0x4E20] =	vst v0  }
0x13: {  	[tilespmem:s20+$0x4E30] =	vst v0  }
0x14: {  	[tilespmem:s20+$0x4E40] =	vst v0  }
.Ltmp0:
0x15: {  	[tilespmem:s20+$0x4E50] =	vst v0;
	(pc) =	sbr.rel @p0 .LBB2_2-.Ltmp0, $4  }
0x16: {  	[tilespmem:s20+$0x4E60] =	vst v0  }
0x17: {  	[tilespmem:s20+$0x4E70] =	vst v0  }
0x18: {  	[tilespmem:s20+$0x4E80] =	vst v0  }
0x19: {  	[tilespmem:s20+$0x4E90] =	vst v0;
	s20 =	sshra.s32 s21, $0x2;
	s21 =	sadd.s32 $0x240, s21  }
0x1a: {  	[tilespmem:s20+$0x4EA0] =	vst v0  }
0x1b: {  	[tilespmem:s20+$0x4E20] =	vst v0  }
0x1c: {  	[tilespmem:s20+$0x4E30] =	vst v0  }
0x1d: {  	[tilespmem:s20+$0x4E40] =	vst v0  }
0x1e: {  	[tilespmem:s20+$0x4E50] =	vst v0  }
0x1f: {  	[tilespmem:s20+$0x4E60] =	vst v0  }
0x20: {  	[tilespmem:s20+$0x4E70] =	vst v0  }
0x21: {  	[tilespmem:s20+$0x4E80] =	vst v0  }
0x22: {  	[tilespmem:s20+$0x4E90] =	vst v0  }
0x23: {  	[spmem:s5] =	stream.linear.scatter [tilespmem:s8], [sflag:$0x3], $0x1680, $0x38;
	[tilespmem:$0x9FB0] =	vst v63  }
0x24: {  	_ =	swait.ge [sflag:s9], $0x1680  }
0x25: {  	[sflag:s9] =	ssyncset.done $0x0  }
0x26: {  	[sflag:s9] =	ssyncadd.s32 $0xFFFFE980  }
0x27: {  	[spmem:s6] =	stream.linear.scatter [tilespmem:s8], [sflag:$0x3], $0xE10, $0x38;
	[tilespmem:$0x9FB0] =	vst v63  }
0x28: {  	_ =	swait.ge [sflag:s9], $0xE10  }
0x29: {  	[sflag:s9] =	ssyncset.done $0x0  }
0x2a: {  	[sflag:s9] =	ssyncadd.s32 $0xFFFFF1F0  }
0x2b: {  	s26 =	simm.s32 $0x0;
	[bflag:$0x0] =	sbarrier.arrive $0xFFFF  }
0x2c: {  	[tilespmem:s26], [sflag:$0x3] =	stream.linear.gather [hbm4b:s10+s26], $0x2710, $0x38;
	[tilespmem:$0x9FB0] =	vst v63  }
0x2d: {  	_ =	swait.ge [sflag:s9], $0x2710  }
0x2e: {  	[sflag:s9] =	ssyncset.done $0x0  }
0x2f: {  	[sflag:s9] =	ssyncadd.s32 $0xFFFFD8F0  }
0x30: {  	[tilespmem:s12], [sflag:$0x3] =	stream.linear.gather [hbm4b:s11+s26], $0x2710, $0x38;
	[tilespmem:$0x9FB0] =	vst v63  }
0x31: {  	_ =	swait.ge [sflag:s9], $0x2710  }
0x32: {  	[sflag:s9] =	ssyncset.done $0x0  }
0x33: {  	s28 =	simm.s32 $0x0;
	[sflag:s9] =	ssyncadd.s32 $0xFFFFD8F0  }
0x34: {  	[tilespmem:s8], [sflag:$0x1] =	stream.indirect.gather [hbm4b:s4+s13], $0x90, s28, s13, $0xb8;
	[tilespmem:$0x9FB0] =	vst v63  }
0x35: {  	_ =	swait.ge [sflag:s14], $0x1680  }
0x36: {  	[sflag:s14] =	ssyncset.done $0x0  }
0x37: {  	s29 =	simm.s32 $0x28;
	[sflag:s14] =	ssyncadd.s32 $0xFFFFE980  }
0x38: {  	[tilespmem:s15], [sflag:$0x2] =	stream.indirect.gather [hbm4b:s4+s13], $0x90, s29, s13, $0xb8;
	[tilespmem:$0x9FB0] =	vst v63  }
0x39: {  	s30 =	simm.s32 $0x2710  }
0x3a: {  	[spmem:s1] =	stream.indirect.scatter.add.f32 [tilespmem:s8], [sflag:$0x3], $0x90, s30, s13, $0xb8;
	[tilespmem:$0x9FB0] =	vst v63  }
0x3b: {  	_ =	swait.ge [sflag:s9], $0x1680  }
0x3c: {  	[sflag:s9] =	ssyncset.done $0x0  }
0x3d: {  	[sflag:s9] =	ssyncadd.s32 $0xFFFFE980  }
0x3e: {  	_ =	swait.ge [sflag:s16], $0x1680  }
0x3f: {  	[sflag:s16] =	ssyncset.done $0x0  }
0x40: {  	s31 =	simm.s32 $0x2738;
	[sflag:s16] =	ssyncadd.s32 $0xFFFFE980  }
0x41: {  	[spmem:s1] =	stream.indirect.scatter.add.f32 [tilespmem:s15], [sflag:$0x3], $0x90, s31, s13, $0xb8;
	[tilespmem:$0x9FB0] =	vst v63  }
0x42: {  	_ =	swait.ge [sflag:s9], $0x1680  }
0x43: {  	s20 =	simm.s32 $0x140;
	s21 =	simm.s32 $0x280;
	[sflag:s9] =	ssyncset.done $0x0  }
.LBB2_4:
0x44: {  	s22 =	sshra.s32 s20, $0x2  }
0x45: {  	[sflag:s9] =	ssyncadd.s32 $0xFFFFE980;
	s20 =	smov.u32 s21;
	s23 =	sadd.s32 $0x140, s21  }
0x46: {  	[tilespmem:s8], [sflag:$0x1] =	stream.indirect.gather [hbm4b:s4+s13], $0x90, s22, s13, $0xb8;
	[tilespmem:$0x9FB0] =	vst v63  }
0x47: {  	p0 =	sne.s32 s21, $0x9B00;
	_ =	swait.ge [sflag:s14], $0x1680  }
0x48: {  	[sflag:s14] =	ssyncset.done $0x0  }
0x49: {  	s21 =	sadd.s32 $0x28, s22;
	[sflag:s14] =	ssyncadd.s32 $0xFFFFE980  }
0x4a: {  	[tilespmem:s15], [sflag:$0x2] =	stream.indirect.gather [hbm4b:s4+s13], $0x90, s21, s13, $0xb8;
	[tilespmem:$0x9FB0] =	vst v63  }
0x4b: {  	s21 =	sadd.s32 $0x2710, s22  }
0x4c: {  	[spmem:s1] =	stream.indirect.scatter.add.f32 [tilespmem:s8], [sflag:$0x3], $0x90, s21, s13, $0xb8;
	[tilespmem:$0x9FB0] =	vst v63  }
0x4d: {  	_ =	swait.ge [sflag:s9], $0x1680  }
0x4e: {  	[sflag:s9] =	ssyncset.done $0x0  }
0x4f: {  	[sflag:s9] =	ssyncadd.s32 $0xFFFFE980  }
0x50: {  	_ =	swait.ge [sflag:s16], $0x1680  }
.Ltmp1:
0x51: {  	[sflag:s16] =	ssyncset.done $0x0;
	(pc) =	sbr.rel @p0 .LBB2_4-.Ltmp1, $4  }
0x52: {  	s21 =	sadd.s32 $0x2738, s22;
	[sflag:s16] =	ssyncadd.s32 $0xFFFFE980  }
0x53: {  	[spmem:s1] =	stream.indirect.scatter.add.f32 [tilespmem:s15], [sflag:$0x3], $0x90, s21, s13, $0xb8;
	[tilespmem:$0x9FB0] =	vst v63  }
0x54: {  	_ =	swait.ge [sflag:s9], $0x1680  }
0x55: {  	s21 =	smov.u32 s23;
	[sflag:s9] =	ssyncset.done $0x0  }
0x56: {  	s20 =	sshra.s32 s20, $0x2;
	[sflag:s9] =	ssyncadd.s32 $0xFFFFE980  }
0x57: {  	[tilespmem:s8], [sflag:$0x1] =	stream.indirect.gather [hbm4b:s4+s13], $0x90, s20, s13, $0xb8;
	[tilespmem:$0x9FB0] =	vst v63  }
0x58: {  	_ =	swait.ge [sflag:s14], $0x1680  }
0x59: {  	[sflag:s14] =	ssyncset.done $0x0  }
0x5a: {  	s21 =	sadd.s32 $0x28, s20;
	[sflag:s14] =	ssyncadd.s32 $0xFFFFE980  }
0x5b: {  	[tilespmem:s15], [sflag:$0x2] =	stream.indirect.gather [hbm4b:s4+s13], $0x90, s21, s13, $0xb8;
	[tilespmem:$0x9FB0] =	vst v63  }
0x5c: {  	s31 =	sadd.s32 $0x2710, s20  }
0x5d: {  	[spmem:s1] =	stream.indirect.scatter.add.f32 [tilespmem:s8], [sflag:$0x3], $0x90, s31, s13, $0xb8;
	[tilespmem:$0x9FB0] =	vst v63  }
0x5e: {  	_ =	swait.ge [sflag:s9], $0x1680  }
0x5f: {  	[sflag:s9] =	ssyncset.done $0x0  }
0x60: {  	[sflag:s9] =	ssyncadd.s32 $0xFFFFE980  }
0x61: {  	_ =	swait.ge [sflag:s16], $0x1680  }
0x62: {  	[sflag:s16] =	ssyncset.done $0x0  }
0x63: {  	s20 =	sadd.s32 $0x2738, s20;
	[sflag:s16] =	ssyncadd.s32 $0xFFFFE980  }
0x64: {  	[spmem:s1] =	stream.indirect.scatter.add.f32 [tilespmem:s15], [sflag:$0x3], $0x90, s20, s13, $0xb8;
	[tilespmem:$0x9FB0] =	vst v63  }
0x65: {  	_ =	swait.ge [sflag:s9], $0x1680  }
0x66: {  	s2 =	sadd.s32 $0x1, s2;
	[sflag:s9] =	ssyncset.done $0x0  }
0x67: {  	p0 =	sne.s32 s2, s7;
	[sflag:s9] =	ssyncadd.s32 $0xFFFFE980  }
.Ltmp2:
0x68: {  	[bflag:$0x0] =	sbarrier.arrive $0xFFFF;
	(pc) =	sbr.rel @p0 .LBB2_1-.Ltmp2, $4  }
0x69: {  	[hbm:s17], [sflag:s18] =	dma.local [spmem:s19], $0x492  }
0x6a: {  	_ =	swait.ge [sflag:s9], $0x492  }
0x6b: {  	[sflag:s9] =	ssyncset.done $0x0  }
0x6c: {  	[sflag:s9] =	ssyncadd.s32 $0xFFFFFB6E  }
0x6d: {  	_ =	sfence.sel $0x180000  }
0x6e: {  	[bflag:$0x0] =	sbarrier.arrive $0xFFFF  }
0x6f: {  	p0 =	sne.s32 s3, $0x0;
	_ =	strace $0x9000004A  }
0x70: {  	s0 =	sadd.s32 @!p0 $0x100000, s0;
	[bflag:$0x2] =	sbarrier.arrive $0xFFFF  }
0x71: {  	[sflag:s0] =	ssyncadd.tile.s32 @!p0 $0x1;
	_ =	shalt  }
.Lfunc_end2:
_tile_overlayer_lowered:
.L_overlay_start_2:
0x72: {  	(tag) =	ssettag $0x2  }
0x73: {  	s0 =	rddreg [dreg:$0x0];
	s2 =	stileid.u32  }
0x74: {  	s1 =	rddreg [dreg:$0x1];
	p0 =	sne.s32 s2, $0x0  }
0x75: {  	s3 =	rddreg [dreg:$0x2];
	[bflag:$0x3] =	sbarrier.arrive $0xFFFF;
	s2 =	simm.s32 @!p0 $0x1C03  }
0x76: {  	[timem:s3], [sflag:s2] =	dma.local @!p0 [hbm:s0], s1  }
0x77: {  	s0 =	simm.s32 @!p0 $0x3  }
0x78: {  	_ =	swait.ge @!p0 [sflag:s0], s1  }
0x79: {  	s1 =	ssub.s32 @!p0 $0x0, s1;
	[sflag:s0] =	ssyncset.done @!p0 $0x0  }
0x7a: {  	[sflag:s0] =	ssyncadd.s32 @!p0 s1  }
0x7b: {  	[bflag:$0x3] =	sbarrier.arrive $0xFFFF  }
0x7c: {  	_ =	shalt  }

// kernel: kernel.7.cloned.1.call-start
scs
__scs_entry_jumppad:
0x0: {  	(pc) =	sbr.rel $0x88, $3  }
0x1: {  	(tag) =	ssettag $0x0;
	lr =	simm.s32 $0x1  }
0x2: {  	[smem:$0x3F88] =	sst lr;
	_ =	strace $0xD0000000  }
0x3: {  	_ = 	snop  }
0x4: {  	_ = 	snop  }
0x5: {  	_ = 	snop  }
0x6: {  	_ = 	snop  }
0x7: {  	_ = 	snop  }
__scs_overlays_trampoline_lowered:
0x8: {  	[smem:$0x3F97] =	sst s0  }
0x9: {  	[smem:$0x3F98] =	sst s1  }
0xa: {  	[smem:$0x3F99] =	sst s2  }
0xb: {  	[smem:$0x3F9A] =	sst s3  }
0xc: {  	[smem:$0x3F9B] =	sst s4  }
0xd: {  	[smem:$0x3F9C] =	sst s5  }
0xe: {  	[smem:$0x3F9D] =	sst s6  }
0xf: {  	[smem:$0x3F9E] =	sst s7  }
0x10: {  	[smem:$0x3F9F] =	sst s8  }
0x11: {  	[smem:$0x3FA0] =	sst s9;
	s0 =	simm.s32 @!p0 $0x0  }
0x12: {  	s1 =	sld [smem:$0x3F86];
	s0 =	simm.s32 @p0 $0x1  }
0x13: {  	[smem:$0x3FA1] =	sst s0;
	s0 =	simm.s32 @!p1 $0x0  }
0x14: {  	s2 =	sld [smem:$0x3F85];
	s0 =	simm.s32 @p1 $0x1  }
0x15: {  	[smem:$0x3FA2] =	sst s0;
	s0 =	simm.s32 @!p2 $0x0  }
0x16: {  	s3 =	sld [smem:$0x3FDB];
	s0 =	simm.s32 @p2 $0x1  }
0x17: {  	s4 =	simm.s32 $0x1BF5;
	[smem:$0x3FA4] =	sst s0  }
0x18: {  	s0 =	sld [smem:$0x3F87];
	_ =	swait.ge [sflag:s4], $0x0  }
0x19: {  	s7 =	sld [smem:$0x3F88]  }
0x1a: {  	s8 =	sadd.s32 $0xFFFFE003, lr  }
0x1b: {  	s9 =	sadd.s32 $0xFFFFFEF7, lr;
	s5 =	simm.s32 $0xFFFFFFFF;
	p2 =	slt.u32 s8, $0xFFFFF086  }
0x1c: {  	p1 =	slt.u32 s9, $0xF7A;
	s5 =	simm.s32 @!p2 $0x0  }
0x1d: {  	s5 =	simm.s32 @p1 $0x1;
	p0 =	seq.s32 s7, s2  }
0x1e: {  	s7 =	smul.u32 @!p0 $0xF7A, s2;
	p2 =	seq.s32 @!p0 s5, $0x0  }
0x1f: {  	s9 =	smul.u32 $0xF7A, s1;
	s8 =	simm.s32 @!p0 $0x1BF5;
	p2 =	por !p2, p0  }
0x20: {  	[sflag:s8] =	ssyncset.s32 @!p0 $0xFFFFF086;
	s6 =	sadd.s32 @!p0 s3, s7;
	s7 =	simm.s32 @!p0 $0x108  }
0x21: {  	s3 =	sadd.s32 s3, s9;
	s6 =	sadd.s32 @!p0 $0x88, s6;
	s7 =	simm.s32 @p2 $0x1082  }
0x22: {  	[simem:s7], [sflag:s8] =	dma.local @!p0 [hbm:s6], $0xF7A  }
0x23: {  	s9 =	sor.u32 $0xD0000000, s2;
	s6 =	simm.s32 $0x108;
	_ =	swait.ge @!p0 [sflag:s8], $0x0  }
0x24: {  	s3 =	sadd.s32 $0x88, s3;
	s6 =	simm.s32 @!p1 $0x1082;
	[sflag:s4] =	ssyncset.s32 $0xFFFFF086  }
0x25: {  	[simem:s6], [sflag:s4] =	dma.local [hbm:s3], $0xF7A  }
0x26: {  	[smem:$0x3F88] =	sst s1;
	(tag) =	ssettag s2;
	_ =	strace s9  }
0x27: {  	s1 =	sld [smem:$0x3F98]  }
0x28: {  	s2 =	sld [smem:$0x3F99]  }
0x29: {  	s4 =	sld [smem:$0x3F9B]  }
0x2a: {  	p0 =	seq.s32 s5, $0x0;
	s5 =	sld [smem:$0x3F9C]  }
0x2b: {  	s6 =	sld [smem:$0x3F9D]  }
0x2c: {  	s7 =	sld [smem:$0x3F9E]  }
0x2d: {  	s3 =	simm.s32 $0x108;
	s8 =	sld [smem:$0x3F9F]  }
0x2e: {  	s3 =	simm.s32 @!p0 $0x1082;
	s9 =	sld [smem:$0x3FA0]  }
0x2f: {  	lr =	sadd.s32 s0, s3;
	s0 =	sld [smem:$0x3F97]  }
0x30: {  	s3 =	sld [smem:$0x3F9A]  }
0x31: {  	[smem:$0x3FA3] =	sst s10  }
0x32: {  	s10 =	sld [smem:$0x3FA1];
	_ =	sdelay $0x3  }
0x33: {  	p0 =	seq.s32 s10, $0x1;
	s10 =	sld [smem:$0x3FA3];
	_ =	sdelay $0x3  }
0x34: {  	[smem:$0x3FA3] =	sst s10  }
0x35: {  	s10 =	sld [smem:$0x3FA2];
	_ =	sdelay $0x3  }
0x36: {  	p1 =	seq.s32 s10, $0x1;
	s10 =	sld [smem:$0x3FA3];
	_ =	sdelay $0x3  }
0x37: {  	[smem:$0x3FA3] =	sst s10  }
0x38: {  	s10 =	sld [smem:$0x3FA4]  }
0x39: {  	_ = 	snop;
	(pc) =	sbr.ind lr, $3  }
0x3a: {  	_ = 	snop  }
0x3b: {  	_ = 	snop  }
0x3c: {  	p2 =	seq.s32 s10, $0x1;
	s10 =	sld [smem:$0x3FA3]  }
0x3d: {  	_ =	shalt  }
0x3e: {  	_ =	shalt  }
0x3f: {  	_ =	shalt  }
0x40: {  	_ =	shalt  }
0x41: {  	_ =	shalt  }
0x42: {  	_ =	shalt  }
0x43: {  	_ =	shalt  }
0x44: {  	_ =	shalt  }
0x45: {  	_ =	shalt  }
0x46: {  	_ =	shalt  }
0x47: {  	_ =	shalt  }
0x48: {  	_ =	shalt  }
0x49: {  	_ =	shalt  }
0x4a: {  	_ =	shalt  }
0x4b: {  	_ =	shalt  }
0x4c: {  	_ =	shalt  }
0x4d: {  	_ =	shalt  }
0x4e: {  	_ =	shalt  }
0x4f: {  	_ =	shalt  }
0x50: {  	_ =	shalt  }
0x51: {  	_ =	shalt  }
0x52: {  	_ =	shalt  }
0x53: {  	_ =	shalt  }
0x54: {  	_ =	shalt  }
0x55: {  	_ =	shalt  }
0x56: {  	_ =	shalt  }
0x57: {  	_ =	shalt  }
0x58: {  	_ =	shalt  }
0x59: {  	_ =	shalt  }
0x5a: {  	_ =	shalt  }
0x5b: {  	_ =	shalt  }
0x5c: {  	_ =	shalt  }
0x5d: {  	_ =	shalt  }
0x5e: {  	_ =	shalt  }
0x5f: {  	_ =	shalt  }
0x60: {  	_ =	shalt  }
0x61: {  	_ =	shalt  }
0x62: {  	_ =	shalt  }
0x63: {  	_ =	shalt  }
0x64: {  	_ =	shalt  }
0x65: {  	_ =	shalt  }
0x66: {  	_ =	shalt  }
0x67: {  	_ =	shalt  }
0x68: {  	_ =	shalt  }
0x69: {  	_ =	shalt  }
0x6a: {  	_ =	shalt  }
0x6b: {  	_ =	shalt  }
0x6c: {  	_ =	shalt  }
0x6d: {  	_ =	shalt  }
0x6e: {  	_ =	shalt  }
0x6f: {  	_ =	shalt  }
0x70: {  	_ =	shalt  }
0x71: {  	_ =	shalt  }
0x72: {  	_ =	shalt  }
0x73: {  	_ =	shalt  }
0x74: {  	_ =	shalt  }
0x75: {  	_ =	shalt  }
0x76: {  	_ =	shalt  }
0x77: {  	_ =	shalt  }
0x78: {  	_ =	shalt  }
0x79: {  	_ =	shalt  }
0x7a: {  	_ =	shalt  }
0x7b: {  	_ =	shalt  }
0x7c: {  	_ =	shalt  }
0x7d: {  	_ =	shalt  }
0x7e: {  	_ =	shalt  }
0x7f: {  	_ =	shalt  }
0x80: {  	_ =	shalt  }
0x81: {  	_ =	shalt  }
0x82: {  	_ =	shalt  }
0x83: {  	_ =	shalt  }
0x84: {  	_ =	shalt  }
0x85: {  	_ =	shalt  }
0x86: {  	_ =	shalt  }
0x87: {  	_ =	shalt  }
.Lfunc_end0:
.L_simem_size_0:
called_computation_lowered:
.L_overlay_start_0:
0x88: {  	s2 =	sld [smem:$0x3FD9]  }
0x89: {  	s3 =	sld [smem:$0x3FFE];
	_ =	sdelay $0x1  }
0x8a: {  	s1 =	srdreg.scid  }
0x8b: {  	s0 =	sand.u32 $0x1, s1  }
0x8c: {  	s16 =	sshll.u32 s0, $0xA;
	s2 =	sadd.s32 s3, s2  }
0x8d: {  	s2 =	sadd.s32 s2, s16  }
0x8e: {  	[smem:$0x3FAF] =	sst s2  }
0x8f: {  	_ = 	snop  }
0x90: {  	(tm) =	ssettm $0x1  }
0x91: {  	s17 =	sld [smem:$0x3FFB];
	_ =	sdelay $0x3  }
0x92: {  	_ =	strace s17  }
0x93: {  	s2 =	sld [smem:$0x3FFC];
	_ =	sdelay $0x3  }
0x94: {  	_ =	strace s2  }
0x95: {  	s2 =	sld [smem:$0x3FFD];
	_ =	sdelay $0x3  }
0x96: {  	_ =	strace s2  }
0x97: {  	_ =	strace $0x8FFFFFFF  }
0x98: {  	s18 =	sld [smem:$0x3FDB];
	_ =	sdelay $0x1  }
0x99: {  	s19 =	simm.s32 $_scs_section_size  }
0x9a: {  	s4 =	simm.s32 $_size__tile_overlayer_lowered;
	s5 =	simm.s32 $_tile_overlayer_lowered  }
0x9b: {  	s22 =	simm.s32 $0x1BFF;
	s21 =	sshll.u32 s5, $0x1;
	s2 =	sadd.s32 s19, s18  }
0x9c: {  	s6 =	simm.s32 $0x0;
	s20 =	sshll.u32 s4, $0x1;
	s4 =	sadd.s32 s21, s2  }
0x9d: {  	[timem:s6], [sflag:s22] =	dma.local [hbm:s4], s20  }
0x9e: {  	_ =	swait.ge [sflag:s22], s20  }
0x9f: {  	s3 =	ssub.s32 $0x0, s20;
	[sflag:s22] =	ssyncset.done $0x0  }
0xa0: {  	[sflag:s22] =	ssyncadd.s32 s3;
	_ =	sdelay $0x1  }
0xa1: {  	s23 =	simm.s32 $0x1B8B  }
0xa2: {  	_ =	swait.ge [sflag:s23], $0x1  }
0xa3: {  	[sflag:s23] =	ssyncset.done $0x0  }
0xa4: {  	s25 =	simm.s32 $0x1B8E;
	s24 =	sld [smem:$0x3FFE];
	[sflag:s23] =	ssyncadd.s32 $0xFFFFFFFF  }
0xa5: {  	s26 =	simm.s32 $execute0_lowered;
	[smem:$0x3FD2] =	sst s25  }
0xa6: {  	s4 =	sshll.u32 s26, $0x1;
	_ =	strace $0x80000046;
	[dreg:$0x1] =	wrdreg $0xFFFFFFFF  }
0xa7: {  	s28 =	simm.s32 $_size_execute0_lowered;
	s2 =	sadd.s32 s2, s4;
	[dreg:$0x0] =	wrdreg $0x0  }
0xa8: {  	s4 =	sshll.u32 s28, $0x1;
	[dreg:$0x2] =	wrdreg s2  }
0xa9: {  	[dreg:$0x3] =	wrdreg s4  }
0xaa: {  	[dreg:$0x4] =	wrdreg $0xC0  }
0xab: {  	_ =	task [dreg:s6], $0x5FFFF  }
0xac: {  	[dreg:$0x1] =	wrdreg $0xFFFFFFFF  }
0xad: {  	[dreg:$0x0] =	wrdreg $0x60  }
0xae: {  	[dreg:$0x2] =	wrdreg s24  }
0xaf: {  	[dreg:$0x3] =	wrdreg $0x7B200  }
0xb0: {  	[dreg:$0x4] =	wrdreg $0x1DAB00  }
0xb1: {  	[dreg:$0x5] =	wrdreg $0x9  }
0xb2: {  	_ =	task.clear_ibuf [dreg:s6], $0x6FFFF;
	_ =	strace $0x90000046  }
0xb3: {  	s29 =	simm.s32 $0x9;
	_ =	strace $0x80000048  }
0xb4: {  	_ =	swait.ge [sflag:s29], $0x1  }
0xb5: {  	[sflag:s29] =	ssyncadd.s32 $0xFFFFFFFF  }
0xb6: {  	_ =	strace $0x90000048  }
0xb7: {  	_ =	sfence  }
0xb8: {  	s30 =	sld [smem:$0x0];
	_ =	sdelay $0x2  }
0xb9: {  	s31 =	sshll.u32 s1, $0xD;
	s1 =	sshrl.u32 s1, $0x2  }
0xba: {  	s3 =	sand.u32 $0x4000, s31;
	s1 =	sadd.s32 s1, s30  }
0xbb: {  	s0 =	sor.u32 s3, s0;
	s1 =	sshll.u32 s1, $0x11  }
0xbc: {  	s0 =	sor.u32 s1, s0  }
0xbd: {  	s0 =	sadd.s32 $0x8F2B, s0  }
0xbe: {  	[sflag:s0] =	ssyncadd.remote.s32 $0x1  }
0xbf: {  	_ =	sfence.sel $0xFFFF  }
0xc0: {  	[dreg:$0x0] =	wrdreg $0xFFFFFFFF;
	(pc) =	sbr.abs _section_cstart, $3  }
0xc1: {  	[dreg:$0x1] =	wrdreg $0xFFFFFFFF  }
0xc2: {  	_ =	task.clear_ibuf [dreg:s6], $0x2FFFF;
	_ =	strace $0x9FFFFFFF  }
0xc3: {  	(tm) =	ssettm $0x7FFFFFFF  }
tec
execute0_lowered:
.L_overlay_start_1:
0x0: {  	(tag) =	ssettag $0x1  }
0x1: {  	s0 =	rddreg [dreg:$0x0];
	s16 =	stileid.u32  }
0x2: {  	s1 =	rddreg [dreg:$0x1];
	s15 =	smul.u32 $0x57E40, s16  }
0x3: {  	s2 =	rddreg [dreg:$0x2];
	s12 =	smul.u32 $0x15F90, s16  }
0x4: {  	s4 =	srdreg.scid;
	s24 =	smul.u32 $0x4E2, s16  }
0x5: {  	s3 =	simm.s32 $0x0;
	s4 =	sand.u32 $0x1, s4;
	s13 =	smul.u32 $0x2490, s16  }
0x6: {  	[smem:$0x7FF] =	sst s3;
	s7 =	smul.u32 $0x4E20, s4  }
0x7: {  	s5 =	sadd.s32 $0x2F600, s0;
	s6 =	sadd.s32 $0x3600, s0;
	s8 =	smul.u32 $0x2BF20, s4  }
0x8: {  	_ =	strace $0x80000047;
	s10 =	smul.u32 $0x4920, s4;
	s4 =	ssub.s32 $0x2, s4  }
0x9: {  	s11 =	sshrl.u32 s4, $0x1;
	s30 =	sadd.s32 s13, s2;
	s9 =	sadd.s32 s7, s0  }
0xa: {  	s8 =	sadd.s32 s8, s0;
	s7 =	sshrl.u32 s15, $0x2;
	s0 =	sadd.s32 s10, s0  }
0xb: {  	s4 =	ssub.s32 s4, s11;
	s11 =	simm.s32 $0x1;
	s10 =	sadd.s32 s7, s1  }
0xc: {  	s7 =	sadd.s32 s12, s1;
	s14 =	sadd.s32 $0x79000, s9;
	s17 =	sadd.s32 $0x1680, s10  }
0xd: {  	s15 =	sadd.s32 $0x6F200, s9;
	s18 =	sadd.s32 $0x2D00, s10;
	[dreg:$0x4] =	wrdreg s17  }
0xe: {  	s8 =	sadd.s32 $0xEE000, s8;
	s19 =	sadd.s32 $0x4380, s10;
	[dreg:$0x5] =	wrdreg s18  }
0xf: {  	s0 =	sadd.s32 $0x82E00, s0;
	s20 =	sadd.s32 $0x5A00, s10;
	[dreg:$0x6] =	wrdreg s19  }
0x10: {  	s21 =	sadd.s32 $0x7080, s10;
	s22 =	sadd.s32 $0x8700, s10;
	[dreg:$0x7] =	wrdreg s20  }
0x11: {  	s23 =	sadd.s32 $0x9D80, s10;
	s14 =	sadd.s32 s24, s14;
	[dreg:$0x8] =	wrdreg s21  }
0x12: {  	s25 =	sadd.s32 s24, s15;
	s15 =	sshrl.u32 s12, $0x3;
	[dreg:$0x9] =	wrdreg s22  }
0x13: {  	s28 =	sadd.s32 $0x13B00, s10;
	s29 =	sadd.s32 $0x15180, s10;
	[dreg:$0xa] =	wrdreg s23  }
0x14: {  	s12 =	simm.s32 $0x64A0;
	s17 =	sadd.s32 $0x5B600, s9;
	[dreg:$0xb] =	wrdreg s14  }
0x15: {  	s9 =	sadd.s32 $0x65400, s9;
	[dreg:$0xc] =	wrdreg s25;
	s14 =	smul.u32 $0x9240, s16  }
0x16: {  	s19 =	sadd.s32 s15, s8;
	s16 =	sshrl.u32 s13, $0x3;
	s21 =	sadd.s32 $0xB400, s10  }
0x17: {  	s22 =	sadd.s32 $0xCA80, s10;
	s23 =	sadd.s32 $0xE100, s10;
	s25 =	sadd.s32 $0x10E00, s10  }
0x18: {  	s8 =	simm.s32 $0x3;
	s13 =	simm.s32 $0x2;
	s26 =	sadd.s32 s24, s17  }
0x19: {  	s18 =	sadd.s32 s24, s9;
	s20 =	sadd.s32 s16, s0;
	s24 =	sadd.s32 $0xF780, s10  }
0x1a: {  	s9 =	simm.s32 $0x2710;
	[dreg:$0xd] =	wrdreg s26;
	s17 =	sshrl.u32 s14, $0x2  }
0x1b: {  	s26 =	sadd.s32 $0x12480, s10;
	s10 =	simm.s32 $0x28;
	s0 =	sadd.s32 s17, s2  }
0x1c: {  	v0 =	vimm.f32 $0.0e+00;
	s31 =	sadd.s32 $0x1680, s0;
	s0 =	smax.u32 s4, $0x1;
	s4 =	simm.s32 $0x4E20  }
.LBB2_1:
0x1d: {  	s14 =	simm.s32 $0x0;
	s15 =	simm.s32 $0x240  }
.LBB2_2:
0x1e: {  	p0 =	sne.s32 s15, $0x57C0;
	[tilespmem:s14+$0x4EA0] =	vst v0  }
0x1f: {  	[tilespmem:s14+$0x4E20] =	vst v0  }
0x20: {  	[tilespmem:s14+$0x4E30] =	vst v0  }
0x21: {  	[tilespmem:s14+$0x4E40] =	vst v0  }
.Ltmp0:
0x22: {  	[tilespmem:s14+$0x4E50] =	vst v0;
	(pc) =	sbr.rel @p0 .LBB2_2-.Ltmp0, $4  }
0x23: {  	[tilespmem:s14+$0x4E60] =	vst v0  }
0x24: {  	[tilespmem:s14+$0x4E70] =	vst v0  }
0x25: {  	[tilespmem:s14+$0x4E80] =	vst v0  }
0x26: {  	[tilespmem:s14+$0x4E90] =	vst v0;
	s14 =	sshra.s32 s15, $0x2;
	s15 =	sadd.s32 $0x240, s15  }
0x27: {  	[tilespmem:s14+$0x4EA0] =	vst v0  }
0x28: {  	[tilespmem:s14+$0x4E20] =	vst v0  }
0x29: {  	[tilespmem:s14+$0x4E30] =	vst v0  }
0x2a: {  	[tilespmem:s14+$0x4E40] =	vst v0  }
0x2b: {  	[tilespmem:s14+$0x4E50] =	vst v0  }
0x2c: {  	[tilespmem:s14+$0x4E60] =	vst v0  }
0x2d: {  	[tilespmem:s14+$0x4E70] =	vst v0  }
0x2e: {  	[tilespmem:s14+$0x4E80] =	vst v0  }
0x2f: {  	[tilespmem:s14+$0x4E90] =	vst v0  }
0x30: {  	[spmem:s7] =	stream.linear.scatter [tilespmem:s4], [sflag:$0x3], $0x1680, $0x38;
	[tilespmem:$0x1FF40] =	vst v63  }
0x31: {  	_ =	swait.ge [sflag:s8], $0x1680  }
0x32: {  	[sflag:s8] =	ssyncset.done $0x0  }
0x33: {  	s16 =	rddreg [dreg:$0x4];
	[sflag:s8] =	ssyncadd.s32 $0xFFFFE980  }
0x34: {  	[spmem:s16] =	stream.linear.scatter [tilespmem:s4], [sflag:$0x3], $0x1680, $0x38;
	[tilespmem:$0x1FF40] =	vst v63  }
0x35: {  	_ =	swait.ge [sflag:s8], $0x1680  }
0x36: {  	[sflag:s8] =	ssyncset.done $0x0  }
0x37: {  	s17 =	rddreg [dreg:$0x5];
	[sflag:s8] =	ssyncadd.s32 $0xFFFFE980  }
0x38: {  	[spmem:s17] =	stream.linear.scatter [tilespmem:s4], [sflag:$0x3], $0x1680, $0x38;
	[tilespmem:$0x1FF40] =	vst v63  }
0x39: {  	_ =	swait.ge [sflag:s8], $0x1680  }
0x3a: {  	[sflag:s8] =	ssyncset.done $0x0  }
0x3b: {  	s15 =	rddreg [dreg:$0x6];
	[sflag:s8] =	ssyncadd.s32 $0xFFFFE980  }
0x3c: {  	[spmem:s15] =	stream.linear.scatter [tilespmem:s4], [sflag:$0x3], $0x1680, $0x38;
	[tilespmem:$0x1FF40] =	vst v63  }
0x3d: {  	_ =	swait.ge [sflag:s8], $0x1680  }
0x3e: {  	[sflag:s8] =	ssyncset.done $0x0  }
0x3f: {  	s16 =	rddreg [dreg:$0x7];
	[sflag:s8] =	ssyncadd.s32 $0xFFFFE980  }
0x40: {  	[spmem:s16] =	stream.linear.scatter [tilespmem:s4], [sflag:$0x3], $0x1680, $0x38;
	[tilespmem:$0x1FF40] =	vst v63  }
0x41: {  	_ =	swait.ge [sflag:s8], $0x1680  }
0x42: {  	[sflag:s8] =	ssyncset.done $0x0  }
0x43: {  	s17 =	rddreg [dreg:$0x8];
	[sflag:s8] =	ssyncadd.s32 $0xFFFFE980  }
0x44: {  	[spmem:s17] =	stream.linear.scatter [tilespmem:s4], [sflag:$0x3], $0x1680, $0x38;
	[tilespmem:$0x1FF40] =	vst v63  }
0x45: {  	_ =	swait.ge [sflag:s8], $0x1680  }
0x46: {  	[sflag:s8] =	ssyncset.done $0x0  }
0x47: {  	s15 =	rddreg [dreg:$0x9];
	[sflag:s8] =	ssyncadd.s32 $0xFFFFE980  }
0x48: {  	[spmem:s15] =	stream.linear.scatter [tilespmem:s4], [sflag:$0x3], $0x1680, $0x38;
	[tilespmem:$0x1FF40] =	vst v63  }
0x49: {  	_ =	swait.ge [sflag:s8], $0x1680  }
0x4a: {  	[sflag:s8] =	ssyncset.done $0x0  }
0x4b: {  	s16 =	rddreg [dreg:$0xa];
	[sflag:s8] =	ssyncadd.s32 $0xFFFFE980  }
0x4c: {  	[spmem:s16] =	stream.linear.scatter [tilespmem:s4], [sflag:$0x3], $0x1680, $0x38;
	[tilespmem:$0x1FF40] =	vst v63  }
0x4d: {  	_ =	swait.ge [sflag:s8], $0x1680  }
0x4e: {  	[sflag:s8] =	ssyncset.done $0x0  }
0x4f: {  	[sflag:s8] =	ssyncadd.s32 $0xFFFFE980  }
0x50: {  	[spmem:s21] =	stream.linear.scatter [tilespmem:s4], [sflag:$0x3], $0x1680, $0x38;
	[tilespmem:$0x1FF40] =	vst v63  }
0x51: {  	_ =	swait.ge [sflag:s8], $0x1680  }
0x52: {  	[sflag:s8] =	ssyncset.done $0x0  }
0x53: {  	[sflag:s8] =	ssyncadd.s32 $0xFFFFE980  }
0x54: {  	[spmem:s22] =	stream.linear.scatter [tilespmem:s4], [sflag:$0x3], $0x1680, $0x38;
	[tilespmem:$0x1FF40] =	vst v63  }
0x55: {  	_ =	swait.ge [sflag:s8], $0x1680  }
0x56: {  	[sflag:s8] =	ssyncset.done $0x0  }
0x57: {  	[sflag:s8] =	ssyncadd.s32 $0xFFFFE980  }
0x58: {  	[spmem:s23] =	stream.linear.scatter [tilespmem:s4], [sflag:$0x3], $0x1680, $0x38;
	[tilespmem:$0x1FF40] =	vst v63  }
0x59: {  	_ =	swait.ge [sflag:s8], $0x1680  }
0x5a: {  	[sflag:s8] =	ssyncset.done $0x0  }
0x5b: {  	[sflag:s8] =	ssyncadd.s32 $0xFFFFE980  }
0x5c: {  	[spmem:s24] =	stream.linear.scatter [tilespmem:s4], [sflag:$0x3], $0x1680, $0x38;
	[tilespmem:$0x1FF40] =	vst v63  }
0x5d: {  	_ =	swait.ge [sflag:s8], $0x1680  }
0x5e: {  	[sflag:s8] =	ssyncset.done $0x0  }
0x5f: {  	[sflag:s8] =	ssyncadd.s32 $0xFFFFE980  }
0x60: {  	[spmem:s25] =	stream.linear.scatter [tilespmem:s4], [sflag:$0x3], $0x1680, $0x38;
	[tilespmem:$0x1FF40] =	vst v63  }
0x61: {  	_ =	swait.ge [sflag:s8], $0x1680  }
0x62: {  	[sflag:s8] =	ssyncset.done $0x0  }
0x63: {  	[sflag:s8] =	ssyncadd.s32 $0xFFFFE980  }
0x64: {  	[spmem:s26] =	stream.linear.scatter [tilespmem:s4], [sflag:$0x3], $0x1680, $0x38;
	[tilespmem:$0x1FF40] =	vst v63  }
0x65: {  	_ =	swait.ge [sflag:s8], $0x1680  }
0x66: {  	[sflag:s8] =	ssyncset.done $0x0  }
0x67: {  	[sflag:s8] =	ssyncadd.s32 $0xFFFFE980  }
0x68: {  	[spmem:s28] =	stream.linear.scatter [tilespmem:s4], [sflag:$0x3], $0x1680, $0x38;
	[tilespmem:$0x1FF40] =	vst v63  }
0x69: {  	_ =	swait.ge [sflag:s8], $0x1680  }
0x6a: {  	[sflag:s8] =	ssyncset.done $0x0  }
0x6b: {  	[sflag:s8] =	ssyncadd.s32 $0xFFFFE980  }
0x6c: {  	[spmem:s29] =	stream.linear.scatter [tilespmem:s4], [sflag:$0x3], $0xE10, $0x38;
	[tilespmem:$0x1FF40] =	vst v63  }
0x6d: {  	_ =	swait.ge [sflag:s8], $0xE10  }
0x6e: {  	[sflag:s8] =	ssyncset.done $0x0  }
0x6f: {  	[sflag:s8] =	ssyncadd.s32 $0xFFFFF1F0  }
0x70: {  	[spmem:s30] =	stream.linear.scatter [tilespmem:s4], [sflag:$0x3], $0x1680, $0x38;
	[tilespmem:$0x1FF40] =	vst v63  }
0x71: {  	_ =	swait.ge [sflag:s8], $0x1680  }
0x72: {  	[sflag:s8] =	ssyncset.done $0x0  }
0x73: {  	[sflag:s8] =	ssyncadd.s32 $0xFFFFE980  }
0x74: {  	[spmem:s31] =	stream.linear.scatter [tilespmem:s4], [sflag:$0x3], $0xE10, $0x38;
	[tilespmem:$0x1FF40] =	vst v63  }
0x75: {  	_ =	swait.ge [sflag:s8], $0xE10  }
0x76: {  	[sflag:s8] =	ssyncset.done $0x0  }
0x77: {  	[sflag:s8] =	ssyncadd.s32 $0xFFFFF1F0  }
0x78: {  	[bflag:$0x0] =	sbarrier.arrive $0xFFFF  }
0x79: {  	s17 =	simm.s32 $0x0;
	s15 =	rddreg [dreg:$0xb]  }
0x7a: {  	[tilespmem:s17], [sflag:$0x3] =	stream.linear.gather [hbm4b:s15+s17], $0x2710, $0x38;
	[tilespmem:$0x1FF40] =	vst v63  }
0x7b: {  	_ =	swait.ge [sflag:s8], $0x2710  }
0x7c: {  	[sflag:s8] =	ssyncset.done $0x0  }
0x7d: {  	s16 =	rddreg [dreg:$0xc];
	[sflag:s8] =	ssyncadd.s32 $0xFFFFD8F0  }
0x7e: {  	[tilespmem:s9], [sflag:$0x3] =	stream.linear.gather [hbm4b:s16+s17], $0x2710, $0x38;
	[tilespmem:$0x1FF40] =	vst v63  }
0x7f: {  	_ =	swait.ge [sflag:s8], $0x2710  }
0x80: {  	[sflag:s8] =	ssyncset.done $0x0  }
0x81: {  	s17 =	simm.s32 $0x0;
	[sflag:s8] =	ssyncadd.s32 $0xFFFFD8F0  }
0x82: {  	[tilespmem:s4], [sflag:$0x1] =	stream.indirect.gather [hbm4b:s5+s10], $0x90, s17, s10, $0xb8;
	[tilespmem:$0x1FF40] =	vst v63  }
0x83: {  	_ =	swait.ge [sflag:s11], $0x1680  }
0x84: {  	[sflag:s11] =	ssyncset.done $0x0  }
0x85: {  	s15 =	simm.s32 $0x28;
	[sflag:s11] =	ssyncadd.s32 $0xFFFFE980  }
0x86: {  	[tilespmem:s12], [sflag:$0x2] =	stream.indirect.gather [hbm4b:s5+s10], $0x90, s15, s10, $0xb8;
	[tilespmem:$0x1FF40] =	vst v63  }
0x87: {  	s16 =	simm.s32 $0x2710  }
0x88: {  	[spmem:s1] =	stream.indirect.scatter.add.f32 [tilespmem:s4], [sflag:$0x3], $0x90, s16, s10, $0xb8;
	[tilespmem:$0x1FF40] =	vst v63  }
0x89: {  	_ =	swait.ge [sflag:s8], $0x1680  }
0x8a: {  	[sflag:s8] =	ssyncset.done $0x0  }
0x8b: {  	[sflag:s8] =	ssyncadd.s32 $0xFFFFE980  }
0x8c: {  	_ =	swait.ge [sflag:s13], $0x1680  }
0x8d: {  	[sflag:s13] =	ssyncset.done $0x0  }
0x8e: {  	s17 =	simm.s32 $0x2738;
	[sflag:s13] =	ssyncadd.s32 $0xFFFFE980  }
0x8f: {  	[spmem:s1] =	stream.indirect.scatter.add.f32 [tilespmem:s12], [sflag:$0x3], $0x90, s17, s10, $0xb8;
	[tilespmem:$0x1FF40] =	vst v63  }
0x90: {  	_ =	swait.ge [sflag:s8], $0x1680  }
0x91: {  	s14 =	simm.s32 $0x140;
	s15 =	simm.s32 $0x280;
	[sflag:s8] =	ssyncset.done $0x0  }
.LBB2_4:
0x92: {  	s16 =	sshra.s32 s14, $0x2  }
0x93: {  	[sflag:s8] =	ssyncadd.s32 $0xFFFFE980;
	s14 =	smov.u32 s15;
	s17 =	sadd.s32 $0x140, s15  }
0x94: {  	[tilespmem:s4], [sflag:$0x1] =	stream.indirect.gather [hbm4b:s5+s10], $0x90, s16, s10, $0xb8;
	[tilespmem:$0x1FF40] =	vst v63  }
0x95: {  	p0 =	sne.s32 s15, $0x9B00;
	_ =	swait.ge [sflag:s11], $0x1680  }
0x96: {  	[sflag:s11] =	ssyncset.done $0x0  }
0x97: {  	s15 =	sadd.s32 $0x28, s16;
	[sflag:s11] =	ssyncadd.s32 $0xFFFFE980  }
0x98: {  	[tilespmem:s12], [sflag:$0x2] =	stream.indirect.gather [hbm4b:s5+s10], $0x90, s15, s10, $0xb8;
	[tilespmem:$0x1FF40] =	vst v63  }
0x99: {  	s15 =	sadd.s32 $0x2710, s16  }
0x9a: {  	[spmem:s1] =	stream.indirect.scatter.add.f32 [tilespmem:s4], [sflag:$0x3], $0x90, s15, s10, $0xb8;
	[tilespmem:$0x1FF40] =	vst v63  }
0x9b: {  	_ =	swait.ge [sflag:s8], $0x1680  }
0x9c: {  	[sflag:s8] =	ssyncset.done $0x0  }
0x9d: {  	[sflag:s8] =	ssyncadd.s32 $0xFFFFE980  }
0x9e: {  	_ =	swait.ge [sflag:s13], $0x1680  }
.Ltmp1:
0x9f: {  	[sflag:s13] =	ssyncset.done $0x0;
	(pc) =	sbr.rel @p0 .LBB2_4-.Ltmp1, $4  }
0xa0: {  	s15 =	sadd.s32 $0x2738, s16;
	[sflag:s13] =	ssyncadd.s32 $0xFFFFE980  }
0xa1: {  	[spmem:s1] =	stream.indirect.scatter.add.f32 [tilespmem:s12], [sflag:$0x3], $0x90, s15, s10, $0xb8;
	[tilespmem:$0x1FF40] =	vst v63  }
0xa2: {  	_ =	swait.ge [sflag:s8], $0x1680  }
0xa3: {  	s15 =	smov.u32 s17;
	[sflag:s8] =	ssyncset.done $0x0  }
0xa4: {  	s14 =	sshra.s32 s14, $0x2;
	[sflag:s8] =	ssyncadd.s32 $0xFFFFE980  }
0xa5: {  	[tilespmem:s4], [sflag:$0x1] =	stream.indirect.gather [hbm4b:s5+s10], $0x90, s14, s10, $0xb8;
	[tilespmem:$0x1FF40] =	vst v63  }
0xa6: {  	_ =	swait.ge [sflag:s11], $0x1680  }
0xa7: {  	[sflag:s11] =	ssyncset.done $0x0  }
0xa8: {  	s15 =	sadd.s32 $0x28, s14;
	[sflag:s11] =	ssyncadd.s32 $0xFFFFE980  }
0xa9: {  	[tilespmem:s12], [sflag:$0x2] =	stream.indirect.gather [hbm4b:s5+s10], $0x90, s15, s10, $0xb8;
	[tilespmem:$0x1FF40] =	vst v63  }
0xaa: {  	s16 =	sadd.s32 $0x2710, s14  }
0xab: {  	[spmem:s1] =	stream.indirect.scatter.add.f32 [tilespmem:s4], [sflag:$0x3], $0x90, s16, s10, $0xb8;
	[tilespmem:$0x1FF40] =	vst v63  }
0xac: {  	_ =	swait.ge [sflag:s8], $0x1680  }
0xad: {  	[sflag:s8] =	ssyncset.done $0x0  }
0xae: {  	[sflag:s8] =	ssyncadd.s32 $0xFFFFE980  }
0xaf: {  	_ =	swait.ge [sflag:s13], $0x1680  }
0xb0: {  	[sflag:s13] =	ssyncset.done $0x0  }
0xb1: {  	s14 =	sadd.s32 $0x2738, s14;
	[sflag:s13] =	ssyncadd.s32 $0xFFFFE980  }
0xb2: {  	[spmem:s1] =	stream.indirect.scatter.add.f32 [tilespmem:s12], [sflag:$0x3], $0x90, s14, s10, $0xb8;
	[tilespmem:$0x1FF40] =	vst v63  }
0xb3: {  	_ =	swait.ge [sflag:s8], $0x1680  }
0xb4: {  	[sflag:s8] =	ssyncset.done $0x0  }
0xb5: {  	s17 =	simm.s32 $0x0;
	s16 =	rddreg [dreg:$0xd];
	[sflag:s8] =	ssyncadd.s32 $0xFFFFE980  }
0xb6: {  	[tilespmem:s17], [sflag:$0x3] =	stream.linear.gather [hbm4b:s16+s17], $0x2710, $0x38;
	[tilespmem:$0x1FF40] =	vst v63  }
0xb7: {  	_ =	swait.ge [sflag:s8], $0x2710  }
0xb8: {  	[sflag:s8] =	ssyncset.done $0x0  }
0xb9: {  	[sflag:s8] =	ssyncadd.s32 $0xFFFFD8F0  }
0xba: {  	[tilespmem:s9], [sflag:$0x3] =	stream.linear.gather [hbm4b:s18+s17], $0x2710, $0x38;
	[tilespmem:$0x1FF40] =	vst v63  }
0xbb: {  	_ =	swait.ge [sflag:s8], $0x2710  }
0xbc: {  	[sflag:s8] =	ssyncset.done $0x0  }
0xbd: {  	s17 =	simm.s32 $0x0;
	[sflag:s8] =	ssyncadd.s32 $0xFFFFD8F0  }
0xbe: {  	[tilespmem:s4], [sflag:$0x1] =	stream.indirect.gather [hbm4b:s6+s10], $0x90, s17, s10, $0xb8;
	[tilespmem:$0x1FF40] =	vst v63  }
0xbf: {  	_ =	swait.ge [sflag:s11], $0x1680  }
0xc0: {  	[sflag:s11] =	ssyncset.done $0x0  }
0xc1: {  	s15 =	simm.s32 $0x28;
	[sflag:s11] =	ssyncadd.s32 $0xFFFFE980  }
0xc2: {  	[tilespmem:s12], [sflag:$0x2] =	stream.indirect.gather [hbm4b:s6+s10], $0x90, s15, s10, $0xb8;
	[tilespmem:$0x1FF40] =	vst v63  }
0xc3: {  	s16 =	simm.s32 $0x2710  }
0xc4: {  	[spmem:s2] =	stream.indirect.scatter.add.f32 [tilespmem:s4], [sflag:$0x3], $0x90, s16, s10, $0xb8;
	[tilespmem:$0x1FF40] =	vst v63  }
0xc5: {  	_ =	swait.ge [sflag:s8], $0x1680  }
0xc6: {  	[sflag:s8] =	ssyncset.done $0x0  }
0xc7: {  	[sflag:s8] =	ssyncadd.s32 $0xFFFFE980  }
0xc8: {  	_ =	swait.ge [sflag:s13], $0x1680  }
0xc9: {  	[sflag:s13] =	ssyncset.done $0x0  }
0xca: {  	s17 =	simm.s32 $0x2738;
	[sflag:s13] =	ssyncadd.s32 $0xFFFFE980  }
0xcb: {  	[spmem:s2] =	stream.indirect.scatter.add.f32 [tilespmem:s12], [sflag:$0x3], $0x90, s17, s10, $0xb8;
	[tilespmem:$0x1FF40] =	vst v63  }
0xcc: {  	_ =	swait.ge [sflag:s8], $0x1680  }
0xcd: {  	s14 =	simm.s32 $0x140;
	s15 =	simm.s32 $0x280;
	[sflag:s8] =	ssyncset.done $0x0  }
.LBB2_6:
0xce: {  	s16 =	sshra.s32 s14, $0x2  }
0xcf: {  	[sflag:s8] =	ssyncadd.s32 $0xFFFFE980;
	s14 =	smov.u32 s15;
	s17 =	sadd.s32 $0x140, s15  }
0xd0: {  	[tilespmem:s4], [sflag:$0x1] =	stream.indirect.gather [hbm4b:s6+s10], $0x90, s16, s10, $0xb8;
	[tilespmem:$0x1FF40] =	vst v63  }
0xd1: {  	p0 =	sne.s32 s15, $0x9B00;
	_ =	swait.ge [sflag:s11], $0x1680  }
0xd2: {  	[sflag:s11] =	ssyncset.done $0x0  }
0xd3: {  	s15 =	sadd.s32 $0x28, s16;
	[sflag:s11] =	ssyncadd.s32 $0xFFFFE980  }
0xd4: {  	[tilespmem:s12], [sflag:$0x2] =	stream.indirect.gather [hbm4b:s6+s10], $0x90, s15, s10, $0xb8;
	[tilespmem:$0x1FF40] =	vst v63  }
0xd5: {  	s15 =	sadd.s32 $0x2710, s16  }
0xd6: {  	[spmem:s2] =	stream.indirect.scatter.add.f32 [tilespmem:s4], [sflag:$0x3], $0x90, s15, s10, $0xb8;
	[tilespmem:$0x1FF40] =	vst v63  }
0xd7: {  	_ =	swait.ge [sflag:s8], $0x1680  }
0xd8: {  	[sflag:s8] =	ssyncset.done $0x0  }
0xd9: {  	[sflag:s8] =	ssyncadd.s32 $0xFFFFE980  }
0xda: {  	_ =	swait.ge [sflag:s13], $0x1680  }
.Ltmp2:
0xdb: {  	[sflag:s13] =	ssyncset.done $0x0;
	(pc) =	sbr.rel @p0 .LBB2_6-.Ltmp2, $4  }
0xdc: {  	s15 =	sadd.s32 $0x2738, s16;
	[sflag:s13] =	ssyncadd.s32 $0xFFFFE980  }
0xdd: {  	[spmem:s2] =	stream.indirect.scatter.add.f32 [tilespmem:s12], [sflag:$0x3], $0x90, s15, s10, $0xb8;
	[tilespmem:$0x1FF40] =	vst v63  }
0xde: {  	_ =	swait.ge [sflag:s8], $0x1680  }
0xdf: {  	s15 =	smov.u32 s17;
	[sflag:s8] =	ssyncset.done $0x0  }
0xe0: {  	s14 =	sshra.s32 s14, $0x2;
	[sflag:s8] =	ssyncadd.s32 $0xFFFFE980  }
0xe1: {  	[tilespmem:s4], [sflag:$0x1] =	stream.indirect.gather [hbm4b:s6+s10], $0x90, s14, s10, $0xb8;
	[tilespmem:$0x1FF40] =	vst v63  }
0xe2: {  	_ =	swait.ge [sflag:s11], $0x1680  }
0xe3: {  	[sflag:s11] =	ssyncset.done $0x0  }
0xe4: {  	s15 =	sadd.s32 $0x28, s14;
	[sflag:s11] =	ssyncadd.s32 $0xFFFFE980  }
0xe5: {  	[tilespmem:s12], [sflag:$0x2] =	stream.indirect.gather [hbm4b:s6+s10], $0x90, s15, s10, $0xb8;
	[tilespmem:$0x1FF40] =	vst v63  }
0xe6: {  	s17 =	sadd.s32 $0x2710, s14  }
0xe7: {  	[spmem:s2] =	stream.indirect.scatter.add.f32 [tilespmem:s4], [sflag:$0x3], $0x90, s17, s10, $0xb8;
	[tilespmem:$0x1FF40] =	vst v63  }
0xe8: {  	_ =	swait.ge [sflag:s8], $0x1680  }
0xe9: {  	[sflag:s8] =	ssyncset.done $0x0  }
0xea: {  	[sflag:s8] =	ssyncadd.s32 $0xFFFFE980  }
0xeb: {  	_ =	swait.ge [sflag:s13], $0x1680  }
0xec: {  	[sflag:s13] =	ssyncset.done $0x0  }
0xed: {  	s14 =	sadd.s32 $0x2738, s14;
	[sflag:s13] =	ssyncadd.s32 $0xFFFFE980  }
0xee: {  	[spmem:s2] =	stream.indirect.scatter.add.f32 [tilespmem:s12], [sflag:$0x3], $0x90, s14, s10, $0xb8;
	[tilespmem:$0x1FF40] =	vst v63  }
0xef: {  	_ =	swait.ge [sflag:s8], $0x1680  }
0xf0: {  	s15 =	stileid.u32;
	[sflag:s8] =	ssyncset.done $0x0  }
0xf1: {  	s14 =	sshll.u32 s15, $0x6;
	[sflag:s8] =	ssyncadd.s32 $0xFFFFE980  }
0xf2: {  	s16 =	sshrl.u32 s7, $0x3;
	s14 =	sor.u32 $0x1C03, s14;
	[bflag:$0x0] =	sbarrier.arrive $0xFFFF  }
0xf3: {  	[hbm:s19], [sflag:s14] =	dma.local [spmem:s16], $0x2BF2  }
0xf4: {  	s3 =	sadd.s32 $0x1, s3;
	_ =	swait.ge [sflag:s8], $0x2BF2  }
0xf5: {  	p0 =	sne.s32 s3, s0;
	[sflag:s8] =	ssyncset.done $0x0  }
.Ltmp3:
0xf6: {  	s17 =	sshrl.u32 s30, $0x3;
	[sflag:s8] =	ssyncadd.s32 $0xFFFFD40E;
	(pc) =	sbr.rel @p0 .LBB2_1-.Ltmp3, $4  }
0xf7: {  	[hbm:s20], [sflag:s14] =	dma.local [spmem:s17], $0x492  }
0xf8: {  	_ =	swait.ge [sflag:s8], $0x492  }
0xf9: {  	[sflag:s8] =	ssyncset.done $0x0  }
0xfa: {  	[sflag:s8] =	ssyncadd.s32 $0xFFFFFB6E  }
0xfb: {  	_ =	sfence.sel $0x180000  }
0xfc: {  	[bflag:$0x0] =	sbarrier.arrive $0xFFFF  }
0xfd: {  	_ =	strace $0x90000047  }
0xfe: {  	s0 =	stileid.u32;
	[bflag:$0x2] =	sbarrier.arrive $0xFFFF  }
0xff: {  	p0 =	sne.s32 s0, $0x0;
	s0 =	rddreg [dreg:$0x3]  }
0x100: {  	s0 =	sadd.s32 @!p0 $0x100000, s0  }
0x101: {  	[sflag:s0] =	ssyncadd.tile.s32 @!p0 $0x1;
	_ =	shalt  }
.Lfunc_end2:
_tile_overlayer_lowered:
.L_overlay_start_2:
0x102: {  	(tag) =	ssettag $0x2  }
0x103: {  	s0 =	rddreg [dreg:$0x0];
	s2 =	stileid.u32  }
0x104: {  	s1 =	rddreg [dreg:$0x1];
	p0 =	sne.s32 s2, $0x0  }
0x105: {  	s3 =	rddreg [dreg:$0x2];
	[bflag:$0x3] =	sbarrier.arrive $0xFFFF;
	s2 =	simm.s32 @!p0 $0x1C03  }
0x106: {  	[timem:s3], [sflag:s2] =	dma.local @!p0 [hbm:s0], s1  }
0x107: {  	s0 =	simm.s32 @!p0 $0x3  }
0x108: {  	_ =	swait.ge @!p0 [sflag:s0], s1  }
0x109: {  	s1 =	ssub.s32 @!p0 $0x0, s1;
	[sflag:s0] =	ssyncset.done @!p0 $0x0  }
0x10a: {  	[sflag:s0] =	ssyncadd.s32 @!p0 s1  }
0x10b: {  	[bflag:$0x3] =	sbarrier.arrive $0xFFFF  }
0x10c: {  	_ =	shalt  }

</sc_bundles>
